<compile_context>
chip_gen: v7x
topology: tpu7x:2x2x1
jax: 0.10.2.dev20260603
libtpu: 0.0.44.dev20260713+nightly
codegen_flags: <defaults>
</compile_context>

<pallas_src>
import functools

import jax
import jax.numpy as jnp
from jax import lax
from jax.experimental import pallas as pl
from jax.experimental.pallas import tpu as pltpu
from jax.experimental.pallas import tpu_sc as plsc

N = 10000
E = 320000
D = 128
DH = D // 2

NC = 2
NS = 16
NW = NC * NS
K = 128
NPAD = 10240
RPS = NPAD // NS
ESUB = E // NS
CHS = -(-ESUB // K)
TAIL = ESUB - (CHS - 1) * K
NBUF = 5

_mesh = plsc.VectorSubcoreMesh(core_axis_name="c", subcore_axis_name="s")



EW = E // NW


@functools.partial(
    pl.kernel,
    out_type=jax.ShapeDtypeStruct((NW, NPAD), jnp.float32),
    mesh=_mesh,
    scratch_types=[
        pltpu.VMEM((EW,), jnp.int32),
        pltpu.VMEM((NPAD,), jnp.float32),
    ],
    compiler_params=pltpu.CompilerParams(needs_layout_passes=False),
)
def _deg_kernel(edges_hbm, zeros_hbm, deg_hbm, idx_v, acc_v):
    c = lax.axis_index("c")
    s = lax.axis_index("s")
    wid = s * NC + c
    pltpu.sync_copy(zeros_hbm, acc_v)
    pltpu.sync_copy(edges_hbm.at[pl.ds(E + wid * EW, EW)], idx_v)
    ones = jnp.full((16,), 1.0, jnp.float32)

    def body(i, carry):
        ids = idx_v[pl.ds(pl.multiple_of(i * 16, 16), 16)]
        plsc.addupdate_scatter(acc_v, [ids], ones)
        return carry

    lax.fori_loop(0, EW // 16, body, 0)
    pltpu.sync_copy(acc_v, deg_hbm.at[wid])



IB = 10
GL = 2
IL = 4


@functools.partial(
    pl.kernel,
    out_type=jax.ShapeDtypeStruct((NPAD, D), jnp.float32),
    mesh=_mesh,
    scratch_types=[
        pltpu.VMEM((IB, K), jnp.int32),
        pltpu.VMEM((IB, K), jnp.int32),
        pltpu.VMEM((NBUF, K, DH), jnp.float32),
        pltpu.VMEM_SHARED((NPAD, DH), jnp.float32),
        pltpu.VMEM_SHARED((NPAD, DH), jnp.float32),
        pltpu.SemaphoreType.DMA((IB,)),
        pltpu.SemaphoreType.DMA((NBUF,)),
        pltpu.SemaphoreType.DMA((NBUF,)),
    ],
    compiler_params=pltpu.CompilerParams(use_tc_tiling_on_sc=False),
)
def _agg_kernel(y_hbm, edges_hbm, safe_src, safe_dst, parts_hbm,
                sidx_v, didx_v, rows_v, y_sh, acc_sh, isem, gsem, ssem):
    c = lax.axis_index("c")
    s = lax.axis_index("s")
    col0 = pl.multiple_of(c * DH, 8)
    row0 = pl.multiple_of(s * RPS, 8)
    ebase = pl.multiple_of(s * ESUB, 8)
    pltpu.sync_copy(y_hbm.at[pl.ds(row0, RPS), pl.ds(col0, DH)],
                    y_sh.at[pl.ds(row0, RPS)])
    pltpu.sync_copy(y_hbm.at[pl.ds(row0, RPS), pl.ds(col0, DH)],
                    acc_sh.at[pl.ds(row0, RPS)])
    plsc.subcore_barrier()

    def fire_idx(jj):
        bi = jj % IB if isinstance(jj, int) else lax.rem(jj, IB)
        soff = ebase + jj * K
        doff = E + ebase + jj * K
        if isinstance(jj, int):
            pltpu.async_copy(edges_hbm.at[pl.ds(soff, K)], sidx_v.at[bi], isem.at[bi])
            pltpu.async_copy(edges_hbm.at[pl.ds(doff, K)], didx_v.at[bi], isem.at[bi])
            return

        @pl.when(jj == CHS - 1)
        def _tail():
            pltpu.sync_copy(safe_src, sidx_v.at[bi])
            pltpu.sync_copy(safe_dst, didx_v.at[bi])
            pltpu.async_copy(edges_hbm.at[pl.ds(soff, TAIL)],
                             sidx_v.at[bi, pl.ds(0, TAIL)], isem.at[bi])
            pltpu.async_copy(edges_hbm.at[pl.ds(doff, TAIL)],
                             didx_v.at[bi, pl.ds(0, TAIL)], isem.at[bi])

        @pl.when(jj != CHS - 1)
        def _full():
            pltpu.async_copy(edges_hbm.at[pl.ds(soff, K)], sidx_v.at[bi], isem.at[bi])
            pltpu.async_copy(edges_hbm.at[pl.ds(doff, K)], didx_v.at[bi], isem.at[bi])

    def wait_idx(jj):
        bi = jj % IB if isinstance(jj, int) else lax.rem(jj, IB)
        if isinstance(jj, int):
            pltpu.make_async_copy(edges_hbm.at[pl.ds(0, K)], sidx_v.at[bi], isem.at[bi]).wait()
            pltpu.make_async_copy(edges_hbm.at[pl.ds(0, K)], didx_v.at[bi], isem.at[bi]).wait()
            return

        @pl.when(jj == CHS - 1)
        def _tail():
            pltpu.make_async_copy(edges_hbm.at[pl.ds(0, TAIL)],
                                  sidx_v.at[bi, pl.ds(0, TAIL)], isem.at[bi]).wait()
            pltpu.make_async_copy(edges_hbm.at[pl.ds(0, TAIL)],
                                  didx_v.at[bi, pl.ds(0, TAIL)], isem.at[bi]).wait()

        @pl.when(jj != CHS - 1)
        def _full():
            pltpu.make_async_copy(edges_hbm.at[pl.ds(0, K)], sidx_v.at[bi], isem.at[bi]).wait()
            pltpu.make_async_copy(edges_hbm.at[pl.ds(0, K)], didx_v.at[bi], isem.at[bi]).wait()

    def fire_gather(jj):
        bi = lax.rem(jj, IB)
        bg = lax.rem(jj, NBUF)
        pltpu.async_copy(y_sh.at[sidx_v.at[bi]], rows_v.at[bg], gsem.at[bg])

    for jj in range(IL):
        fire_idx(jj)
    for jj in range(GL):
        wait_idx(jj)
        fire_gather(jj)

    def step(j, carry):
        b = lax.rem(j, NBUF)
        pltpu.make_async_copy(y_sh.at[sidx_v.at[0]], rows_v.at[b], gsem.at[b]).wait()
        pltpu.async_copy(rows_v.at[b], acc_sh.at[didx_v.at[lax.rem(j, IB)]],
                         ssem.at[b], add=True)

        @pl.when(j + IL < CHS)
        def _idx():
            fire_idx(j + IL)

        @pl.when(j + GL < CHS)
        def _gather():
            @pl.when(j + GL - NBUF >= 0)
            def _drain():
                bq = lax.rem(j + GL, NBUF)
                pltpu.make_async_copy(
                    rows_v.at[bq], acc_sh.at[didx_v.at[0]], ssem.at[bq]).wait()
            wait_idx(j + GL)
            fire_gather(j + GL)
        return carry

    lax.fori_loop(0, CHS, step, 0)
    for j in range(CHS - NBUF, CHS):
        b = j % NBUF
        pltpu.make_async_copy(rows_v.at[b], acc_sh.at[didx_v.at[0]], ssem.at[b]).wait()
    plsc.subcore_barrier()
    pltpu.sync_copy(acc_sh.at[pl.ds(row0, RPS)],
                    parts_hbm.at[pl.ds(row0, RPS), pl.ds(col0, DH)])



_BLK = 1280


def _tc1_body(parts_ref, x_ref, w_ref, y_ref, dis_ref):
    deg = jnp.sum(parts_ref[...], axis=0) + 1.0
    dis = lax.rsqrt(deg)
    y = jnp.dot(x_ref[...], w_ref[...], preferred_element_type=jnp.float32)
    y_ref[...] = y * dis[:, None]
    dis_ref[...] = dis[:, None]


def _tc1(deg_parts, x_pad, W1):
    return pl.pallas_call(
        _tc1_body,
        grid=(NPAD // _BLK,),
        in_specs=[
            pl.BlockSpec((NW, _BLK), lambda i: (0, i)),
            pl.BlockSpec((_BLK, D), lambda i: (i, 0)),
            pl.BlockSpec((D, D), lambda i: (0, 0)),
        ],
        out_specs=[
            pl.BlockSpec((_BLK, D), lambda i: (i, 0)),
            pl.BlockSpec((_BLK, 1), lambda i: (i, 0)),
        ],
        out_shape=[
            jax.ShapeDtypeStruct((NPAD, D), jnp.float32),
            jax.ShapeDtypeStruct((NPAD, 1), jnp.float32),
        ],
    )(deg_parts, x_pad, W1)


def _tc2_body(agg_ref, dis_ref, b_ref, w_ref, y2_ref):
    dis = dis_ref[...]
    h = jnp.maximum(agg_ref[...] * dis + b_ref[...][None, :], 0.0)
    y2 = jnp.dot(h, w_ref[...], preferred_element_type=jnp.float32)
    y2_ref[...] = y2 * dis


def _tc2(agg, dis, b1, W2):
    return pl.pallas_call(
        _tc2_body,
        grid=(NPAD // _BLK,),
        in_specs=[
            pl.BlockSpec((_BLK, D), lambda i: (i, 0)),
            pl.BlockSpec((_BLK, 1), lambda i: (i, 0)),
            pl.BlockSpec((D,), lambda i: (0,)),
            pl.BlockSpec((D, D), lambda i: (0, 0)),
        ],
        out_specs=pl.BlockSpec((_BLK, D), lambda i: (i, 0)),
        out_shape=jax.ShapeDtypeStruct((NPAD, D), jnp.float32),
    )(agg, dis, b1, W2)


def _tc3_body(agg_ref, dis_ref, b_ref, o_ref):
    o_ref[...] = jnp.maximum(
        agg_ref[...] * dis_ref[...] + b_ref[...][None, :], 0.0)


def _tc3(agg, dis, b2):
    return pl.pallas_call(
        _tc3_body,
        grid=(NPAD // _BLK,),
        in_specs=[
            pl.BlockSpec((_BLK, D), lambda i: (i, 0)),
            pl.BlockSpec((_BLK, 1), lambda i: (i, 0)),
            pl.BlockSpec((D,), lambda i: (0,)),
        ],
        out_specs=pl.BlockSpec((_BLK, D), lambda i: (i, 0)),
        out_shape=jax.ShapeDtypeStruct((N, D), jnp.float32),
    )(agg, dis, b2)



def kernel(x, edge_index, W1, b1, W2, b2):
    edges = edge_index.reshape(2 * E)
    zeros_row = jnp.zeros((NPAD,), jnp.float32)
    safe_src = jnp.zeros((K,), jnp.int32)
    safe_dst = jnp.full((K,), N, jnp.int32)

    deg_parts = _deg_kernel(edges, zeros_row)
    y1, dis = _tc1(deg_parts, x, W1)
    agg1 = _agg_kernel(y1, edges, safe_src, safe_dst)
    y2 = _tc2(agg1, dis, b1, W2)
    agg2 = _agg_kernel(y2, edges, safe_src, safe_dst)
    return _tc3(agg2, dis, b2)

# --- scband reference (transcript-rebuilt; emitter-appended) ---
"""Pipeline reference for scband-temporal-gcn-19902878450282 (READ-ONLY COPY).

The authoritative reference and input builder live on the scoring server;
editing this copy changes nothing except your own understanding.
"""

import jax, jax.numpy as jnp
import numpy as np

N = 10000
E = 320000
D_IN = 128
D_H = 128


def _glorot(key, fan_in, fan_out):
    scale = jnp.sqrt(6.0 / (fan_in + fan_out))
    return jax.random.uniform(key, (fan_in, fan_out), dtype=jnp.float32, minval=-scale, maxval=scale)


def setup_inputs(seed: int = 0) -> dict:
    key = jax.random.key(seed)
    k1, k2, k3, k4 = jax.random.split(key, 4)
    x = jax.random.normal(k1, (N, D_IN), dtype=jnp.float32)
    edge_index = jax.random.randint(k2, (2, E), 0, N, dtype=jnp.int32)
    W1 = _glorot(k3, D_IN, D_H)
    b1 = jnp.zeros((D_H,), dtype=jnp.float32)
    W2 = _glorot(k4, D_H, D_H)
    b2 = jnp.zeros((D_H,), dtype=jnp.float32)
    return {"x": x, "edge_index": edge_index, "W1": W1, "b1": b1, "W2": W2, "b2": b2}


def _gcn_conv(h, edge_index, W, b):
    # PyG GCNConv: add self-loops, symmetric normalization, linear transform, scatter-add aggregate, bias.
    src = edge_index[0]
    dst = edge_index[1]
    loop = jnp.arange(N, dtype=src.dtype)
    s = jnp.concatenate([src, loop], axis=0)
    d = jnp.concatenate([dst, loop], axis=0)
    deg = jnp.zeros((N,), dtype=h.dtype).at[d].add(1.0)
    deg_inv_sqrt = jnp.where(deg > 0, 1.0 / jnp.sqrt(jnp.where(deg > 0, deg, 1.0)), 0.0)
    norm = deg_inv_sqrt[s] * deg_inv_sqrt[d]
    hW = h @ W
    msg = hW[s] * norm[:, None]
    out = jnp.zeros((N, W.shape[1]), dtype=h.dtype).at[d].add(msg)
    return out + b


def reference(x, edge_index, W1, b1, W2, b2):
    h = jax.nn.relu(_gcn_conv(x, edge_index, W1, b1))
    h = jax.nn.relu(_gcn_conv(h, edge_index, W2, b2))
    return h

if __name__ == "__main__":
    import jax
    _d = setup_inputs()
    print(jax.jit(kernel)(*tuple(_d.values())))

</pallas_src>

<mosaic_0001>
#map = affine_map<(d0, d1) -> (0, 0)>
#map1 = affine_map<(d0, d1) -> (0)>
module attributes {stable_mosaic.version = 14 : i64} {
  func.func @_agg_kernel(%arg0: i32, %arg1: i32, %arg2: memref<10240x128xf32, #tpu.memory_space<hbm>>, %arg3: memref<640000xi32, #tpu.memory_space<hbm>>, %arg4: memref<128xi32, #tpu.memory_space<hbm>>, %arg5: memref<128xi32, #tpu.memory_space<hbm>>, %arg6: memref<10240x128xf32, #tpu.memory_space<hbm>>, %arg7: memref<10x128xi32, #tpu.memory_space<vmem>>, %arg8: memref<10x128xi32, #tpu.memory_space<vmem>>, %arg9: memref<5x128x64xf32, #tpu.memory_space<vmem>>, %arg10: memref<10240x64xf32, #tpu.memory_space<vmem_shared>>, %arg11: memref<10240x64xf32, #tpu.memory_space<vmem_shared>>, %arg12: memref<10x!tpu.dma_semaphore, #tpu.memory_space<semaphore_mem>>, %arg13: memref<5x!tpu.dma_semaphore, #tpu.memory_space<semaphore_mem>>, %arg14: memref<5x!tpu.dma_semaphore, #tpu.memory_space<semaphore_mem>>) attributes {dimension_semantics = [#tpu.dimension_semantics<core_parallel>, #tpu.dimension_semantics<subcore_parallel>], iteration_bounds = array<i64: 2, 16>, scalar_prefetch = 0 : i64, scratch_operands = 8 : i64, tpu.core_type = #tpu.core_type<sc_vector_subcore>, window_params = [{transform_indices = #map}, {transform_indices = #map1}, {transform_indices = #map1}, {transform_indices = #map1}, {transform_indices = #map}]} {
    %mul3A = arith.constant 64 : i32
    %mul3A_0 = arith.muli %arg0, %mul3A : i32
    %multiple_of3A = tpu.assume_multiple %mul3A_0, 8 : i32
    %mul3A_1 = arith.constant 640 : i32
    %mul3A_2 = arith.muli %arg1, %mul3A_1 : i32
    %multiple_of3A_3 = tpu.assume_multiple %mul3A_2, 8 : i32
    %mul3A_4 = arith.constant 20000 : i32
    %mul3A_5 = arith.muli %arg1, %mul3A_4 : i32
    %multiple_of3A_6 = tpu.assume_multiple %mul3A_5, 8 : i32
    "tpu.region"() ({
      %run_scoped3A = tpu.sem_alloc : memref<!tpu.dma_semaphore, #tpu.memory_space<semaphore_mem>>
      %dma_start3A_296 = arith.constant 0 : i32
      %dma_start3A_297 = tpu.memref_slice %arg10[%multiple_of3A_3, %dma_start3A_296] : memref<10240x64xf32, #tpu.memory_space<vmem_shared>> -> memref<640x64xf32, #tpu.memory_space<vmem_shared>>
      %dma_start3A_298 = tpu.memref_slice %arg2[%multiple_of3A_3, %multiple_of3A] : memref<10240x128xf32, #tpu.memory_space<hbm>> -> memref<640x64xf32, #tpu.memory_space<hbm>>
      tpu.enqueue_dma source(%dma_start3A_298 : memref<640x64xf32, #tpu.memory_space<hbm>>) target(%dma_start3A_297 : memref<640x64xf32, #tpu.memory_space<vmem_shared>>) target_semaphore(%run_scoped3A : memref<!tpu.dma_semaphore, #tpu.memory_space<semaphore_mem>>)
      %dma_wait3A_299 = arith.constant 0 : i32
      %dma_wait3A_300 = tpu.memref_slice %arg10[%multiple_of3A_3, %dma_wait3A_299] : memref<10240x64xf32, #tpu.memory_space<vmem_shared>> -> memref<640x64xf32, #tpu.memory_space<vmem_shared>>
      %dma_wait3A_301 = tpu.memref_slice %arg2[%multiple_of3A_3, %multiple_of3A] : memref<10240x128xf32, #tpu.memory_space<hbm>> -> memref<640x64xf32, #tpu.memory_space<hbm>>
      tpu.wait_dma2 semaphore(%run_scoped3A : memref<!tpu.dma_semaphore, #tpu.memory_space<semaphore_mem>>) src(%dma_wait3A_301 : memref<640x64xf32, #tpu.memory_space<hbm>>) dst(%dma_wait3A_300 : memref<640x64xf32, #tpu.memory_space<vmem_shared>>)
      tpu.yield
    }) : () -> ()
    "tpu.region"() ({
      %run_scoped3A = tpu.sem_alloc : memref<!tpu.dma_semaphore, #tpu.memory_space<semaphore_mem>>
      %dma_start3A_296 = arith.constant 0 : i32
      %dma_start3A_297 = tpu.memref_slice %arg11[%multiple_of3A_3, %dma_start3A_296] : memref<10240x64xf32, #tpu.memory_space<vmem_shared>> -> memref<640x64xf32, #tpu.memory_space<vmem_shared>>
      %dma_start3A_298 = tpu.memref_slice %arg2[%multiple_of3A_3, %multiple_of3A] : memref<10240x128xf32, #tpu.memory_space<hbm>> -> memref<640x64xf32, #tpu.memory_space<hbm>>
      tpu.enqueue_dma source(%dma_start3A_298 : memref<640x64xf32, #tpu.memory_space<hbm>>) target(%dma_start3A_297 : memref<640x64xf32, #tpu.memory_space<vmem_shared>>) target_semaphore(%run_scoped3A : memref<!tpu.dma_semaphore, #tpu.memory_space<semaphore_mem>>)
      %dma_wait3A_299 = arith.constant 0 : i32
      %dma_wait3A_300 = tpu.memref_slice %arg11[%multiple_of3A_3, %dma_wait3A_299] : memref<10240x64xf32, #tpu.memory_space<vmem_shared>> -> memref<640x64xf32, #tpu.memory_space<vmem_shared>>
      %dma_wait3A_301 = tpu.memref_slice %arg2[%multiple_of3A_3, %multiple_of3A] : memref<10240x128xf32, #tpu.memory_space<hbm>> -> memref<640x64xf32, #tpu.memory_space<hbm>>
      tpu.wait_dma2 semaphore(%run_scoped3A : memref<!tpu.dma_semaphore, #tpu.memory_space<semaphore_mem>>) src(%dma_wait3A_301 : memref<640x64xf32, #tpu.memory_space<hbm>>) dst(%dma_wait3A_300 : memref<640x64xf32, #tpu.memory_space<vmem_shared>>)
      tpu.yield
    }) : () -> ()
    %barrier3A = arith.constant 0 : index
    tpu.barrier barrier_id(%barrier3A)
    %add3A = arith.constant 0 : i32
    %add3A_7 = arith.addi %multiple_of3A_6, %add3A : i32
    %add3A_8 = arith.constant 320000 : i32
    %add3A_9 = arith.addi %add3A_8, %multiple_of3A_6 : i32
    %add3A_10 = arith.constant 0 : i32
    %add3A_11 = arith.addi %add3A_9, %add3A_10 : i32
    %dma_start3A = arith.constant 0 : i32
    %dma_start3A_12 = arith.constant 0 : i32
    %dma_start3A_13 = arith.constant 0 : i32
    %dma_start3A_14 = tpu.memref_slice %arg7[%dma_start3A, %dma_start3A_13] : memref<10x128xi32, #tpu.memory_space<vmem>> -> memref<1x128xi32, #tpu.memory_space<vmem>>
    %dma_start3A_15 = tpu.memref_squeeze %dma_start3A_14 : memref<1x128xi32, #tpu.memory_space<vmem>> -> memref<128xi32, #tpu.memory_space<vmem>>
    %dma_start3A_16 = tpu.memref_slice %arg3[%add3A_7] : memref<640000xi32, #tpu.memory_space<hbm>> -> memref<128xi32, #tpu.memory_space<hbm>>
    %dma_start3A_17 = tpu.memref_slice %arg12[%dma_start3A_12] : memref<10x!tpu.dma_semaphore, #tpu.memory_space<semaphore_mem>> -> memref<1x!tpu.dma_semaphore, #tpu.memory_space<semaphore_mem>>
    %dma_start3A_18 = tpu.memref_squeeze %dma_start3A_17 : memref<1x!tpu.dma_semaphore, #tpu.memory_space<semaphore_mem>> -> memref<!tpu.dma_semaphore, #tpu.memory_space<semaphore_mem>>
    %dma_start3A_19 = arith.constant 0 : i32
    %dma_start3A_20 = tpu.memref_slice %arg7[%dma_start3A, %dma_start3A_19] : memref<10x128xi32, #tpu.memory_space<vmem>> -> memref<1x128xi32, #tpu.memory_space<vmem>>
    %dma_start3A_21 = tpu.memref_squeeze %dma_start3A_20 : memref<1x128xi32, #tpu.memory_space<vmem>> -> memref<128xi32, #tpu.memory_space<vmem>>
    %dma_start3A_22 = tpu.memref_slice %arg3[%add3A_7] : memref<640000xi32, #tpu.memory_space<hbm>> -> memref<128xi32, #tpu.memory_space<hbm>>
    tpu.enqueue_dma source(%dma_start3A_22 : memref<128xi32, #tpu.memory_space<hbm>>) target(%dma_start3A_21 : memref<128xi32, #tpu.memory_space<vmem>>) target_semaphore(%dma_start3A_18 : memref<!tpu.dma_semaphore, #tpu.memory_space<semaphore_mem>>)
    %dma_start3A_23 = arith.constant 0 : i32
    %dma_start3A_24 = arith.constant 0 : i32
    %dma_start3A_25 = arith.constant 0 : i32
    %dma_start3A_26 = tpu.memref_slice %arg8[%dma_start3A_23, %dma_start3A_25] : memref<10x128xi32, #tpu.memory_space<vmem>> -> memref<1x128xi32, #tpu.memory_space<vmem>>
    %dma_start3A_27 = tpu.memref_squeeze %dma_start3A_26 : memref<1x128xi32, #tpu.memory_space<vmem>> -> memref<128xi32, #tpu.memory_space<vmem>>
    %dma_start3A_28 = tpu.memref_slice %arg3[%add3A_11] : memref<640000xi32, #tpu.memory_space<hbm>> -> memref<128xi32, #tpu.memory_space<hbm>>
    %dma_start3A_29 = tpu.memref_slice %arg12[%dma_start3A_24] : memref<10x!tpu.dma_semaphore, #tpu.memory_space<semaphore_mem>> -> memref<1x!tpu.dma_semaphore, #tpu.memory_space<semaphore_mem>>
    %dma_start3A_30 = tpu.memref_squeeze %dma_start3A_29 : memref<1x!tpu.dma_semaphore, #tpu.memory_space<semaphore_mem>> -> memref<!tpu.dma_semaphore, #tpu.memory_space<semaphore_mem>>
    %dma_start3A_31 = arith.constant 0 : i32
    %dma_start3A_32 = tpu.memref_slice %arg8[%dma_start3A_23, %dma_start3A_31] : memref<10x128xi32, #tpu.memory_space<vmem>> -> memref<1x128xi32, #tpu.memory_space<vmem>>
    %dma_start3A_33 = tpu.memref_squeeze %dma_start3A_32 : memref<1x128xi32, #tpu.memory_space<vmem>> -> memref<128xi32, #tpu.memory_space<vmem>>
    %dma_start3A_34 = tpu.memref_slice %arg3[%add3A_11] : memref<640000xi32, #tpu.memory_space<hbm>> -> memref<128xi32, #tpu.memory_space<hbm>>
    tpu.enqueue_dma source(%dma_start3A_34 : memref<128xi32, #tpu.memory_space<hbm>>) target(%dma_start3A_33 : memref<128xi32, #tpu.memory_space<vmem>>) target_semaphore(%dma_start3A_30 : memref<!tpu.dma_semaphore, #tpu.memory_space<semaphore_mem>>)
    %add3A_35 = arith.constant 128 : i32
    %add3A_36 = arith.addi %multiple_of3A_6, %add3A_35 : i32
    %add3A_37 = arith.constant 320000 : i32
    %add3A_38 = arith.addi %add3A_37, %multiple_of3A_6 : i32
    %add3A_39 = arith.constant 128 : i32
    %add3A_40 = arith.addi %add3A_38, %add3A_39 : i32
    %dma_start3A_41 = arith.constant 1 : i32
    %dma_start3A_42 = arith.constant 1 : i32
    %dma_start3A_43 = arith.constant 0 : i32
    %dma_start3A_44 = tpu.memref_slice %arg7[%dma_start3A_41, %dma_start3A_43] : memref<10x128xi32, #tpu.memory_space<vmem>> -> memref<1x128xi32, #tpu.memory_space<vmem>>
    %dma_start3A_45 = tpu.memref_squeeze %dma_start3A_44 : memref<1x128xi32, #tpu.memory_space<vmem>> -> memref<128xi32, #tpu.memory_space<vmem>>
    %dma_start3A_46 = tpu.memref_slice %arg3[%add3A_36] : memref<640000xi32, #tpu.memory_space<hbm>> -> memref<128xi32, #tpu.memory_space<hbm>>
    %dma_start3A_47 = tpu.memref_slice %arg12[%dma_start3A_42] : memref<10x!tpu.dma_semaphore, #tpu.memory_space<semaphore_mem>> -> memref<1x!tpu.dma_semaphore, #tpu.memory_space<semaphore_mem>>
    %dma_start3A_48 = tpu.memref_squeeze %dma_start3A_47 : memref<1x!tpu.dma_semaphore, #tpu.memory_space<semaphore_mem>> -> memref<!tpu.dma_semaphore, #tpu.memory_space<semaphore_mem>>
    %dma_start3A_49 = arith.constant 0 : i32
    %dma_start3A_50 = tpu.memref_slice %arg7[%dma_start3A_41, %dma_start3A_49] : memref<10x128xi32, #tpu.memory_space<vmem>> -> memref<1x128xi32, #tpu.memory_space<vmem>>
    %dma_start3A_51 = tpu.memref_squeeze %dma_start3A_50 : memref<1x128xi32, #tpu.memory_space<vmem>> -> memref<128xi32, #tpu.memory_space<vmem>>
    %dma_start3A_52 = tpu.memref_slice %arg3[%add3A_36] : memref<640000xi32, #tpu.memory_space<hbm>> -> memref<128xi32, #tpu.memory_space<hbm>>
    tpu.enqueue_dma source(%dma_start3A_52 : memref<128xi32, #tpu.memory_space<hbm>>) target(%dma_start3A_51 : memref<128xi32, #tpu.memory_space<vmem>>) target_semaphore(%dma_start3A_48 : memref<!tpu.dma_semaphore, #tpu.memory_space<semaphore_mem>>)
    %dma_start3A_53 = arith.constant 1 : i32
    %dma_start3A_54 = arith.constant 1 : i32
    %dma_start3A_55 = arith.constant 0 : i32
    %dma_start3A_56 = tpu.memref_slice %arg8[%dma_start3A_53, %dma_start3A_55] : memref<10x128xi32, #tpu.memory_space<vmem>> -> memref<1x128xi32, #tpu.memory_space<vmem>>
    %dma_start3A_57 = tpu.memref_squeeze %dma_start3A_56 : memref<1x128xi32, #tpu.memory_space<vmem>> -> memref<128xi32, #tpu.memory_space<vmem>>
    %dma_start3A_58 = tpu.memref_slice %arg3[%add3A_40] : memref<640000xi32, #tpu.memory_space<hbm>> -> memref<128xi32, #tpu.memory_space<hbm>>
    %dma_start3A_59 = tpu.memref_slice %arg12[%dma_start3A_54] : memref<10x!tpu.dma_semaphore, #tpu.memory_space<semaphore_mem>> -> memref<1x!tpu.dma_semaphore, #tpu.memory_space<semaphore_mem>>
    %dma_start3A_60 = tpu.memref_squeeze %dma_start3A_59 : memref<1x!tpu.dma_semaphore, #tpu.memory_space<semaphore_mem>> -> memref<!tpu.dma_semaphore, #tpu.memory_space<semaphore_mem>>
    %dma_start3A_61 = arith.constant 0 : i32
    %dma_start3A_62 = tpu.memref_slice %arg8[%dma_start3A_53, %dma_start3A_61] : memref<10x128xi32, #tpu.memory_space<vmem>> -> memref<1x128xi32, #tpu.memory_space<vmem>>
    %dma_start3A_63 = tpu.memref_squeeze %dma_start3A_62 : memref<1x128xi32, #tpu.memory_space<vmem>> -> memref<128xi32, #tpu.memory_space<vmem>>
    %dma_start3A_64 = tpu.memref_slice %arg3[%add3A_40] : memref<640000xi32, #tpu.memory_space<hbm>> -> memref<128xi32, #tpu.memory_space<hbm>>
    tpu.enqueue_dma source(%dma_start3A_64 : memref<128xi32, #tpu.memory_space<hbm>>) target(%dma_start3A_63 : memref<128xi32, #tpu.memory_space<vmem>>) target_semaphore(%dma_start3A_60 : memref<!tpu.dma_semaphore, #tpu.memory_space<semaphore_mem>>)
    %add3A_65 = arith.constant 256 : i32
    %add3A_66 = arith.addi %multiple_of3A_6, %add3A_65 : i32
    %add3A_67 = arith.constant 320000 : i32
    %add3A_68 = arith.addi %add3A_67, %multiple_of3A_6 : i32
    %add3A_69 = arith.constant 256 : i32
    %add3A_70 = arith.addi %add3A_68, %add3A_69 : i32
    %dma_start3A_71 = arith.constant 2 : i32
    %dma_start3A_72 = arith.constant 2 : i32
    %dma_start3A_73 = arith.constant 0 : i32
    %dma_start3A_74 = tpu.memref_slice %arg7[%dma_start3A_71, %dma_start3A_73] : memref<10x128xi32, #tpu.memory_space<vmem>> -> memref<1x128xi32, #tpu.memory_space<vmem>>
    %dma_start3A_75 = tpu.memref_squeeze %dma_start3A_74 : memref<1x128xi32, #tpu.memory_space<vmem>> -> memref<128xi32, #tpu.memory_space<vmem>>
    %dma_start3A_76 = tpu.memref_slice %arg3[%add3A_66] : memref<640000xi32, #tpu.memory_space<hbm>> -> memref<128xi32, #tpu.memory_space<hbm>>
    %dma_start3A_77 = tpu.memref_slice %arg12[%dma_start3A_72] : memref<10x!tpu.dma_semaphore, #tpu.memory_space<semaphore_mem>> -> memref<1x!tpu.dma_semaphore, #tpu.memory_space<semaphore_mem>>
    %dma_start3A_78 = tpu.memref_squeeze %dma_start3A_77 : memref<1x!tpu.dma_semaphore, #tpu.memory_space<semaphore_mem>> -> memref<!tpu.dma_semaphore, #tpu.memory_space<semaphore_mem>>
    %dma_start3A_79 = arith.constant 0 : i32
    %dma_start3A_80 = tpu.memref_slice %arg7[%dma_start3A_71, %dma_start3A_79] : memref<10x128xi32, #tpu.memory_space<vmem>> -> memref<1x128xi32, #tpu.memory_space<vmem>>
    %dma_start3A_81 = tpu.memref_squeeze %dma_start3A_80 : memref<1x128xi32, #tpu.memory_space<vmem>> -> memref<128xi32, #tpu.memory_space<vmem>>
    %dma_start3A_82 = tpu.memref_slice %arg3[%add3A_66] : memref<640000xi32, #tpu.memory_space<hbm>> -> memref<128xi32, #tpu.memory_space<hbm>>
    tpu.enqueue_dma source(%dma_start3A_82 : memref<128xi32, #tpu.memory_space<hbm>>) target(%dma_start3A_81 : memref<128xi32, #tpu.memory_space<vmem>>) target_semaphore(%dma_start3A_78 : memref<!tpu.dma_semaphore, #tpu.memory_space<semaphore_mem>>)
    %dma_start3A_83 = arith.constant 2 : i32
    %dma_start3A_84 = arith.constant 2 : i32
    %dma_start3A_85 = arith.constant 0 : i32
    %dma_start3A_86 = tpu.memref_slice %arg8[%dma_start3A_83, %dma_start3A_85] : memref<10x128xi32, #tpu.memory_space<vmem>> -> memref<1x128xi32, #tpu.memory_space<vmem>>
    %dma_start3A_87 = tpu.memref_squeeze %dma_start3A_86 : memref<1x128xi32, #tpu.memory_space<vmem>> -> memref<128xi32, #tpu.memory_space<vmem>>
    %dma_start3A_88 = tpu.memref_slice %arg3[%add3A_70] : memref<640000xi32, #tpu.memory_space<hbm>> -> memref<128xi32, #tpu.memory_space<hbm>>
    %dma_start3A_89 = tpu.memref_slice %arg12[%dma_start3A_84] : memref<10x!tpu.dma_semaphore, #tpu.memory_space<semaphore_mem>> -> memref<1x!tpu.dma_semaphore, #tpu.memory_space<semaphore_mem>>
    %dma_start3A_90 = tpu.memref_squeeze %dma_start3A_89 : memref<1x!tpu.dma_semaphore, #tpu.memory_space<semaphore_mem>> -> memref<!tpu.dma_semaphore, #tpu.memory_space<semaphore_mem>>
    %dma_start3A_91 = arith.constant 0 : i32
    %dma_start3A_92 = tpu.memref_slice %arg8[%dma_start3A_83, %dma_start3A_91] : memref<10x128xi32, #tpu.memory_space<vmem>> -> memref<1x128xi32, #tpu.memory_space<vmem>>
    %dma_start3A_93 = tpu.memref_squeeze %dma_start3A_92 : memref<1x128xi32, #tpu.memory_space<vmem>> -> memref<128xi32, #tpu.memory_space<vmem>>
    %dma_start3A_94 = tpu.memref_slice %arg3[%add3A_70] : memref<640000xi32, #tpu.memory_space<hbm>> -> memref<128xi32, #tpu.memory_space<hbm>>
    tpu.enqueue_dma source(%dma_start3A_94 : memref<128xi32, #tpu.memory_space<hbm>>) target(%dma_start3A_93 : memref<128xi32, #tpu.memory_space<vmem>>) target_semaphore(%dma_start3A_90 : memref<!tpu.dma_semaphore, #tpu.memory_space<semaphore_mem>>)
    %add3A_95 = arith.constant 384 : i32
    %add3A_96 = arith.addi %multiple_of3A_6, %add3A_95 : i32
    %add3A_97 = arith.constant 320000 : i32
    %add3A_98 = arith.addi %add3A_97, %multiple_of3A_6 : i32
    %add3A_99 = arith.constant 384 : i32
    %add3A_100 = arith.addi %add3A_98, %add3A_99 : i32
    %dma_start3A_101 = arith.constant 3 : i32
    %dma_start3A_102 = arith.constant 3 : i32
    %dma_start3A_103 = arith.constant 0 : i32
    %dma_start3A_104 = tpu.memref_slice %arg7[%dma_start3A_101, %dma_start3A_103] : memref<10x128xi32, #tpu.memory_space<vmem>> -> memref<1x128xi32, #tpu.memory_space<vmem>>
    %dma_start3A_105 = tpu.memref_squeeze %dma_start3A_104 : memref<1x128xi32, #tpu.memory_space<vmem>> -> memref<128xi32, #tpu.memory_space<vmem>>
    %dma_start3A_106 = tpu.memref_slice %arg3[%add3A_96] : memref<640000xi32, #tpu.memory_space<hbm>> -> memref<128xi32, #tpu.memory_space<hbm>>
    %dma_start3A_107 = tpu.memref_slice %arg12[%dma_start3A_102] : memref<10x!tpu.dma_semaphore, #tpu.memory_space<semaphore_mem>> -> memref<1x!tpu.dma_semaphore, #tpu.memory_space<semaphore_mem>>
    %dma_start3A_108 = tpu.memref_squeeze %dma_start3A_107 : memref<1x!tpu.dma_semaphore, #tpu.memory_space<semaphore_mem>> -> memref<!tpu.dma_semaphore, #tpu.memory_space<semaphore_mem>>
    %dma_start3A_109 = arith.constant 0 : i32
    %dma_start3A_110 = tpu.memref_slice %arg7[%dma_start3A_101, %dma_start3A_109] : memref<10x128xi32, #tpu.memory_space<vmem>> -> memref<1x128xi32, #tpu.memory_space<vmem>>
    %dma_start3A_111 = tpu.memref_squeeze %dma_start3A_110 : memref<1x128xi32, #tpu.memory_space<vmem>> -> memref<128xi32, #tpu.memory_space<vmem>>
    %dma_start3A_112 = tpu.memref_slice %arg3[%add3A_96] : memref<640000xi32, #tpu.memory_space<hbm>> -> memref<128xi32, #tpu.memory_space<hbm>>
    tpu.enqueue_dma source(%dma_start3A_112 : memref<128xi32, #tpu.memory_space<hbm>>) target(%dma_start3A_111 : memref<128xi32, #tpu.memory_space<vmem>>) target_semaphore(%dma_start3A_108 : memref<!tpu.dma_semaphore, #tpu.memory_space<semaphore_mem>>)
    %dma_start3A_113 = arith.constant 3 : i32
    %dma_start3A_114 = arith.constant 3 : i32
    %dma_start3A_115 = arith.constant 0 : i32
    %dma_start3A_116 = tpu.memref_slice %arg8[%dma_start3A_113, %dma_start3A_115] : memref<10x128xi32, #tpu.memory_space<vmem>> -> memref<1x128xi32, #tpu.memory_space<vmem>>
    %dma_start3A_117 = tpu.memref_squeeze %dma_start3A_116 : memref<1x128xi32, #tpu.memory_space<vmem>> -> memref<128xi32, #tpu.memory_space<vmem>>
    %dma_start3A_118 = tpu.memref_slice %arg3[%add3A_100] : memref<640000xi32, #tpu.memory_space<hbm>> -> memref<128xi32, #tpu.memory_space<hbm>>
    %dma_start3A_119 = tpu.memref_slice %arg12[%dma_start3A_114] : memref<10x!tpu.dma_semaphore, #tpu.memory_space<semaphore_mem>> -> memref<1x!tpu.dma_semaphore, #tpu.memory_space<semaphore_mem>>
    %dma_start3A_120 = tpu.memref_squeeze %dma_start3A_119 : memref<1x!tpu.dma_semaphore, #tpu.memory_space<semaphore_mem>> -> memref<!tpu.dma_semaphore, #tpu.memory_space<semaphore_mem>>
    %dma_start3A_121 = arith.constant 0 : i32
    %dma_start3A_122 = tpu.memref_slice %arg8[%dma_start3A_113, %dma_start3A_121] : memref<10x128xi32, #tpu.memory_space<vmem>> -> memref<1x128xi32, #tpu.memory_space<vmem>>
    %dma_start3A_123 = tpu.memref_squeeze %dma_start3A_122 : memref<1x128xi32, #tpu.memory_space<vmem>> -> memref<128xi32, #tpu.memory_space<vmem>>
    %dma_start3A_124 = tpu.memref_slice %arg3[%add3A_100] : memref<640000xi32, #tpu.memory_space<hbm>> -> memref<128xi32, #tpu.memory_space<hbm>>
    tpu.enqueue_dma source(%dma_start3A_124 : memref<128xi32, #tpu.memory_space<hbm>>) target(%dma_start3A_123 : memref<128xi32, #tpu.memory_space<vmem>>) target_semaphore(%dma_start3A_120 : memref<!tpu.dma_semaphore, #tpu.memory_space<semaphore_mem>>)
    %dma_wait3A = arith.constant 0 : i32
    %dma_wait3A_125 = arith.constant 0 : i32
    %dma_wait3A_126 = arith.constant 0 : i32
    %dma_wait3A_127 = tpu.memref_slice %arg7[%dma_wait3A, %dma_wait3A_126] : memref<10x128xi32, #tpu.memory_space<vmem>> -> memref<1x128xi32, #tpu.memory_space<vmem>>
    %dma_wait3A_128 = tpu.memref_squeeze %dma_wait3A_127 : memref<1x128xi32, #tpu.memory_space<vmem>> -> memref<128xi32, #tpu.memory_space<vmem>>
    %dma_wait3A_129 = arith.constant 0 : i32
    %dma_wait3A_130 = tpu.memref_slice %arg3[%dma_wait3A_129] : memref<640000xi32, #tpu.memory_space<hbm>> -> memref<128xi32, #tpu.memory_space<hbm>>
    %dma_wait3A_131 = tpu.memref_slice %arg12[%dma_wait3A_125] : memref<10x!tpu.dma_semaphore, #tpu.memory_space<semaphore_mem>> -> memref<1x!tpu.dma_semaphore, #tpu.memory_space<semaphore_mem>>
    %dma_wait3A_132 = tpu.memref_squeeze %dma_wait3A_131 : memref<1x!tpu.dma_semaphore, #tpu.memory_space<semaphore_mem>> -> memref<!tpu.dma_semaphore, #tpu.memory_space<semaphore_mem>>
    %dma_wait3A_133 = arith.constant 0 : i32
    %dma_wait3A_134 = tpu.memref_slice %arg7[%dma_wait3A, %dma_wait3A_133] : memref<10x128xi32, #tpu.memory_space<vmem>> -> memref<1x128xi32, #tpu.memory_space<vmem>>
    %dma_wait3A_135 = tpu.memref_squeeze %dma_wait3A_134 : memref<1x128xi32, #tpu.memory_space<vmem>> -> memref<128xi32, #tpu.memory_space<vmem>>
    %dma_wait3A_136 = arith.constant 0 : i32
    %dma_wait3A_137 = tpu.memref_slice %arg3[%dma_wait3A_136] : memref<640000xi32, #tpu.memory_space<hbm>> -> memref<128xi32, #tpu.memory_space<hbm>>
    tpu.wait_dma2 semaphore(%dma_wait3A_132 : memref<!tpu.dma_semaphore, #tpu.memory_space<semaphore_mem>>) src(%dma_wait3A_137 : memref<128xi32, #tpu.memory_space<hbm>>) dst(%dma_wait3A_135 : memref<128xi32, #tpu.memory_space<vmem>>)
    %dma_wait3A_138 = arith.constant 0 : i32
    %dma_wait3A_139 = arith.constant 0 : i32
    %dma_wait3A_140 = arith.constant 0 : i32
    %dma_wait3A_141 = tpu.memref_slice %arg8[%dma_wait3A_138, %dma_wait3A_140] : memref<10x128xi32, #tpu.memory_space<vmem>> -> memref<1x128xi32, #tpu.memory_space<vmem>>
    %dma_wait3A_142 = tpu.memref_squeeze %dma_wait3A_141 : memref<1x128xi32, #tpu.memory_space<vmem>> -> memref<128xi32, #tpu.memory_space<vmem>>
    %dma_wait3A_143 = arith.constant 0 : i32
    %dma_wait3A_144 = tpu.memref_slice %arg3[%dma_wait3A_143] : memref<640000xi32, #tpu.memory_space<hbm>> -> memref<128xi32, #tpu.memory_space<hbm>>
    %dma_wait3A_145 = tpu.memref_slice %arg12[%dma_wait3A_139] : memref<10x!tpu.dma_semaphore, #tpu.memory_space<semaphore_mem>> -> memref<1x!tpu.dma_semaphore, #tpu.memory_space<semaphore_mem>>
    %dma_wait3A_146 = tpu.memref_squeeze %dma_wait3A_145 : memref<1x!tpu.dma_semaphore, #tpu.memory_space<semaphore_mem>> -> memref<!tpu.dma_semaphore, #tpu.memory_space<semaphore_mem>>
    %dma_wait3A_147 = arith.constant 0 : i32
    %dma_wait3A_148 = tpu.memref_slice %arg8[%dma_wait3A_138, %dma_wait3A_147] : memref<10x128xi32, #tpu.memory_space<vmem>> -> memref<1x128xi32, #tpu.memory_space<vmem>>
    %dma_wait3A_149 = tpu.memref_squeeze %dma_wait3A_148 : memref<1x128xi32, #tpu.memory_space<vmem>> -> memref<128xi32, #tpu.memory_space<vmem>>
    %dma_wait3A_150 = arith.constant 0 : i32
    %dma_wait3A_151 = tpu.memref_slice %arg3[%dma_wait3A_150] : memref<640000xi32, #tpu.memory_space<hbm>> -> memref<128xi32, #tpu.memory_space<hbm>>
    tpu.wait_dma2 semaphore(%dma_wait3A_146 : memref<!tpu.dma_semaphore, #tpu.memory_space<semaphore_mem>>) src(%dma_wait3A_151 : memref<128xi32, #tpu.memory_space<hbm>>) dst(%dma_wait3A_149 : memref<128xi32, #tpu.memory_space<vmem>>)
    %rem3A = arith.constant 0 : i32
    %rem3A_152 = arith.constant 10 : i32
    %rem3A_153 = arith.remsi %rem3A, %rem3A_152 : i32
    %rem3A_154 = arith.constant 0 : i32
    %rem3A_155 = arith.constant 5 : i32
    %rem3A_156 = arith.remsi %rem3A_154, %rem3A_155 : i32
    %dma_start3A_157 = arith.constant 0 : i32
    %dma_start3A_158 = arith.constant 0 : i32
    %dma_start3A_159 = tpu.memref_slice %arg9[%rem3A_156, %dma_start3A_157, %dma_start3A_158] : memref<5x128x64xf32, #tpu.memory_space<vmem>> -> memref<1x128x64xf32, #tpu.memory_space<vmem>>
    %dma_start3A_160 = tpu.memref_squeeze %dma_start3A_159 : memref<1x128x64xf32, #tpu.memory_space<vmem>> -> memref<128x64xf32, #tpu.memory_space<vmem>>
    %dma_start3A_161 = arith.constant 0 : i32
    %dma_start3A_162 = tpu.memref_slice %arg7[%rem3A_153, %dma_start3A_161] : memref<10x128xi32, #tpu.memory_space<vmem>> -> memref<1x128xi32, #tpu.memory_space<vmem>>
    %dma_start3A_163 = tpu.memref_squeeze %dma_start3A_162 : memref<1x128xi32, #tpu.memory_space<vmem>> -> memref<128xi32, #tpu.memory_space<vmem>>
    %dma_start3A_164 = arith.constant 0 : i32
    %dma_start3A_165 = arith.constant 0 : i32
    %dma_start3A_166 = tpu.memref_slice %arg10[%dma_start3A_164, %dma_start3A_165] : memref<10240x64xf32, #tpu.memory_space<vmem_shared>> -> memref<10240x64xf32, #tpu.memory_space<vmem_shared>>
    %dma_start3A_167 = tpu.memref_slice %arg13[%rem3A_156] : memref<5x!tpu.dma_semaphore, #tpu.memory_space<semaphore_mem>> -> memref<1x!tpu.dma_semaphore, #tpu.memory_space<semaphore_mem>>
    %dma_start3A_168 = tpu.memref_squeeze %dma_start3A_167 : memref<1x!tpu.dma_semaphore, #tpu.memory_space<semaphore_mem>> -> memref<!tpu.dma_semaphore, #tpu.memory_space<semaphore_mem>>
    tpu.enqueue_indirect_dma source(%dma_start3A_166 : memref<10240x64xf32, #tpu.memory_space<vmem_shared>>) target(%dma_start3A_160 : memref<128x64xf32, #tpu.memory_space<vmem>>) offsets(%dma_start3A_163 : memref<128xi32, #tpu.memory_space<vmem>>) semaphore(%dma_start3A_168 : memref<!tpu.dma_semaphore, #tpu.memory_space<semaphore_mem>>)
    %dma_wait3A_169 = arith.constant 1 : i32
    %dma_wait3A_170 = arith.constant 1 : i32
    %dma_wait3A_171 = arith.constant 0 : i32
    %dma_wait3A_172 = tpu.memref_slice %arg7[%dma_wait3A_169, %dma_wait3A_171] : memref<10x128xi32, #tpu.memory_space<vmem>> -> memref<1x128xi32, #tpu.memory_space<vmem>>
    %dma_wait3A_173 = tpu.memref_squeeze %dma_wait3A_172 : memref<1x128xi32, #tpu.memory_space<vmem>> -> memref<128xi32, #tpu.memory_space<vmem>>
    %dma_wait3A_174 = arith.constant 0 : i32
    %dma_wait3A_175 = tpu.memref_slice %arg3[%dma_wait3A_174] : memref<640000xi32, #tpu.memory_space<hbm>> -> memref<128xi32, #tpu.memory_space<hbm>>
    %dma_wait3A_176 = tpu.memref_slice %arg12[%dma_wait3A_170] : memref<10x!tpu.dma_semaphore, #tpu.memory_space<semaphore_mem>> -> memref<1x!tpu.dma_semaphore, #tpu.memory_space<semaphore_mem>>
    %dma_wait3A_177 = tpu.memref_squeeze %dma_wait3A_176 : memref<1x!tpu.dma_semaphore, #tpu.memory_space<semaphore_mem>> -> memref<!tpu.dma_semaphore, #tpu.memory_space<semaphore_mem>>
    %dma_wait3A_178 = arith.constant 0 : i32
    %dma_wait3A_179 = tpu.memref_slice %arg7[%dma_wait3A_169, %dma_wait3A_178] : memref<10x128xi32, #tpu.memory_space<vmem>> -> memref<1x128xi32, #tpu.memory_space<vmem>>
    %dma_wait3A_180 = tpu.memref_squeeze %dma_wait3A_179 : memref<1x128xi32, #tpu.memory_space<vmem>> -> memref<128xi32, #tpu.memory_space<vmem>>
    %dma_wait3A_181 = arith.constant 0 : i32
    %dma_wait3A_182 = tpu.memref_slice %arg3[%dma_wait3A_181] : memref<640000xi32, #tpu.memory_space<hbm>> -> memref<128xi32, #tpu.memory_space<hbm>>
    tpu.wait_dma2 semaphore(%dma_wait3A_177 : memref<!tpu.dma_semaphore, #tpu.memory_space<semaphore_mem>>) src(%dma_wait3A_182 : memref<128xi32, #tpu.memory_space<hbm>>) dst(%dma_wait3A_180 : memref<128xi32, #tpu.memory_space<vmem>>)
    %dma_wait3A_183 = arith.constant 1 : i32
    %dma_wait3A_184 = arith.constant 1 : i32
    %dma_wait3A_185 = arith.constant 0 : i32
    %dma_wait3A_186 = tpu.memref_slice %arg8[%dma_wait3A_183, %dma_wait3A_185] : memref<10x128xi32, #tpu.memory_space<vmem>> -> memref<1x128xi32, #tpu.memory_space<vmem>>
    %dma_wait3A_187 = tpu.memref_squeeze %dma_wait3A_186 : memref<1x128xi32, #tpu.memory_space<vmem>> -> memref<128xi32, #tpu.memory_space<vmem>>
    %dma_wait3A_188 = arith.constant 0 : i32
    %dma_wait3A_189 = tpu.memref_slice %arg3[%dma_wait3A_188] : memref<640000xi32, #tpu.memory_space<hbm>> -> memref<128xi32, #tpu.memory_space<hbm>>
    %dma_wait3A_190 = tpu.memref_slice %arg12[%dma_wait3A_184] : memref<10x!tpu.dma_semaphore, #tpu.memory_space<semaphore_mem>> -> memref<1x!tpu.dma_semaphore, #tpu.memory_space<semaphore_mem>>
    %dma_wait3A_191 = tpu.memref_squeeze %dma_wait3A_190 : memref<1x!tpu.dma_semaphore, #tpu.memory_space<semaphore_mem>> -> memref<!tpu.dma_semaphore, #tpu.memory_space<semaphore_mem>>
    %dma_wait3A_192 = arith.constant 0 : i32
    %dma_wait3A_193 = tpu.memref_slice %arg8[%dma_wait3A_183, %dma_wait3A_192] : memref<10x128xi32, #tpu.memory_space<vmem>> -> memref<1x128xi32, #tpu.memory_space<vmem>>
    %dma_wait3A_194 = tpu.memref_squeeze %dma_wait3A_193 : memref<1x128xi32, #tpu.memory_space<vmem>> -> memref<128xi32, #tpu.memory_space<vmem>>
    %dma_wait3A_195 = arith.constant 0 : i32
    %dma_wait3A_196 = tpu.memref_slice %arg3[%dma_wait3A_195] : memref<640000xi32, #tpu.memory_space<hbm>> -> memref<128xi32, #tpu.memory_space<hbm>>
    tpu.wait_dma2 semaphore(%dma_wait3A_191 : memref<!tpu.dma_semaphore, #tpu.memory_space<semaphore_mem>>) src(%dma_wait3A_196 : memref<128xi32, #tpu.memory_space<hbm>>) dst(%dma_wait3A_194 : memref<128xi32, #tpu.memory_space<vmem>>)
    %rem3A_197 = arith.constant 1 : i32
    %rem3A_198 = arith.constant 10 : i32
    %rem3A_199 = arith.remsi %rem3A_197, %rem3A_198 : i32
    %rem3A_200 = arith.constant 1 : i32
    %rem3A_201 = arith.constant 5 : i32
    %rem3A_202 = arith.remsi %rem3A_200, %rem3A_201 : i32
    %dma_start3A_203 = arith.constant 0 : i32
    %dma_start3A_204 = arith.constant 0 : i32
    %dma_start3A_205 = tpu.memref_slice %arg9[%rem3A_202, %dma_start3A_203, %dma_start3A_204] : memref<5x128x64xf32, #tpu.memory_space<vmem>> -> memref<1x128x64xf32, #tpu.memory_space<vmem>>
    %dma_start3A_206 = tpu.memref_squeeze %dma_start3A_205 : memref<1x128x64xf32, #tpu.memory_space<vmem>> -> memref<128x64xf32, #tpu.memory_space<vmem>>
    %dma_start3A_207 = arith.constant 0 : i32
    %dma_start3A_208 = tpu.memref_slice %arg7[%rem3A_199, %dma_start3A_207] : memref<10x128xi32, #tpu.memory_space<vmem>> -> memref<1x128xi32, #tpu.memory_space<vmem>>
    %dma_start3A_209 = tpu.memref_squeeze %dma_start3A_208 : memref<1x128xi32, #tpu.memory_space<vmem>> -> memref<128xi32, #tpu.memory_space<vmem>>
    %dma_start3A_210 = arith.constant 0 : i32
    %dma_start3A_211 = arith.constant 0 : i32
    %dma_start3A_212 = tpu.memref_slice %arg10[%dma_start3A_210, %dma_start3A_211] : memref<10240x64xf32, #tpu.memory_space<vmem_shared>> -> memref<10240x64xf32, #tpu.memory_space<vmem_shared>>
    %dma_start3A_213 = tpu.memref_slice %arg13[%rem3A_202] : memref<5x!tpu.dma_semaphore, #tpu.memory_space<semaphore_mem>> -> memref<1x!tpu.dma_semaphore, #tpu.memory_space<semaphore_mem>>
    %dma_start3A_214 = tpu.memref_squeeze %dma_start3A_213 : memref<1x!tpu.dma_semaphore, #tpu.memory_space<semaphore_mem>> -> memref<!tpu.dma_semaphore, #tpu.memory_space<semaphore_mem>>
    tpu.enqueue_indirect_dma source(%dma_start3A_212 : memref<10240x64xf32, #tpu.memory_space<vmem_shared>>) target(%dma_start3A_206 : memref<128x64xf32, #tpu.memory_space<vmem>>) offsets(%dma_start3A_209 : memref<128xi32, #tpu.memory_space<vmem>>) semaphore(%dma_start3A_214 : memref<!tpu.dma_semaphore, #tpu.memory_space<semaphore_mem>>)
    %scan3A = arith.constant 0 : i32
    %scan3A_215 = arith.constant 0 : i32
    %scan3A_216 = arith.constant 157 : i32
    %scan3A_217 = arith.addi %scan3A_215, %scan3A_216 : i32
    %scan3A_218 = arith.constant 1 : i32
    scf.for %scan3A_296 = %scan3A_215 to %scan3A_217 step %scan3A_218  : i32 {
      %rem3A_297 = arith.constant 5 : i32
      %rem3A_298 = arith.remsi %scan3A_296, %rem3A_297 : i32
      %dma_wait3A_299 = arith.constant 0 : i32
      %dma_wait3A_300 = arith.constant 0 : i32
      %dma_wait3A_301 = arith.constant 0 : i32
      %dma_wait3A_302 = tpu.memref_slice %arg9[%rem3A_298, %dma_wait3A_300, %dma_wait3A_301] : memref<5x128x64xf32, #tpu.memory_space<vmem>> -> memref<1x128x64xf32, #tpu.memory_space<vmem>>
      %dma_wait3A_303 = tpu.memref_squeeze %dma_wait3A_302 : memref<1x128x64xf32, #tpu.memory_space<vmem>> -> memref<128x64xf32, #tpu.memory_space<vmem>>
      %dma_wait3A_304 = arith.constant 0 : i32
      %dma_wait3A_305 = tpu.memref_slice %arg7[%dma_wait3A_299, %dma_wait3A_304] : memref<10x128xi32, #tpu.memory_space<vmem>> -> memref<1x128xi32, #tpu.memory_space<vmem>>
      %dma_wait3A_306 = tpu.memref_squeeze %dma_wait3A_305 : memref<1x128xi32, #tpu.memory_space<vmem>> -> memref<128xi32, #tpu.memory_space<vmem>>
      %dma_wait3A_307 = arith.constant 0 : i32
      %dma_wait3A_308 = arith.constant 0 : i32
      %dma_wait3A_309 = tpu.memref_slice %arg10[%dma_wait3A_307, %dma_wait3A_308] : memref<10240x64xf32, #tpu.memory_space<vmem_shared>> -> memref<10240x64xf32, #tpu.memory_space<vmem_shared>>
      %dma_wait3A_310 = tpu.memref_slice %arg13[%rem3A_298] : memref<5x!tpu.dma_semaphore, #tpu.memory_space<semaphore_mem>> -> memref<1x!tpu.dma_semaphore, #tpu.memory_space<semaphore_mem>>
      %dma_wait3A_311 = tpu.memref_squeeze %dma_wait3A_310 : memref<1x!tpu.dma_semaphore, #tpu.memory_space<semaphore_mem>> -> memref<!tpu.dma_semaphore, #tpu.memory_space<semaphore_mem>>
      tpu.wait_indirect_dma semaphore(%dma_wait3A_311 : memref<!tpu.dma_semaphore, #tpu.memory_space<semaphore_mem>>) src(%dma_wait3A_309 : memref<10240x64xf32, #tpu.memory_space<vmem_shared>>) dst(%dma_wait3A_303 : memref<128x64xf32, #tpu.memory_space<vmem>>)
      %rem3A_312 = arith.constant 10 : i32
      %rem3A_313 = arith.remsi %scan3A_296, %rem3A_312 : i32
      %dma_start3A_314 = arith.constant 0 : i32
      %dma_start3A_315 = arith.constant 0 : i32
      %dma_start3A_316 = tpu.memref_slice %arg9[%rem3A_298, %dma_start3A_314, %dma_start3A_315] : memref<5x128x64xf32, #tpu.memory_space<vmem>> -> memref<1x128x64xf32, #tpu.memory_space<vmem>>
      %dma_start3A_317 = tpu.memref_squeeze %dma_start3A_316 : memref<1x128x64xf32, #tpu.memory_space<vmem>> -> memref<128x64xf32, #tpu.memory_space<vmem>>
      %dma_start3A_318 = arith.constant 0 : i32
      %dma_start3A_319 = tpu.memref_slice %arg8[%rem3A_313, %dma_start3A_318] : memref<10x128xi32, #tpu.memory_space<vmem>> -> memref<1x128xi32, #tpu.memory_space<vmem>>
      %dma_start3A_320 = tpu.memref_squeeze %dma_start3A_319 : memref<1x128xi32, #tpu.memory_space<vmem>> -> memref<128xi32, #tpu.memory_space<vmem>>
      %dma_start3A_321 = arith.constant 0 : i32
      %dma_start3A_322 = arith.constant 0 : i32
      %dma_start3A_323 = tpu.memref_slice %arg11[%dma_start3A_321, %dma_start3A_322] : memref<10240x64xf32, #tpu.memory_space<vmem_shared>> -> memref<10240x64xf32, #tpu.memory_space<vmem_shared>>
      %dma_start3A_324 = tpu.memref_slice %arg14[%rem3A_298] : memref<5x!tpu.dma_semaphore, #tpu.memory_space<semaphore_mem>> -> memref<1x!tpu.dma_semaphore, #tpu.memory_space<semaphore_mem>>
      %dma_start3A_325 = tpu.memref_squeeze %dma_start3A_324 : memref<1x!tpu.dma_semaphore, #tpu.memory_space<semaphore_mem>> -> memref<!tpu.dma_semaphore, #tpu.memory_space<semaphore_mem>>
      tpu.enqueue_indirect_dma source(%dma_start3A_317 : memref<128x64xf32, #tpu.memory_space<vmem>>) target(%dma_start3A_323 : memref<10240x64xf32, #tpu.memory_space<vmem_shared>>) offsets(%dma_start3A_320 : memref<128xi32, #tpu.memory_space<vmem>>) semaphore(%dma_start3A_325 : memref<!tpu.dma_semaphore, #tpu.memory_space<semaphore_mem>>) {add = true}
      %add3A_326 = arith.constant 4 : i32
      %add3A_327 = arith.addi %scan3A_296, %add3A_326 : i32
      %lt3A = arith.constant 157 : i32
      %lt3A_328 = arith.cmpi slt, %add3A_327, %lt3A : i32
      %convert_element_type3A = arith.extui %lt3A_328 : i1 to i32
      %cond3A = arith.constant 0 : i32
      %cond3A_329 = arith.cmpi ne, %convert_element_type3A, %cond3A : i32
      scf.if %cond3A_329 {
        %add3A_337 = arith.constant 4 : i32
        %add3A_338 = arith.addi %scan3A_296, %add3A_337 : i32
        %rem3A_339 = arith.constant 10 : i32
        %rem3A_340 = arith.remsi %add3A_338, %rem3A_339 : i32
        %mul3A_341 = arith.constant 128 : i32
        %mul3A_342 = arith.muli %add3A_338, %mul3A_341 : i32
        %add3A_343 = arith.addi %multiple_of3A_6, %mul3A_342 : i32
        %add3A_344 = arith.constant 320000 : i32
        %add3A_345 = arith.addi %add3A_344, %multiple_of3A_6 : i32
        %mul3A_346 = arith.constant 128 : i32
        %mul3A_347 = arith.muli %add3A_338, %mul3A_346 : i32
        %add3A_348 = arith.addi %add3A_345, %mul3A_347 : i32
        %eq3A = arith.constant 156 : i32
        %eq3A_349 = arith.cmpi eq, %add3A_338, %eq3A : i32
        %convert_element_type3A_350 = arith.extui %eq3A_349 : i1 to i32
        %cond3A_351 = arith.constant 0 : i32
        %cond3A_352 = arith.cmpi ne, %convert_element_type3A_350, %cond3A_351 : i32
        scf.if %cond3A_352 {
          "tpu.region"() ({
            %run_scoped3A = tpu.sem_alloc : memref<!tpu.dma_semaphore, #tpu.memory_space<semaphore_mem>>
            %dma_start3A_377 = arith.constant 0 : i32
            %dma_start3A_378 = tpu.memref_slice %arg7[%rem3A_340, %dma_start3A_377] : memref<10x128xi32, #tpu.memory_space<vmem>> -> memref<1x128xi32, #tpu.memory_space<vmem>>
            %dma_start3A_379 = tpu.memref_squeeze %dma_start3A_378 : memref<1x128xi32, #tpu.memory_space<vmem>> -> memref<128xi32, #tpu.memory_space<vmem>>
            %dma_start3A_380 = arith.constant 0 : i32
            %dma_start3A_381 = tpu.memref_slice %arg7[%rem3A_340, %dma_start3A_380] : memref<10x128xi32, #tpu.memory_space<vmem>> -> memref<1x128xi32, #tpu.memory_space<vmem>>
            %dma_start3A_382 = tpu.memref_squeeze %dma_start3A_381 : memref<1x128xi32, #tpu.memory_space<vmem>> -> memref<128xi32, #tpu.memory_space<vmem>>
            tpu.enqueue_dma source(%arg4 : memref<128xi32, #tpu.memory_space<hbm>>) target(%dma_start3A_382 : memref<128xi32, #tpu.memory_space<vmem>>) target_semaphore(%run_scoped3A : memref<!tpu.dma_semaphore, #tpu.memory_space<semaphore_mem>>)
            %dma_wait3A_383 = arith.constant 0 : i32
            %dma_wait3A_384 = tpu.memref_slice %arg7[%rem3A_340, %dma_wait3A_383] : memref<10x128xi32, #tpu.memory_space<vmem>> -> memref<1x128xi32, #tpu.memory_space<vmem>>
            %dma_wait3A_385 = tpu.memref_squeeze %dma_wait3A_384 : memref<1x128xi32, #tpu.memory_space<vmem>> -> memref<128xi32, #tpu.memory_space<vmem>>
            %dma_wait3A_386 = arith.constant 0 : i32
            %dma_wait3A_387 = tpu.memref_slice %arg7[%rem3A_340, %dma_wait3A_386] : memref<10x128xi32, #tpu.memory_space<vmem>> -> memref<1x128xi32, #tpu.memory_space<vmem>>
            %dma_wait3A_388 = tpu.memref_squeeze %dma_wait3A_387 : memref<1x128xi32, #tpu.memory_space<vmem>> -> memref<128xi32, #tpu.memory_space<vmem>>
            tpu.wait_dma2 semaphore(%run_scoped3A : memref<!tpu.dma_semaphore, #tpu.memory_space<semaphore_mem>>) src(%arg4 : memref<128xi32, #tpu.memory_space<hbm>>) dst(%dma_wait3A_388 : memref<128xi32, #tpu.memory_space<vmem>>)
            tpu.yield
          }) : () -> ()
          "tpu.region"() ({
            %run_scoped3A = tpu.sem_alloc : memref<!tpu.dma_semaphore, #tpu.memory_space<semaphore_mem>>
            %dma_start3A_377 = arith.constant 0 : i32
            %dma_start3A_378 = tpu.memref_slice %arg8[%rem3A_340, %dma_start3A_377] : memref<10x128xi32, #tpu.memory_space<vmem>> -> memref<1x128xi32, #tpu.memory_space<vmem>>
            %dma_start3A_379 = tpu.memref_squeeze %dma_start3A_378 : memref<1x128xi32, #tpu.memory_space<vmem>> -> memref<128xi32, #tpu.memory_space<vmem>>
            %dma_start3A_380 = arith.constant 0 : i32
            %dma_start3A_381 = tpu.memref_slice %arg8[%rem3A_340, %dma_start3A_380] : memref<10x128xi32, #tpu.memory_space<vmem>> -> memref<1x128xi32, #tpu.memory_space<vmem>>
            %dma_start3A_382 = tpu.memref_squeeze %dma_start3A_381 : memref<1x128xi32, #tpu.memory_space<vmem>> -> memref<128xi32, #tpu.memory_space<vmem>>
            tpu.enqueue_dma source(%arg5 : memref<128xi32, #tpu.memory_space<hbm>>) target(%dma_start3A_382 : memref<128xi32, #tpu.memory_space<vmem>>) target_semaphore(%run_scoped3A : memref<!tpu.dma_semaphore, #tpu.memory_space<semaphore_mem>>)
            %dma_wait3A_383 = arith.constant 0 : i32
            %dma_wait3A_384 = tpu.memref_slice %arg8[%rem3A_340, %dma_wait3A_383] : memref<10x128xi32, #tpu.memory_space<vmem>> -> memref<1x128xi32, #tpu.memory_space<vmem>>
            %dma_wait3A_385 = tpu.memref_squeeze %dma_wait3A_384 : memref<1x128xi32, #tpu.memory_space<vmem>> -> memref<128xi32, #tpu.memory_space<vmem>>
            %dma_wait3A_386 = arith.constant 0 : i32
            %dma_wait3A_387 = tpu.memref_slice %arg8[%rem3A_340, %dma_wait3A_386] : memref<10x128xi32, #tpu.memory_space<vmem>> -> memref<1x128xi32, #tpu.memory_space<vmem>>
            %dma_wait3A_388 = tpu.memref_squeeze %dma_wait3A_387 : memref<1x128xi32, #tpu.memory_space<vmem>> -> memref<128xi32, #tpu.memory_space<vmem>>
            tpu.wait_dma2 semaphore(%run_scoped3A : memref<!tpu.dma_semaphore, #tpu.memory_space<semaphore_mem>>) src(%arg5 : memref<128xi32, #tpu.memory_space<hbm>>) dst(%dma_wait3A_388 : memref<128xi32, #tpu.memory_space<vmem>>)
            tpu.yield
          }) : () -> ()
          %dma_start3A_357 = arith.constant 0 : i32
          %dma_start3A_358 = tpu.memref_slice %arg7[%rem3A_340, %dma_start3A_357] : memref<10x128xi32, #tpu.memory_space<vmem>> -> memref<1x32xi32, #tpu.memory_space<vmem>>
          %dma_start3A_359 = tpu.memref_squeeze %dma_start3A_358 : memref<1x32xi32, #tpu.memory_space<vmem>> -> memref<32xi32, #tpu.memory_space<vmem>>
          %dma_start3A_360 = tpu.memref_slice %arg3[%add3A_343] : memref<640000xi32, #tpu.memory_space<hbm>> -> memref<32xi32, #tpu.memory_space<hbm>>
          %dma_start3A_361 = tpu.memref_slice %arg12[%rem3A_340] : memref<10x!tpu.dma_semaphore, #tpu.memory_space<semaphore_mem>> -> memref<1x!tpu.dma_semaphore, #tpu.memory_space<semaphore_mem>>
          %dma_start3A_362 = tpu.memref_squeeze %dma_start3A_361 : memref<1x!tpu.dma_semaphore, #tpu.memory_space<semaphore_mem>> -> memref<!tpu.dma_semaphore, #tpu.memory_space<semaphore_mem>>
          %dma_start3A_363 = arith.constant 0 : i32
          %dma_start3A_364 = tpu.memref_slice %arg7[%rem3A_340, %dma_start3A_363] : memref<10x128xi32, #tpu.memory_space<vmem>> -> memref<1x32xi32, #tpu.memory_space<vmem>>
          %dma_start3A_365 = tpu.memref_squeeze %dma_start3A_364 : memref<1x32xi32, #tpu.memory_space<vmem>> -> memref<32xi32, #tpu.memory_space<vmem>>
          %dma_start3A_366 = tpu.memref_slice %arg3[%add3A_343] : memref<640000xi32, #tpu.memory_space<hbm>> -> memref<32xi32, #tpu.memory_space<hbm>>
          tpu.enqueue_dma source(%dma_start3A_366 : memref<32xi32, #tpu.memory_space<hbm>>) target(%dma_start3A_365 : memref<32xi32, #tpu.memory_space<vmem>>) target_semaphore(%dma_start3A_362 : memref<!tpu.dma_semaphore, #tpu.memory_space<semaphore_mem>>)
          %dma_start3A_367 = arith.constant 0 : i32
          %dma_start3A_368 = tpu.memref_slice %arg8[%rem3A_340, %dma_start3A_367] : memref<10x128xi32, #tpu.memory_space<vmem>> -> memref<1x32xi32, #tpu.memory_space<vmem>>
          %dma_start3A_369 = tpu.memref_squeeze %dma_start3A_368 : memref<1x32xi32, #tpu.memory_space<vmem>> -> memref<32xi32, #tpu.memory_space<vmem>>
          %dma_start3A_370 = tpu.memref_slice %arg3[%add3A_348] : memref<640000xi32, #tpu.memory_space<hbm>> -> memref<32xi32, #tpu.memory_space<hbm>>
          %dma_start3A_371 = tpu.memref_slice %arg12[%rem3A_340] : memref<10x!tpu.dma_semaphore, #tpu.memory_space<semaphore_mem>> -> memref<1x!tpu.dma_semaphore, #tpu.memory_space<semaphore_mem>>
          %dma_start3A_372 = tpu.memref_squeeze %dma_start3A_371 : memref<1x!tpu.dma_semaphore, #tpu.memory_space<semaphore_mem>> -> memref<!tpu.dma_semaphore, #tpu.memory_space<semaphore_mem>>
          %dma_start3A_373 = arith.constant 0 : i32
          %dma_start3A_374 = tpu.memref_slice %arg8[%rem3A_340, %dma_start3A_373] : memref<10x128xi32, #tpu.memory_space<vmem>> -> memref<1x32xi32, #tpu.memory_space<vmem>>
          %dma_start3A_375 = tpu.memref_squeeze %dma_start3A_374 : memref<1x32xi32, #tpu.memory_space<vmem>> -> memref<32xi32, #tpu.memory_space<vmem>>
          %dma_start3A_376 = tpu.memref_slice %arg3[%add3A_348] : memref<640000xi32, #tpu.memory_space<hbm>> -> memref<32xi32, #tpu.memory_space<hbm>>
          tpu.enqueue_dma source(%dma_start3A_376 : memref<32xi32, #tpu.memory_space<hbm>>) target(%dma_start3A_375 : memref<32xi32, #tpu.memory_space<vmem>>) target_semaphore(%dma_start3A_372 : memref<!tpu.dma_semaphore, #tpu.memory_space<semaphore_mem>>)
        } else {
        }
        %ne3A = arith.constant 156 : i32
        %ne3A_353 = arith.cmpi ne, %add3A_338, %ne3A : i32
        %convert_element_type3A_354 = arith.extui %ne3A_353 : i1 to i32
        %cond3A_355 = arith.constant 0 : i32
        %cond3A_356 = arith.cmpi ne, %convert_element_type3A_354, %cond3A_355 : i32
        scf.if %cond3A_356 {
          %dma_start3A_357 = arith.constant 0 : i32
          %dma_start3A_358 = tpu.memref_slice %arg7[%rem3A_340, %dma_start3A_357] : memref<10x128xi32, #tpu.memory_space<vmem>> -> memref<1x128xi32, #tpu.memory_space<vmem>>
          %dma_start3A_359 = tpu.memref_squeeze %dma_start3A_358 : memref<1x128xi32, #tpu.memory_space<vmem>> -> memref<128xi32, #tpu.memory_space<vmem>>
          %dma_start3A_360 = tpu.memref_slice %arg3[%add3A_343] : memref<640000xi32, #tpu.memory_space<hbm>> -> memref<128xi32, #tpu.memory_space<hbm>>
          %dma_start3A_361 = tpu.memref_slice %arg12[%rem3A_340] : memref<10x!tpu.dma_semaphore, #tpu.memory_space<semaphore_mem>> -> memref<1x!tpu.dma_semaphore, #tpu.memory_space<semaphore_mem>>
          %dma_start3A_362 = tpu.memref_squeeze %dma_start3A_361 : memref<1x!tpu.dma_semaphore, #tpu.memory_space<semaphore_mem>> -> memref<!tpu.dma_semaphore, #tpu.memory_space<semaphore_mem>>
          %dma_start3A_363 = arith.constant 0 : i32
          %dma_start3A_364 = tpu.memref_slice %arg7[%rem3A_340, %dma_start3A_363] : memref<10x128xi32, #tpu.memory_space<vmem>> -> memref<1x128xi32, #tpu.memory_space<vmem>>
          %dma_start3A_365 = tpu.memref_squeeze %dma_start3A_364 : memref<1x128xi32, #tpu.memory_space<vmem>> -> memref<128xi32, #tpu.memory_space<vmem>>
          %dma_start3A_366 = tpu.memref_slice %arg3[%add3A_343] : memref<640000xi32, #tpu.memory_space<hbm>> -> memref<128xi32, #tpu.memory_space<hbm>>
          tpu.enqueue_dma source(%dma_start3A_366 : memref<128xi32, #tpu.memory_space<hbm>>) target(%dma_start3A_365 : memref<128xi32, #tpu.memory_space<vmem>>) target_semaphore(%dma_start3A_362 : memref<!tpu.dma_semaphore, #tpu.memory_space<semaphore_mem>>)
          %dma_start3A_367 = arith.constant 0 : i32
          %dma_start3A_368 = tpu.memref_slice %arg8[%rem3A_340, %dma_start3A_367] : memref<10x128xi32, #tpu.memory_space<vmem>> -> memref<1x128xi32, #tpu.memory_space<vmem>>
          %dma_start3A_369 = tpu.memref_squeeze %dma_start3A_368 : memref<1x128xi32, #tpu.memory_space<vmem>> -> memref<128xi32, #tpu.memory_space<vmem>>
          %dma_start3A_370 = tpu.memref_slice %arg3[%add3A_348] : memref<640000xi32, #tpu.memory_space<hbm>> -> memref<128xi32, #tpu.memory_space<hbm>>
          %dma_start3A_371 = tpu.memref_slice %arg12[%rem3A_340] : memref<10x!tpu.dma_semaphore, #tpu.memory_space<semaphore_mem>> -> memref<1x!tpu.dma_semaphore, #tpu.memory_space<semaphore_mem>>
          %dma_start3A_372 = tpu.memref_squeeze %dma_start3A_371 : memref<1x!tpu.dma_semaphore, #tpu.memory_space<semaphore_mem>> -> memref<!tpu.dma_semaphore, #tpu.memory_space<semaphore_mem>>
          %dma_start3A_373 = arith.constant 0 : i32
          %dma_start3A_374 = tpu.memref_slice %arg8[%rem3A_340, %dma_start3A_373] : memref<10x128xi32, #tpu.memory_space<vmem>> -> memref<1x128xi32, #tpu.memory_space<vmem>>
          %dma_start3A_375 = tpu.memref_squeeze %dma_start3A_374 : memref<1x128xi32, #tpu.memory_space<vmem>> -> memref<128xi32, #tpu.memory_space<vmem>>
          %dma_start3A_376 = tpu.memref_slice %arg3[%add3A_348] : memref<640000xi32, #tpu.memory_space<hbm>> -> memref<128xi32, #tpu.memory_space<hbm>>
          tpu.enqueue_dma source(%dma_start3A_376 : memref<128xi32, #tpu.memory_space<hbm>>) target(%dma_start3A_375 : memref<128xi32, #tpu.memory_space<vmem>>) target_semaphore(%dma_start3A_372 : memref<!tpu.dma_semaphore, #tpu.memory_space<semaphore_mem>>)
        } else {
        }
      } else {
      }
      %add3A_330 = arith.constant 2 : i32
      %add3A_331 = arith.addi %scan3A_296, %add3A_330 : i32
      %lt3A_332 = arith.constant 157 : i32
      %lt3A_333 = arith.cmpi slt, %add3A_331, %lt3A_332 : i32
      %convert_element_type3A_334 = arith.extui %lt3A_333 : i1 to i32
      %cond3A_335 = arith.constant 0 : i32
      %cond3A_336 = arith.cmpi ne, %convert_element_type3A_334, %cond3A_335 : i32
      scf.if %cond3A_336 {
        %add3A_337 = arith.constant 2 : i32
        %add3A_338 = arith.addi %scan3A_296, %add3A_337 : i32
        %sub3A = arith.constant 5 : i32
        %sub3A_339 = arith.subi %add3A_338, %sub3A : i32
        %ge3A = arith.constant 0 : i32
        %ge3A_340 = arith.cmpi sge, %sub3A_339, %ge3A : i32
        %convert_element_type3A_341 = arith.extui %ge3A_340 : i1 to i32
        %cond3A_342 = arith.constant 0 : i32
        %cond3A_343 = arith.cmpi ne, %convert_element_type3A_341, %cond3A_342 : i32
        scf.if %cond3A_343 {
          %add3A_374 = arith.constant 2 : i32
          %add3A_375 = arith.addi %scan3A_296, %add3A_374 : i32
          %rem3A_376 = arith.constant 5 : i32
          %rem3A_377 = arith.remsi %add3A_375, %rem3A_376 : i32
          %dma_wait3A_378 = arith.constant 0 : i32
          %dma_wait3A_379 = arith.constant 0 : i32
          %dma_wait3A_380 = arith.constant 0 : i32
          %dma_wait3A_381 = tpu.memref_slice %arg9[%rem3A_377, %dma_wait3A_379, %dma_wait3A_380] : memref<5x128x64xf32, #tpu.memory_space<vmem>> -> memref<1x128x64xf32, #tpu.memory_space<vmem>>
          %dma_wait3A_382 = tpu.memref_squeeze %dma_wait3A_381 : memref<1x128x64xf32, #tpu.memory_space<vmem>> -> memref<128x64xf32, #tpu.memory_space<vmem>>
          %dma_wait3A_383 = arith.constant 0 : i32
          %dma_wait3A_384 = tpu.memref_slice %arg8[%dma_wait3A_378, %dma_wait3A_383] : memref<10x128xi32, #tpu.memory_space<vmem>> -> memref<1x128xi32, #tpu.memory_space<vmem>>
          %dma_wait3A_385 = tpu.memref_squeeze %dma_wait3A_384 : memref<1x128xi32, #tpu.memory_space<vmem>> -> memref<128xi32, #tpu.memory_space<vmem>>
          %dma_wait3A_386 = arith.constant 0 : i32
          %dma_wait3A_387 = arith.constant 0 : i32
          %dma_wait3A_388 = tpu.memref_slice %arg11[%dma_wait3A_386, %dma_wait3A_387] : memref<10240x64xf32, #tpu.memory_space<vmem_shared>> -> memref<10240x64xf32, #tpu.memory_space<vmem_shared>>
          %dma_wait3A_389 = tpu.memref_slice %arg14[%rem3A_377] : memref<5x!tpu.dma_semaphore, #tpu.memory_space<semaphore_mem>> -> memref<1x!tpu.dma_semaphore, #tpu.memory_space<semaphore_mem>>
          %dma_wait3A_390 = tpu.memref_squeeze %dma_wait3A_389 : memref<1x!tpu.dma_semaphore, #tpu.memory_space<semaphore_mem>> -> memref<!tpu.dma_semaphore, #tpu.memory_space<semaphore_mem>>
          tpu.wait_indirect_dma semaphore(%dma_wait3A_390 : memref<!tpu.dma_semaphore, #tpu.memory_space<semaphore_mem>>) src(%dma_wait3A_382 : memref<128x64xf32, #tpu.memory_space<vmem>>) dst(%dma_wait3A_388 : memref<10240x64xf32, #tpu.memory_space<vmem_shared>>)
        } else {
        }
        %add3A_344 = arith.constant 2 : i32
        %add3A_345 = arith.addi %scan3A_296, %add3A_344 : i32
        %rem3A_346 = arith.constant 10 : i32
        %rem3A_347 = arith.remsi %add3A_345, %rem3A_346 : i32
        %eq3A = arith.constant 156 : i32
        %eq3A_348 = arith.cmpi eq, %add3A_345, %eq3A : i32
        %convert_element_type3A_349 = arith.extui %eq3A_348 : i1 to i32
        %cond3A_350 = arith.constant 0 : i32
        %cond3A_351 = arith.cmpi ne, %convert_element_type3A_349, %cond3A_350 : i32
        scf.if %cond3A_351 {
          %dma_wait3A_374 = arith.constant 0 : i32
          %dma_wait3A_375 = tpu.memref_slice %arg7[%rem3A_347, %dma_wait3A_374] : memref<10x128xi32, #tpu.memory_space<vmem>> -> memref<1x32xi32, #tpu.memory_space<vmem>>
          %dma_wait3A_376 = tpu.memref_squeeze %dma_wait3A_375 : memref<1x32xi32, #tpu.memory_space<vmem>> -> memref<32xi32, #tpu.memory_space<vmem>>
          %dma_wait3A_377 = arith.constant 0 : i32
          %dma_wait3A_378 = tpu.memref_slice %arg3[%dma_wait3A_377] : memref<640000xi32, #tpu.memory_space<hbm>> -> memref<32xi32, #tpu.memory_space<hbm>>
          %dma_wait3A_379 = tpu.memref_slice %arg12[%rem3A_347] : memref<10x!tpu.dma_semaphore, #tpu.memory_space<semaphore_mem>> -> memref<1x!tpu.dma_semaphore, #tpu.memory_space<semaphore_mem>>
          %dma_wait3A_380 = tpu.memref_squeeze %dma_wait3A_379 : memref<1x!tpu.dma_semaphore, #tpu.memory_space<semaphore_mem>> -> memref<!tpu.dma_semaphore, #tpu.memory_space<semaphore_mem>>
          %dma_wait3A_381 = arith.constant 0 : i32
          %dma_wait3A_382 = tpu.memref_slice %arg7[%rem3A_347, %dma_wait3A_381] : memref<10x128xi32, #tpu.memory_space<vmem>> -> memref<1x32xi32, #tpu.memory_space<vmem>>
          %dma_wait3A_383 = tpu.memref_squeeze %dma_wait3A_382 : memref<1x32xi32, #tpu.memory_space<vmem>> -> memref<32xi32, #tpu.memory_space<vmem>>
          %dma_wait3A_384 = arith.constant 0 : i32
          %dma_wait3A_385 = tpu.memref_slice %arg3[%dma_wait3A_384] : memref<640000xi32, #tpu.memory_space<hbm>> -> memref<32xi32, #tpu.memory_space<hbm>>
          tpu.wait_dma2 semaphore(%dma_wait3A_380 : memref<!tpu.dma_semaphore, #tpu.memory_space<semaphore_mem>>) src(%dma_wait3A_385 : memref<32xi32, #tpu.memory_space<hbm>>) dst(%dma_wait3A_383 : memref<32xi32, #tpu.memory_space<vmem>>)
          %dma_wait3A_386 = arith.constant 0 : i32
          %dma_wait3A_387 = tpu.memref_slice %arg8[%rem3A_347, %dma_wait3A_386] : memref<10x128xi32, #tpu.memory_space<vmem>> -> memref<1x32xi32, #tpu.memory_space<vmem>>
          %dma_wait3A_388 = tpu.memref_squeeze %dma_wait3A_387 : memref<1x32xi32, #tpu.memory_space<vmem>> -> memref<32xi32, #tpu.memory_space<vmem>>
          %dma_wait3A_389 = arith.constant 0 : i32
          %dma_wait3A_390 = tpu.memref_slice %arg3[%dma_wait3A_389] : memref<640000xi32, #tpu.memory_space<hbm>> -> memref<32xi32, #tpu.memory_space<hbm>>
          %dma_wait3A_391 = tpu.memref_slice %arg12[%rem3A_347] : memref<10x!tpu.dma_semaphore, #tpu.memory_space<semaphore_mem>> -> memref<1x!tpu.dma_semaphore, #tpu.memory_space<semaphore_mem>>
          %dma_wait3A_392 = tpu.memref_squeeze %dma_wait3A_391 : memref<1x!tpu.dma_semaphore, #tpu.memory_space<semaphore_mem>> -> memref<!tpu.dma_semaphore, #tpu.memory_space<semaphore_mem>>
          %dma_wait3A_393 = arith.constant 0 : i32
          %dma_wait3A_394 = tpu.memref_slice %arg8[%rem3A_347, %dma_wait3A_393] : memref<10x128xi32, #tpu.memory_space<vmem>> -> memref<1x32xi32, #tpu.memory_space<vmem>>
          %dma_wait3A_395 = tpu.memref_squeeze %dma_wait3A_394 : memref<1x32xi32, #tpu.memory_space<vmem>> -> memref<32xi32, #tpu.memory_space<vmem>>
          %dma_wait3A_396 = arith.constant 0 : i32
          %dma_wait3A_397 = tpu.memref_slice %arg3[%dma_wait3A_396] : memref<640000xi32, #tpu.memory_space<hbm>> -> memref<32xi32, #tpu.memory_space<hbm>>
          tpu.wait_dma2 semaphore(%dma_wait3A_392 : memref<!tpu.dma_semaphore, #tpu.memory_space<semaphore_mem>>) src(%dma_wait3A_397 : memref<32xi32, #tpu.memory_space<hbm>>) dst(%dma_wait3A_395 : memref<32xi32, #tpu.memory_space<vmem>>)
        } else {
        }
        %ne3A = arith.constant 156 : i32
        %ne3A_352 = arith.cmpi ne, %add3A_345, %ne3A : i32
        %convert_element_type3A_353 = arith.extui %ne3A_352 : i1 to i32
        %cond3A_354 = arith.constant 0 : i32
        %cond3A_355 = arith.cmpi ne, %convert_element_type3A_353, %cond3A_354 : i32
        scf.if %cond3A_355 {
          %dma_wait3A_374 = arith.constant 0 : i32
          %dma_wait3A_375 = tpu.memref_slice %arg7[%rem3A_347, %dma_wait3A_374] : memref<10x128xi32, #tpu.memory_space<vmem>> -> memref<1x128xi32, #tpu.memory_space<vmem>>
          %dma_wait3A_376 = tpu.memref_squeeze %dma_wait3A_375 : memref<1x128xi32, #tpu.memory_space<vmem>> -> memref<128xi32, #tpu.memory_space<vmem>>
          %dma_wait3A_377 = arith.constant 0 : i32
          %dma_wait3A_378 = tpu.memref_slice %arg3[%dma_wait3A_377] : memref<640000xi32, #tpu.memory_space<hbm>> -> memref<128xi32, #tpu.memory_space<hbm>>
          %dma_wait3A_379 = tpu.memref_slice %arg12[%rem3A_347] : memref<10x!tpu.dma_semaphore, #tpu.memory_space<semaphore_mem>> -> memref<1x!tpu.dma_semaphore, #tpu.memory_space<semaphore_mem>>
          %dma_wait3A_380 = tpu.memref_squeeze %dma_wait3A_379 : memref<1x!tpu.dma_semaphore, #tpu.memory_space<semaphore_mem>> -> memref<!tpu.dma_semaphore, #tpu.memory_space<semaphore_mem>>
          %dma_wait3A_381 = arith.constant 0 : i32
          %dma_wait3A_382 = tpu.memref_slice %arg7[%rem3A_347, %dma_wait3A_381] : memref<10x128xi32, #tpu.memory_space<vmem>> -> memref<1x128xi32, #tpu.memory_space<vmem>>
          %dma_wait3A_383 = tpu.memref_squeeze %dma_wait3A_382 : memref<1x128xi32, #tpu.memory_space<vmem>> -> memref<128xi32, #tpu.memory_space<vmem>>
          %dma_wait3A_384 = arith.constant 0 : i32
          %dma_wait3A_385 = tpu.memref_slice %arg3[%dma_wait3A_384] : memref<640000xi32, #tpu.memory_space<hbm>> -> memref<128xi32, #tpu.memory_space<hbm>>
          tpu.wait_dma2 semaphore(%dma_wait3A_380 : memref<!tpu.dma_semaphore, #tpu.memory_space<semaphore_mem>>) src(%dma_wait3A_385 : memref<128xi32, #tpu.memory_space<hbm>>) dst(%dma_wait3A_383 : memref<128xi32, #tpu.memory_space<vmem>>)
          %dma_wait3A_386 = arith.constant 0 : i32
          %dma_wait3A_387 = tpu.memref_slice %arg8[%rem3A_347, %dma_wait3A_386] : memref<10x128xi32, #tpu.memory_space<vmem>> -> memref<1x128xi32, #tpu.memory_space<vmem>>
          %dma_wait3A_388 = tpu.memref_squeeze %dma_wait3A_387 : memref<1x128xi32, #tpu.memory_space<vmem>> -> memref<128xi32, #tpu.memory_space<vmem>>
          %dma_wait3A_389 = arith.constant 0 : i32
          %dma_wait3A_390 = tpu.memref_slice %arg3[%dma_wait3A_389] : memref<640000xi32, #tpu.memory_space<hbm>> -> memref<128xi32, #tpu.memory_space<hbm>>
          %dma_wait3A_391 = tpu.memref_slice %arg12[%rem3A_347] : memref<10x!tpu.dma_semaphore, #tpu.memory_space<semaphore_mem>> -> memref<1x!tpu.dma_semaphore, #tpu.memory_space<semaphore_mem>>
          %dma_wait3A_392 = tpu.memref_squeeze %dma_wait3A_391 : memref<1x!tpu.dma_semaphore, #tpu.memory_space<semaphore_mem>> -> memref<!tpu.dma_semaphore, #tpu.memory_space<semaphore_mem>>
          %dma_wait3A_393 = arith.constant 0 : i32
          %dma_wait3A_394 = tpu.memref_slice %arg8[%rem3A_347, %dma_wait3A_393] : memref<10x128xi32, #tpu.memory_space<vmem>> -> memref<1x128xi32, #tpu.memory_space<vmem>>
          %dma_wait3A_395 = tpu.memref_squeeze %dma_wait3A_394 : memref<1x128xi32, #tpu.memory_space<vmem>> -> memref<128xi32, #tpu.memory_space<vmem>>
          %dma_wait3A_396 = arith.constant 0 : i32
          %dma_wait3A_397 = tpu.memref_slice %arg3[%dma_wait3A_396] : memref<640000xi32, #tpu.memory_space<hbm>> -> memref<128xi32, #tpu.memory_space<hbm>>
          tpu.wait_dma2 semaphore(%dma_wait3A_392 : memref<!tpu.dma_semaphore, #tpu.memory_space<semaphore_mem>>) src(%dma_wait3A_397 : memref<128xi32, #tpu.memory_space<hbm>>) dst(%dma_wait3A_395 : memref<128xi32, #tpu.memory_space<vmem>>)
        } else {
        }
        %add3A_356 = arith.constant 2 : i32
        %add3A_357 = arith.addi %scan3A_296, %add3A_356 : i32
        %rem3A_358 = arith.constant 10 : i32
        %rem3A_359 = arith.remsi %add3A_357, %rem3A_358 : i32
        %rem3A_360 = arith.constant 5 : i32
        %rem3A_361 = arith.remsi %add3A_357, %rem3A_360 : i32
        %dma_start3A_362 = arith.constant 0 : i32
        %dma_start3A_363 = arith.constant 0 : i32
        %dma_start3A_364 = tpu.memref_slice %arg9[%rem3A_361, %dma_start3A_362, %dma_start3A_363] : memref<5x128x64xf32, #tpu.memory_space<vmem>> -> memref<1x128x64xf32, #tpu.memory_space<vmem>>
        %dma_start3A_365 = tpu.memref_squeeze %dma_start3A_364 : memref<1x128x64xf32, #tpu.memory_space<vmem>> -> memref<128x64xf32, #tpu.memory_space<vmem>>
        %dma_start3A_366 = arith.constant 0 : i32
        %dma_start3A_367 = tpu.memref_slice %arg7[%rem3A_359, %dma_start3A_366] : memref<10x128xi32, #tpu.memory_space<vmem>> -> memref<1x128xi32, #tpu.memory_space<vmem>>
        %dma_start3A_368 = tpu.memref_squeeze %dma_start3A_367 : memref<1x128xi32, #tpu.memory_space<vmem>> -> memref<128xi32, #tpu.memory_space<vmem>>
        %dma_start3A_369 = arith.constant 0 : i32
        %dma_start3A_370 = arith.constant 0 : i32
        %dma_start3A_371 = tpu.memref_slice %arg10[%dma_start3A_369, %dma_start3A_370] : memref<10240x64xf32, #tpu.memory_space<vmem_shared>> -> memref<10240x64xf32, #tpu.memory_space<vmem_shared>>
        %dma_start3A_372 = tpu.memref_slice %arg13[%rem3A_361] : memref<5x!tpu.dma_semaphore, #tpu.memory_space<semaphore_mem>> -> memref<1x!tpu.dma_semaphore, #tpu.memory_space<semaphore_mem>>
        %dma_start3A_373 = tpu.memref_squeeze %dma_start3A_372 : memref<1x!tpu.dma_semaphore, #tpu.memory_space<semaphore_mem>> -> memref<!tpu.dma_semaphore, #tpu.memory_space<semaphore_mem>>
        tpu.enqueue_indirect_dma source(%dma_start3A_371 : memref<10240x64xf32, #tpu.memory_space<vmem_shared>>) target(%dma_start3A_365 : memref<128x64xf32, #tpu.memory_space<vmem>>) offsets(%dma_start3A_368 : memref<128xi32, #tpu.memory_space<vmem>>) semaphore(%dma_start3A_373 : memref<!tpu.dma_semaphore, #tpu.memory_space<semaphore_mem>>)
      } else {
      }
    }
    %scan3A_219 = arith.constant 157 : i32
    %dma_wait3A_220 = arith.constant 2 : i32
    %dma_wait3A_221 = arith.constant 0 : i32
    %dma_wait3A_222 = arith.constant 2 : i32
    %dma_wait3A_223 = arith.constant 0 : i32
    %dma_wait3A_224 = arith.constant 0 : i32
    %dma_wait3A_225 = tpu.memref_slice %arg9[%dma_wait3A_220, %dma_wait3A_223, %dma_wait3A_224] : memref<5x128x64xf32, #tpu.memory_space<vmem>> -> memref<1x128x64xf32, #tpu.memory_space<vmem>>
    %dma_wait3A_226 = tpu.memref_squeeze %dma_wait3A_225 : memref<1x128x64xf32, #tpu.memory_space<vmem>> -> memref<128x64xf32, #tpu.memory_space<vmem>>
    %dma_wait3A_227 = arith.constant 0 : i32
    %dma_wait3A_228 = tpu.memref_slice %arg8[%dma_wait3A_221, %dma_wait3A_227] : memref<10x128xi32, #tpu.memory_space<vmem>> -> memref<1x128xi32, #tpu.memory_space<vmem>>
    %dma_wait3A_229 = tpu.memref_squeeze %dma_wait3A_228 : memref<1x128xi32, #tpu.memory_space<vmem>> -> memref<128xi32, #tpu.memory_space<vmem>>
    %dma_wait3A_230 = arith.constant 0 : i32
    %dma_wait3A_231 = arith.constant 0 : i32
    %dma_wait3A_232 = tpu.memref_slice %arg11[%dma_wait3A_230, %dma_wait3A_231] : memref<10240x64xf32, #tpu.memory_space<vmem_shared>> -> memref<10240x64xf32, #tpu.memory_space<vmem_shared>>
    %dma_wait3A_233 = tpu.memref_slice %arg14[%dma_wait3A_222] : memref<5x!tpu.dma_semaphore, #tpu.memory_space<semaphore_mem>> -> memref<1x!tpu.dma_semaphore, #tpu.memory_space<semaphore_mem>>
    %dma_wait3A_234 = tpu.memref_squeeze %dma_wait3A_233 : memref<1x!tpu.dma_semaphore, #tpu.memory_space<semaphore_mem>> -> memref<!tpu.dma_semaphore, #tpu.memory_space<semaphore_mem>>
    tpu.wait_indirect_dma semaphore(%dma_wait3A_234 : memref<!tpu.dma_semaphore, #tpu.memory_space<semaphore_mem>>) src(%dma_wait3A_226 : memref<128x64xf32, #tpu.memory_space<vmem>>) dst(%dma_wait3A_232 : memref<10240x64xf32, #tpu.memory_space<vmem_shared>>)
    %dma_wait3A_235 = arith.constant 3 : i32
    %dma_wait3A_236 = arith.constant 0 : i32
    %dma_wait3A_237 = arith.constant 3 : i32
    %dma_wait3A_238 = arith.constant 0 : i32
    %dma_wait3A_239 = arith.constant 0 : i32
    %dma_wait3A_240 = tpu.memref_slice %arg9[%dma_wait3A_235, %dma_wait3A_238, %dma_wait3A_239] : memref<5x128x64xf32, #tpu.memory_space<vmem>> -> memref<1x128x64xf32, #tpu.memory_space<vmem>>
    %dma_wait3A_241 = tpu.memref_squeeze %dma_wait3A_240 : memref<1x128x64xf32, #tpu.memory_space<vmem>> -> memref<128x64xf32, #tpu.memory_space<vmem>>
    %dma_wait3A_242 = arith.constant 0 : i32
    %dma_wait3A_243 = tpu.memref_slice %arg8[%dma_wait3A_236, %dma_wait3A_242] : memref<10x128xi32, #tpu.memory_space<vmem>> -> memref<1x128xi32, #tpu.memory_space<vmem>>
    %dma_wait3A_244 = tpu.memref_squeeze %dma_wait3A_243 : memref<1x128xi32, #tpu.memory_space<vmem>> -> memref<128xi32, #tpu.memory_space<vmem>>
    %dma_wait3A_245 = arith.constant 0 : i32
    %dma_wait3A_246 = arith.constant 0 : i32
    %dma_wait3A_247 = tpu.memref_slice %arg11[%dma_wait3A_245, %dma_wait3A_246] : memref<10240x64xf32, #tpu.memory_space<vmem_shared>> -> memref<10240x64xf32, #tpu.memory_space<vmem_shared>>
    %dma_wait3A_248 = tpu.memref_slice %arg14[%dma_wait3A_237] : memref<5x!tpu.dma_semaphore, #tpu.memory_space<semaphore_mem>> -> memref<1x!tpu.dma_semaphore, #tpu.memory_space<semaphore_mem>>
    %dma_wait3A_249 = tpu.memref_squeeze %dma_wait3A_248 : memref<1x!tpu.dma_semaphore, #tpu.memory_space<semaphore_mem>> -> memref<!tpu.dma_semaphore, #tpu.memory_space<semaphore_mem>>
    tpu.wait_indirect_dma semaphore(%dma_wait3A_249 : memref<!tpu.dma_semaphore, #tpu.memory_space<semaphore_mem>>) src(%dma_wait3A_241 : memref<128x64xf32, #tpu.memory_space<vmem>>) dst(%dma_wait3A_247 : memref<10240x64xf32, #tpu.memory_space<vmem_shared>>)
    %dma_wait3A_250 = arith.constant 4 : i32
    %dma_wait3A_251 = arith.constant 0 : i32
    %dma_wait3A_252 = arith.constant 4 : i32
    %dma_wait3A_253 = arith.constant 0 : i32
    %dma_wait3A_254 = arith.constant 0 : i32
    %dma_wait3A_255 = tpu.memref_slice %arg9[%dma_wait3A_250, %dma_wait3A_253, %dma_wait3A_254] : memref<5x128x64xf32, #tpu.memory_space<vmem>> -> memref<1x128x64xf32, #tpu.memory_space<vmem>>
    %dma_wait3A_256 = tpu.memref_squeeze %dma_wait3A_255 : memref<1x128x64xf32, #tpu.memory_space<vmem>> -> memref<128x64xf32, #tpu.memory_space<vmem>>
    %dma_wait3A_257 = arith.constant 0 : i32
    %dma_wait3A_258 = tpu.memref_slice %arg8[%dma_wait3A_251, %dma_wait3A_257] : memref<10x128xi32, #tpu.memory_space<vmem>> -> memref<1x128xi32, #tpu.memory_space<vmem>>
    %dma_wait3A_259 = tpu.memref_squeeze %dma_wait3A_258 : memref<1x128xi32, #tpu.memory_space<vmem>> -> memref<128xi32, #tpu.memory_space<vmem>>
    %dma_wait3A_260 = arith.constant 0 : i32
    %dma_wait3A_261 = arith.constant 0 : i32
    %dma_wait3A_262 = tpu.memref_slice %arg11[%dma_wait3A_260, %dma_wait3A_261] : memref<10240x64xf32, #tpu.memory_space<vmem_shared>> -> memref<10240x64xf32, #tpu.memory_space<vmem_shared>>
    %dma_wait3A_263 = tpu.memref_slice %arg14[%dma_wait3A_252] : memref<5x!tpu.dma_semaphore, #tpu.memory_space<semaphore_mem>> -> memref<1x!tpu.dma_semaphore, #tpu.memory_space<semaphore_mem>>
    %dma_wait3A_264 = tpu.memref_squeeze %dma_wait3A_263 : memref<1x!tpu.dma_semaphore, #tpu.memory_space<semaphore_mem>> -> memref<!tpu.dma_semaphore, #tpu.memory_space<semaphore_mem>>
    tpu.wait_indirect_dma semaphore(%dma_wait3A_264 : memref<!tpu.dma_semaphore, #tpu.memory_space<semaphore_mem>>) src(%dma_wait3A_256 : memref<128x64xf32, #tpu.memory_space<vmem>>) dst(%dma_wait3A_262 : memref<10240x64xf32, #tpu.memory_space<vmem_shared>>)
    %dma_wait3A_265 = arith.constant 0 : i32
    %dma_wait3A_266 = arith.constant 0 : i32
    %dma_wait3A_267 = arith.constant 0 : i32
    %dma_wait3A_268 = arith.constant 0 : i32
    %dma_wait3A_269 = arith.constant 0 : i32
    %dma_wait3A_270 = tpu.memref_slice %arg9[%dma_wait3A_265, %dma_wait3A_268, %dma_wait3A_269] : memref<5x128x64xf32, #tpu.memory_space<vmem>> -> memref<1x128x64xf32, #tpu.memory_space<vmem>>
    %dma_wait3A_271 = tpu.memref_squeeze %dma_wait3A_270 : memref<1x128x64xf32, #tpu.memory_space<vmem>> -> memref<128x64xf32, #tpu.memory_space<vmem>>
    %dma_wait3A_272 = arith.constant 0 : i32
    %dma_wait3A_273 = tpu.memref_slice %arg8[%dma_wait3A_266, %dma_wait3A_272] : memref<10x128xi32, #tpu.memory_space<vmem>> -> memref<1x128xi32, #tpu.memory_space<vmem>>
    %dma_wait3A_274 = tpu.memref_squeeze %dma_wait3A_273 : memref<1x128xi32, #tpu.memory_space<vmem>> -> memref<128xi32, #tpu.memory_space<vmem>>
    %dma_wait3A_275 = arith.constant 0 : i32
    %dma_wait3A_276 = arith.constant 0 : i32
    %dma_wait3A_277 = tpu.memref_slice %arg11[%dma_wait3A_275, %dma_wait3A_276] : memref<10240x64xf32, #tpu.memory_space<vmem_shared>> -> memref<10240x64xf32, #tpu.memory_space<vmem_shared>>
    %dma_wait3A_278 = tpu.memref_slice %arg14[%dma_wait3A_267] : memref<5x!tpu.dma_semaphore, #tpu.memory_space<semaphore_mem>> -> memref<1x!tpu.dma_semaphore, #tpu.memory_space<semaphore_mem>>
    %dma_wait3A_279 = tpu.memref_squeeze %dma_wait3A_278 : memref<1x!tpu.dma_semaphore, #tpu.memory_space<semaphore_mem>> -> memref<!tpu.dma_semaphore, #tpu.memory_space<semaphore_mem>>
    tpu.wait_indirect_dma semaphore(%dma_wait3A_279 : memref<!tpu.dma_semaphore, #tpu.memory_space<semaphore_mem>>) src(%dma_wait3A_271 : memref<128x64xf32, #tpu.memory_space<vmem>>) dst(%dma_wait3A_277 : memref<10240x64xf32, #tpu.memory_space<vmem_shared>>)
    %dma_wait3A_280 = arith.constant 1 : i32
    %dma_wait3A_281 = arith.constant 0 : i32
    %dma_wait3A_282 = arith.constant 1 : i32
    %dma_wait3A_283 = arith.constant 0 : i32
    %dma_wait3A_284 = arith.constant 0 : i32
    %dma_wait3A_285 = tpu.memref_slice %arg9[%dma_wait3A_280, %dma_wait3A_283, %dma_wait3A_284] : memref<5x128x64xf32, #tpu.memory_space<vmem>> -> memref<1x128x64xf32, #tpu.memory_space<vmem>>
    %dma_wait3A_286 = tpu.memref_squeeze %dma_wait3A_285 : memref<1x128x64xf32, #tpu.memory_space<vmem>> -> memref<128x64xf32, #tpu.memory_space<vmem>>
    %dma_wait3A_287 = arith.constant 0 : i32
    %dma_wait3A_288 = tpu.memref_slice %arg8[%dma_wait3A_281, %dma_wait3A_287] : memref<10x128xi32, #tpu.memory_space<vmem>> -> memref<1x128xi32, #tpu.memory_space<vmem>>
    %dma_wait3A_289 = tpu.memref_squeeze %dma_wait3A_288 : memref<1x128xi32, #tpu.memory_space<vmem>> -> memref<128xi32, #tpu.memory_space<vmem>>
    %dma_wait3A_290 = arith.constant 0 : i32
    %dma_wait3A_291 = arith.constant 0 : i32
    %dma_wait3A_292 = tpu.memref_slice %arg11[%dma_wait3A_290, %dma_wait3A_291] : memref<10240x64xf32, #tpu.memory_space<vmem_shared>> -> memref<10240x64xf32, #tpu.memory_space<vmem_shared>>
    %dma_wait3A_293 = tpu.memref_slice %arg14[%dma_wait3A_282] : memref<5x!tpu.dma_semaphore, #tpu.memory_space<semaphore_mem>> -> memref<1x!tpu.dma_semaphore, #tpu.memory_space<semaphore_mem>>
    %dma_wait3A_294 = tpu.memref_squeeze %dma_wait3A_293 : memref<1x!tpu.dma_semaphore, #tpu.memory_space<semaphore_mem>> -> memref<!tpu.dma_semaphore, #tpu.memory_space<semaphore_mem>>
    tpu.wait_indirect_dma semaphore(%dma_wait3A_294 : memref<!tpu.dma_semaphore, #tpu.memory_space<semaphore_mem>>) src(%dma_wait3A_286 : memref<128x64xf32, #tpu.memory_space<vmem>>) dst(%dma_wait3A_292 : memref<10240x64xf32, #tpu.memory_space<vmem_shared>>)
    %barrier3A_295 = arith.constant 0 : index
    tpu.barrier barrier_id(%barrier3A_295)
    "tpu.region"() ({
      %run_scoped3A = tpu.sem_alloc : memref<!tpu.dma_semaphore, #tpu.memory_space<semaphore_mem>>
      %dma_start3A_296 = tpu.memref_slice %arg6[%multiple_of3A_3, %multiple_of3A] : memref<10240x128xf32, #tpu.memory_space<hbm>> -> memref<640x64xf32, #tpu.memory_space<hbm>>
      %dma_start3A_297 = arith.constant 0 : i32
      %dma_start3A_298 = tpu.memref_slice %arg11[%multiple_of3A_3, %dma_start3A_297] : memref<10240x64xf32, #tpu.memory_space<vmem_shared>> -> memref<640x64xf32, #tpu.memory_space<vmem_shared>>
      tpu.enqueue_dma source(%dma_start3A_298 : memref<640x64xf32, #tpu.memory_space<vmem_shared>>) target(%dma_start3A_296 : memref<640x64xf32, #tpu.memory_space<hbm>>) target_semaphore(%run_scoped3A : memref<!tpu.dma_semaphore, #tpu.memory_space<semaphore_mem>>)
      %dma_wait3A_299 = tpu.memref_slice %arg6[%multiple_of3A_3, %multiple_of3A] : memref<10240x128xf32, #tpu.memory_space<hbm>> -> memref<640x64xf32, #tpu.memory_space<hbm>>
      %dma_wait3A_300 = arith.constant 0 : i32
      %dma_wait3A_301 = tpu.memref_slice %arg11[%multiple_of3A_3, %dma_wait3A_300] : memref<10240x64xf32, #tpu.memory_space<vmem_shared>> -> memref<640x64xf32, #tpu.memory_space<vmem_shared>>
      tpu.wait_dma2 semaphore(%run_scoped3A : memref<!tpu.dma_semaphore, #tpu.memory_space<semaphore_mem>>) src(%dma_wait3A_301 : memref<640x64xf32, #tpu.memory_space<vmem_shared>>) dst(%dma_wait3A_299 : memref<640x64xf32, #tpu.memory_space<hbm>>)
      tpu.yield
    }) : () -> ()
    return
  }
}

#map = affine_map<(d0, d1) -> (0)>
#map1 = affine_map<(d0, d1) -> (0, 0)>
module attributes {stable_mosaic.version = 14 : i64} {
  func.func @_deg_kernel(%arg0: i32, %arg1: i32, %arg2: memref<640000xi32, #tpu.memory_space<hbm>>, %arg3: memref<10240xf32, #tpu.memory_space<hbm>>, %arg4: memref<32x10240xf32, #tpu.memory_space<hbm>>, %arg5: memref<10000xi32, #tpu.memory_space<vmem>>, %arg6: memref<10240xf32, #tpu.memory_space<vmem>>) attributes {dimension_semantics = [#tpu.dimension_semantics<core_parallel>, #tpu.dimension_semantics<subcore_parallel>], iteration_bounds = array<i64: 2, 16>, scalar_prefetch = 0 : i64, scratch_operands = 2 : i64, tpu.core_type = #tpu.core_type<sc_vector_subcore>, window_params = [{transform_indices = #map}, {transform_indices = #map}, {transform_indices = #map1}]} {
    %mul3A = arith.constant 2 : i32
    %mul3A_0 = arith.muli %arg1, %mul3A : i32
    %add3A = arith.addi %mul3A_0, %arg0 : i32
    "tpu.region"() ({
      %run_scoped3A = tpu.sem_alloc : memref<!tpu.dma_semaphore, #tpu.memory_space<semaphore_mem>>
      tpu.enqueue_dma source(%arg3 : memref<10240xf32, #tpu.memory_space<hbm>>) target(%arg6 : memref<10240xf32, #tpu.memory_space<vmem>>) target_semaphore(%run_scoped3A : memref<!tpu.dma_semaphore, #tpu.memory_space<semaphore_mem>>)
      tpu.wait_dma2 semaphore(%run_scoped3A : memref<!tpu.dma_semaphore, #tpu.memory_space<semaphore_mem>>) src(%arg3 : memref<10240xf32, #tpu.memory_space<hbm>>) dst(%arg6 : memref<10240xf32, #tpu.memory_space<vmem>>)
      tpu.yield
    }) : () -> ()
    %mul3A_1 = arith.constant 10000 : i32
    %mul3A_2 = arith.muli %add3A, %mul3A_1 : i32
    %add3A_3 = arith.constant 320000 : i32
    %add3A_4 = arith.addi %add3A_3, %mul3A_2 : i32
    "tpu.region"() ({
      %run_scoped3A = tpu.sem_alloc : memref<!tpu.dma_semaphore, #tpu.memory_space<semaphore_mem>>
      %dma_start3A = tpu.memref_slice %arg2[%add3A_4] : memref<640000xi32, #tpu.memory_space<hbm>> -> memref<10000xi32, #tpu.memory_space<hbm>>
      %dma_start3A_11 = tpu.memref_slice %arg2[%add3A_4] : memref<640000xi32, #tpu.memory_space<hbm>> -> memref<10000xi32, #tpu.memory_space<hbm>>
      tpu.enqueue_dma source(%dma_start3A_11 : memref<10000xi32, #tpu.memory_space<hbm>>) target(%arg5 : memref<10000xi32, #tpu.memory_space<vmem>>) target_semaphore(%run_scoped3A : memref<!tpu.dma_semaphore, #tpu.memory_space<semaphore_mem>>)
      %dma_wait3A = tpu.memref_slice %arg2[%add3A_4] : memref<640000xi32, #tpu.memory_space<hbm>> -> memref<10000xi32, #tpu.memory_space<hbm>>
      %dma_wait3A_12 = tpu.memref_slice %arg2[%add3A_4] : memref<640000xi32, #tpu.memory_space<hbm>> -> memref<10000xi32, #tpu.memory_space<hbm>>
      tpu.wait_dma2 semaphore(%run_scoped3A : memref<!tpu.dma_semaphore, #tpu.memory_space<semaphore_mem>>) src(%dma_wait3A_12 : memref<10000xi32, #tpu.memory_space<hbm>>) dst(%arg5 : memref<10000xi32, #tpu.memory_space<vmem>>)
      tpu.yield
    }) : () -> ()
    %broadcast_in_dim3A = arith.constant 1.000000e+00 : f32
    %broadcast_in_dim3A_5 = vector.broadcast %broadcast_in_dim3A : f32 to vector<16xf32>
    %scan3A = arith.constant 0 : i32
    %scan3A_6 = arith.constant 0 : i32
    %scan3A_7 = arith.constant 625 : i32
    %scan3A_8 = arith.addi %scan3A_6, %scan3A_7 : i32
    %scan3A_9 = arith.constant 1 : i32
    scf.for %scan3A_11 = %scan3A_6 to %scan3A_8 step %scan3A_9  : i32 {
      %mul3A_12 = arith.constant 16 : i32
      %mul3A_13 = arith.muli %scan3A_11, %mul3A_12 : i32
      %multiple_of3A = tpu.assume_multiple %mul3A_13, 16 : i32
      %get3A = arith.index_cast %multiple_of3A : i32 to index
      %get3A_14 = tpu.vector_load %arg5[%get3A] {strides = array<i32>} : memref<10000xi32, #tpu.memory_space<vmem>>, vector<16xi32>,
      tpu.vector_store_idx %arg6[%get3A_14], %broadcast_in_dim3A_5 {add = true} : memref<10240xf32, #tpu.memory_space<vmem>>[vector<16xi32>], vector<16xf32>,
    }
    %scan3A_10 = arith.constant 625 : i32
    "tpu.region"() ({
      %run_scoped3A = tpu.sem_alloc : memref<!tpu.dma_semaphore, #tpu.memory_space<semaphore_mem>>
      %dma_start3A = arith.constant 0 : i32
      %dma_start3A_11 = tpu.memref_slice %arg4[%add3A, %dma_start3A] : memref<32x10240xf32, #tpu.memory_space<hbm>> -> memref<1x10240xf32, #tpu.memory_space<hbm>>
      %dma_start3A_12 = tpu.memref_squeeze %dma_start3A_11 : memref<1x10240xf32, #tpu.memory_space<hbm>> -> memref<10240xf32, #tpu.memory_space<hbm>>
      %dma_start3A_13 = arith.constant 0 : i32
      %dma_start3A_14 = tpu.memref_slice %arg4[%add3A, %dma_start3A_13] : memref<32x10240xf32, #tpu.memory_space<hbm>> -> memref<1x10240xf32, #tpu.memory_space<hbm>>
      %dma_start3A_15 = tpu.memref_squeeze %dma_start3A_14 : memref<1x10240xf32, #tpu.memory_space<hbm>> -> memref<10240xf32, #tpu.memory_space<hbm>>
      tpu.enqueue_dma source(%arg6 : memref<10240xf32, #tpu.memory_space<vmem>>) target(%dma_start3A_15 : memref<10240xf32, #tpu.memory_space<hbm>>) target_semaphore(%run_scoped3A : memref<!tpu.dma_semaphore, #tpu.memory_space<semaphore_mem>>)
      %dma_wait3A = arith.constant 0 : i32
      %dma_wait3A_16 = tpu.memref_slice %arg4[%add3A, %dma_wait3A] : memref<32x10240xf32, #tpu.memory_space<hbm>> -> memref<1x10240xf32, #tpu.memory_space<hbm>>
      %dma_wait3A_17 = tpu.memref_squeeze %dma_wait3A_16 : memref<1x10240xf32, #tpu.memory_space<hbm>> -> memref<10240xf32, #tpu.memory_space<hbm>>
      %dma_wait3A_18 = arith.constant 0 : i32
      %dma_wait3A_19 = tpu.memref_slice %arg4[%add3A, %dma_wait3A_18] : memref<32x10240xf32, #tpu.memory_space<hbm>> -> memref<1x10240xf32, #tpu.memory_space<hbm>>
      %dma_wait3A_20 = tpu.memref_squeeze %dma_wait3A_19 : memref<1x10240xf32, #tpu.memory_space<hbm>> -> memref<10240xf32, #tpu.memory_space<hbm>>
      tpu.wait_dma2 semaphore(%run_scoped3A : memref<!tpu.dma_semaphore, #tpu.memory_space<semaphore_mem>>) src(%arg6 : memref<10240xf32, #tpu.memory_space<vmem>>) dst(%dma_wait3A_20 : memref<10240xf32, #tpu.memory_space<hbm>>)
      tpu.yield
    }) : () -> ()
    return
  }
}

#map = affine_map<(d0, d1) -> (0, 0)>
#map1 = affine_map<(d0, d1) -> (0)>
module attributes {stable_mosaic.version = 14 : i64} {
  func.func @_agg_kernel(%arg0: i32, %arg1: i32, %arg2: memref<10240x128xf32, #tpu.memory_space<hbm>>, %arg3: memref<640000xi32, #tpu.memory_space<hbm>>, %arg4: memref<128xi32, #tpu.memory_space<hbm>>, %arg5: memref<128xi32, #tpu.memory_space<hbm>>, %arg6: memref<10240x128xf32, #tpu.memory_space<hbm>>, %arg7: memref<10x128xi32, #tpu.memory_space<vmem>>, %arg8: memref<10x128xi32, #tpu.memory_space<vmem>>, %arg9: memref<5x128x64xf32, #tpu.memory_space<vmem>>, %arg10: memref<10240x64xf32, #tpu.memory_space<vmem_shared>>, %arg11: memref<10240x64xf32, #tpu.memory_space<vmem_shared>>, %arg12: memref<10x!tpu.dma_semaphore, #tpu.memory_space<semaphore_mem>>, %arg13: memref<5x!tpu.dma_semaphore, #tpu.memory_space<semaphore_mem>>, %arg14: memref<5x!tpu.dma_semaphore, #tpu.memory_space<semaphore_mem>>) attributes {dimension_semantics = [#tpu.dimension_semantics<core_parallel>, #tpu.dimension_semantics<subcore_parallel>], iteration_bounds = array<i64: 2, 16>, scalar_prefetch = 0 : i64, scratch_operands = 8 : i64, tpu.core_type = #tpu.core_type<sc_vector_subcore>, window_params = [{transform_indices = #map}, {transform_indices = #map1}, {transform_indices = #map1}, {transform_indices = #map1}, {transform_indices = #map}]} {
    %mul3A = arith.constant 64 : i32
    %mul3A_0 = arith.muli %arg0, %mul3A : i32
    %multiple_of3A = tpu.assume_multiple %mul3A_0, 8 : i32
    %mul3A_1 = arith.constant 640 : i32
    %mul3A_2 = arith.muli %arg1, %mul3A_1 : i32
    %multiple_of3A_3 = tpu.assume_multiple %mul3A_2, 8 : i32
    %mul3A_4 = arith.constant 20000 : i32
    %mul3A_5 = arith.muli %arg1, %mul3A_4 : i32
    %multiple_of3A_6 = tpu.assume_multiple %mul3A_5, 8 : i32
    "tpu.region"() ({
      %run_scoped3A = tpu.sem_alloc : memref<!tpu.dma_semaphore, #tpu.memory_space<semaphore_mem>>
      %dma_start3A_296 = arith.constant 0 : i32
      %dma_start3A_297 = tpu.memref_slice %arg10[%multiple_of3A_3, %dma_start3A_296] : memref<10240x64xf32, #tpu.memory_space<vmem_shared>> -> memref<640x64xf32, #tpu.memory_space<vmem_shared>>
      %dma_start3A_298 = tpu.memref_slice %arg2[%multiple_of3A_3, %multiple_of3A] : memref<10240x128xf32, #tpu.memory_space<hbm>> -> memref<640x64xf32, #tpu.memory_space<hbm>>
      tpu.enqueue_dma source(%dma_start3A_298 : memref<640x64xf32, #tpu.memory_space<hbm>>) target(%dma_start3A_297 : memref<640x64xf32, #tpu.memory_space<vmem_shared>>) target_semaphore(%run_scoped3A : memref<!tpu.dma_semaphore, #tpu.memory_space<semaphore_mem>>)
      %dma_wait3A_299 = arith.constant 0 : i32
      %dma_wait3A_300 = tpu.memref_slice %arg10[%multiple_of3A_3, %dma_wait3A_299] : memref<10240x64xf32, #tpu.memory_space<vmem_shared>> -> memref<640x64xf32, #tpu.memory_space<vmem_shared>>
      %dma_wait3A_301 = tpu.memref_slice %arg2[%multiple_of3A_3, %multiple_of3A] : memref<10240x128xf32, #tpu.memory_space<hbm>> -> memref<640x64xf32, #tpu.memory_space<hbm>>
      tpu.wait_dma2 semaphore(%run_scoped3A : memref<!tpu.dma_semaphore, #tpu.memory_space<semaphore_mem>>) src(%dma_wait3A_301 : memref<640x64xf32, #tpu.memory_space<hbm>>) dst(%dma_wait3A_300 : memref<640x64xf32, #tpu.memory_space<vmem_shared>>)
      tpu.yield
    }) : () -> ()
    "tpu.region"() ({
      %run_scoped3A = tpu.sem_alloc : memref<!tpu.dma_semaphore, #tpu.memory_space<semaphore_mem>>
      %dma_start3A_296 = arith.constant 0 : i32
      %dma_start3A_297 = tpu.memref_slice %arg11[%multiple_of3A_3, %dma_start3A_296] : memref<10240x64xf32, #tpu.memory_space<vmem_shared>> -> memref<640x64xf32, #tpu.memory_space<vmem_shared>>
      %dma_start3A_298 = tpu.memref_slice %arg2[%multiple_of3A_3, %multiple_of3A] : memref<10240x128xf32, #tpu.memory_space<hbm>> -> memref<640x64xf32, #tpu.memory_space<hbm>>
      tpu.enqueue_dma source(%dma_start3A_298 : memref<640x64xf32, #tpu.memory_space<hbm>>) target(%dma_start3A_297 : memref<640x64xf32, #tpu.memory_space<vmem_shared>>) target_semaphore(%run_scoped3A : memref<!tpu.dma_semaphore, #tpu.memory_space<semaphore_mem>>)
      %dma_wait3A_299 = arith.constant 0 : i32
      %dma_wait3A_300 = tpu.memref_slice %arg11[%multiple_of3A_3, %dma_wait3A_299] : memref<10240x64xf32, #tpu.memory_space<vmem_shared>> -> memref<640x64xf32, #tpu.memory_space<vmem_shared>>
      %dma_wait3A_301 = tpu.memref_slice %arg2[%multiple_of3A_3, %multiple_of3A] : memref<10240x128xf32, #tpu.memory_space<hbm>> -> memref<640x64xf32, #tpu.memory_space<hbm>>
      tpu.wait_dma2 semaphore(%run_scoped3A : memref<!tpu.dma_semaphore, #tpu.memory_space<semaphore_mem>>) src(%dma_wait3A_301 : memref<640x64xf32, #tpu.memory_space<hbm>>) dst(%dma_wait3A_300 : memref<640x64xf32, #tpu.memory_space<vmem_shared>>)
      tpu.yield
    }) : () -> ()
    %barrier3A = arith.constant 0 : index
    tpu.barrier barrier_id(%barrier3A)
    %add3A = arith.constant 0 : i32
    %add3A_7 = arith.addi %multiple_of3A_6, %add3A : i32
    %add3A_8 = arith.constant 320000 : i32
    %add3A_9 = arith.addi %add3A_8, %multiple_of3A_6 : i32
    %add3A_10 = arith.constant 0 : i32
    %add3A_11 = arith.addi %add3A_9, %add3A_10 : i32
    %dma_start3A = arith.constant 0 : i32
    %dma_start3A_12 = arith.constant 0 : i32
    %dma_start3A_13 = arith.constant 0 : i32
    %dma_start3A_14 = tpu.memref_slice %arg7[%dma_start3A, %dma_start3A_13] : memref<10x128xi32, #tpu.memory_space<vmem>> -> memref<1x128xi32, #tpu.memory_space<vmem>>
    %dma_start3A_15 = tpu.memref_squeeze %dma_start3A_14 : memref<1x128xi32, #tpu.memory_space<vmem>> -> memref<128xi32, #tpu.memory_space<vmem>>
    %dma_start3A_16 = tpu.memref_slice %arg3[%add3A_7] : memref<640000xi32, #tpu.memory_space<hbm>> -> memref<128xi32, #tpu.memory_space<hbm>>
    %dma_start3A_17 = tpu.memref_slice %arg12[%dma_start3A_12] : memref<10x!tpu.dma_semaphore, #tpu.memory_space<semaphore_mem>> -> memref<1x!tpu.dma_semaphore, #tpu.memory_space<semaphore_mem>>
    %dma_start3A_18 = tpu.memref_squeeze %dma_start3A_17 : memref<1x!tpu.dma_semaphore, #tpu.memory_space<semaphore_mem>> -> memref<!tpu.dma_semaphore, #tpu.memory_space<semaphore_mem>>
    %dma_start3A_19 = arith.constant 0 : i32
    %dma_start3A_20 = tpu.memref_slice %arg7[%dma_start3A, %dma_start3A_19] : memref<10x128xi32, #tpu.memory_space<vmem>> -> memref<1x128xi32, #tpu.memory_space<vmem>>
    %dma_start3A_21 = tpu.memref_squeeze %dma_start3A_20 : memref<1x128xi32, #tpu.memory_space<vmem>> -> memref<128xi32, #tpu.memory_space<vmem>>
    %dma_start3A_22 = tpu.memref_slice %arg3[%add3A_7] : memref<640000xi32, #tpu.memory_space<hbm>> -> memref<128xi32, #tpu.memory_space<hbm>>
    tpu.enqueue_dma source(%dma_start3A_22 : memref<128xi32, #tpu.memory_space<hbm>>) target(%dma_start3A_21 : memref<128xi32, #tpu.memory_space<vmem>>) target_semaphore(%dma_start3A_18 : memref<!tpu.dma_semaphore, #tpu.memory_space<semaphore_mem>>)
    %dma_start3A_23 = arith.constant 0 : i32
    %dma_start3A_24 = arith.constant 0 : i32
    %dma_start3A_25 = arith.constant 0 : i32
    %dma_start3A_26 = tpu.memref_slice %arg8[%dma_start3A_23, %dma_start3A_25] : memref<10x128xi32, #tpu.memory_space<vmem>> -> memref<1x128xi32, #tpu.memory_space<vmem>>
    %dma_start3A_27 = tpu.memref_squeeze %dma_start3A_26 : memref<1x128xi32, #tpu.memory_space<vmem>> -> memref<128xi32, #tpu.memory_space<vmem>>
    %dma_start3A_28 = tpu.memref_slice %arg3[%add3A_11] : memref<640000xi32, #tpu.memory_space<hbm>> -> memref<128xi32, #tpu.memory_space<hbm>>
    %dma_start3A_29 = tpu.memref_slice %arg12[%dma_start3A_24] : memref<10x!tpu.dma_semaphore, #tpu.memory_space<semaphore_mem>> -> memref<1x!tpu.dma_semaphore, #tpu.memory_space<semaphore_mem>>
    %dma_start3A_30 = tpu.memref_squeeze %dma_start3A_29 : memref<1x!tpu.dma_semaphore, #tpu.memory_space<semaphore_mem>> -> memref<!tpu.dma_semaphore, #tpu.memory_space<semaphore_mem>>
    %dma_start3A_31 = arith.constant 0 : i32
    %dma_start3A_32 = tpu.memref_slice %arg8[%dma_start3A_23, %dma_start3A_31] : memref<10x128xi32, #tpu.memory_space<vmem>> -> memref<1x128xi32, #tpu.memory_space<vmem>>
    %dma_start3A_33 = tpu.memref_squeeze %dma_start3A_32 : memref<1x128xi32, #tpu.memory_space<vmem>> -> memref<128xi32, #tpu.memory_space<vmem>>
    %dma_start3A_34 = tpu.memref_slice %arg3[%add3A_11] : memref<640000xi32, #tpu.memory_space<hbm>> -> memref<128xi32, #tpu.memory_space<hbm>>
    tpu.enqueue_dma source(%dma_start3A_34 : memref<128xi32, #tpu.memory_space<hbm>>) target(%dma_start3A_33 : memref<128xi32, #tpu.memory_space<vmem>>) target_semaphore(%dma_start3A_30 : memref<!tpu.dma_semaphore, #tpu.memory_space<semaphore_mem>>)
    %add3A_35 = arith.constant 128 : i32
    %add3A_36 = arith.addi %multiple_of3A_6, %add3A_35 : i32
    %add3A_37 = arith.constant 320000 : i32
    %add3A_38 = arith.addi %add3A_37, %multiple_of3A_6 : i32
    %add3A_39 = arith.constant 128 : i32
    %add3A_40 = arith.addi %add3A_38, %add3A_39 : i32
    %dma_start3A_41 = arith.constant 1 : i32
    %dma_start3A_42 = arith.constant 1 : i32
    %dma_start3A_43 = arith.constant 0 : i32
    %dma_start3A_44 = tpu.memref_slice %arg7[%dma_start3A_41, %dma_start3A_43] : memref<10x128xi32, #tpu.memory_space<vmem>> -> memref<1x128xi32, #tpu.memory_space<vmem>>
    %dma_start3A_45 = tpu.memref_squeeze %dma_start3A_44 : memref<1x128xi32, #tpu.memory_space<vmem>> -> memref<128xi32, #tpu.memory_space<vmem>>
    %dma_start3A_46 = tpu.memref_slice %arg3[%add3A_36] : memref<640000xi32, #tpu.memory_space<hbm>> -> memref<128xi32, #tpu.memory_space<hbm>>
    %dma_start3A_47 = tpu.memref_slice %arg12[%dma_start3A_42] : memref<10x!tpu.dma_semaphore, #tpu.memory_space<semaphore_mem>> -> memref<1x!tpu.dma_semaphore, #tpu.memory_space<semaphore_mem>>
    %dma_start3A_48 = tpu.memref_squeeze %dma_start3A_47 : memref<1x!tpu.dma_semaphore, #tpu.memory_space<semaphore_mem>> -> memref<!tpu.dma_semaphore, #tpu.memory_space<semaphore_mem>>
    %dma_start3A_49 = arith.constant 0 : i32
    %dma_start3A_50 = tpu.memref_slice %arg7[%dma_start3A_41, %dma_start3A_49] : memref<10x128xi32, #tpu.memory_space<vmem>> -> memref<1x128xi32, #tpu.memory_space<vmem>>
    %dma_start3A_51 = tpu.memref_squeeze %dma_start3A_50 : memref<1x128xi32, #tpu.memory_space<vmem>> -> memref<128xi32, #tpu.memory_space<vmem>>
    %dma_start3A_52 = tpu.memref_slice %arg3[%add3A_36] : memref<640000xi32, #tpu.memory_space<hbm>> -> memref<128xi32, #tpu.memory_space<hbm>>
    tpu.enqueue_dma source(%dma_start3A_52 : memref<128xi32, #tpu.memory_space<hbm>>) target(%dma_start3A_51 : memref<128xi32, #tpu.memory_space<vmem>>) target_semaphore(%dma_start3A_48 : memref<!tpu.dma_semaphore, #tpu.memory_space<semaphore_mem>>)
    %dma_start3A_53 = arith.constant 1 : i32
    %dma_start3A_54 = arith.constant 1 : i32
    %dma_start3A_55 = arith.constant 0 : i32
    %dma_start3A_56 = tpu.memref_slice %arg8[%dma_start3A_53, %dma_start3A_55] : memref<10x128xi32, #tpu.memory_space<vmem>> -> memref<1x128xi32, #tpu.memory_space<vmem>>
    %dma_start3A_57 = tpu.memref_squeeze %dma_start3A_56 : memref<1x128xi32, #tpu.memory_space<vmem>> -> memref<128xi32, #tpu.memory_space<vmem>>
    %dma_start3A_58 = tpu.memref_slice %arg3[%add3A_40] : memref<640000xi32, #tpu.memory_space<hbm>> -> memref<128xi32, #tpu.memory_space<hbm>>
    %dma_start3A_59 = tpu.memref_slice %arg12[%dma_start3A_54] : memref<10x!tpu.dma_semaphore, #tpu.memory_space<semaphore_mem>> -> memref<1x!tpu.dma_semaphore, #tpu.memory_space<semaphore_mem>>
    %dma_start3A_60 = tpu.memref_squeeze %dma_start3A_59 : memref<1x!tpu.dma_semaphore, #tpu.memory_space<semaphore_mem>> -> memref<!tpu.dma_semaphore, #tpu.memory_space<semaphore_mem>>
    %dma_start3A_61 = arith.constant 0 : i32
    %dma_start3A_62 = tpu.memref_slice %arg8[%dma_start3A_53, %dma_start3A_61] : memref<10x128xi32, #tpu.memory_space<vmem>> -> memref<1x128xi32, #tpu.memory_space<vmem>>
    %dma_start3A_63 = tpu.memref_squeeze %dma_start3A_62 : memref<1x128xi32, #tpu.memory_space<vmem>> -> memref<128xi32, #tpu.memory_space<vmem>>
    %dma_start3A_64 = tpu.memref_slice %arg3[%add3A_40] : memref<640000xi32, #tpu.memory_space<hbm>> -> memref<128xi32, #tpu.memory_space<hbm>>
    tpu.enqueue_dma source(%dma_start3A_64 : memref<128xi32, #tpu.memory_space<hbm>>) target(%dma_start3A_63 : memref<128xi32, #tpu.memory_space<vmem>>) target_semaphore(%dma_start3A_60 : memref<!tpu.dma_semaphore, #tpu.memory_space<semaphore_mem>>)
    %add3A_65 = arith.constant 256 : i32
    %add3A_66 = arith.addi %multiple_of3A_6, %add3A_65 : i32
    %add3A_67 = arith.constant 320000 : i32
    %add3A_68 = arith.addi %add3A_67, %multiple_of3A_6 : i32
    %add3A_69 = arith.constant 256 : i32
    %add3A_70 = arith.addi %add3A_68, %add3A_69 : i32
    %dma_start3A_71 = arith.constant 2 : i32
    %dma_start3A_72 = arith.constant 2 : i32
    %dma_start3A_73 = arith.constant 0 : i32
    %dma_start3A_74 = tpu.memref_slice %arg7[%dma_start3A_71, %dma_start3A_73] : memref<10x128xi32, #tpu.memory_space<vmem>> -> memref<1x128xi32, #tpu.memory_space<vmem>>
    %dma_start3A_75 = tpu.memref_squeeze %dma_start3A_74 : memref<1x128xi32, #tpu.memory_space<vmem>> -> memref<128xi32, #tpu.memory_space<vmem>>
    %dma_start3A_76 = tpu.memref_slice %arg3[%add3A_66] : memref<640000xi32, #tpu.memory_space<hbm>> -> memref<128xi32, #tpu.memory_space<hbm>>
    %dma_start3A_77 = tpu.memref_slice %arg12[%dma_start3A_72] : memref<10x!tpu.dma_semaphore, #tpu.memory_space<semaphore_mem>> -> memref<1x!tpu.dma_semaphore, #tpu.memory_space<semaphore_mem>>
    %dma_start3A_78 = tpu.memref_squeeze %dma_start3A_77 : memref<1x!tpu.dma_semaphore, #tpu.memory_space<semaphore_mem>> -> memref<!tpu.dma_semaphore, #tpu.memory_space<semaphore_mem>>
    %dma_start3A_79 = arith.constant 0 : i32
    %dma_start3A_80 = tpu.memref_slice %arg7[%dma_start3A_71, %dma_start3A_79] : memref<10x128xi32, #tpu.memory_space<vmem>> -> memref<1x128xi32, #tpu.memory_space<vmem>>
    %dma_start3A_81 = tpu.memref_squeeze %dma_start3A_80 : memref<1x128xi32, #tpu.memory_space<vmem>> -> memref<128xi32, #tpu.memory_space<vmem>>
    %dma_start3A_82 = tpu.memref_slice %arg3[%add3A_66] : memref<640000xi32, #tpu.memory_space<hbm>> -> memref<128xi32, #tpu.memory_space<hbm>>
    tpu.enqueue_dma source(%dma_start3A_82 : memref<128xi32, #tpu.memory_space<hbm>>) target(%dma_start3A_81 : memref<128xi32, #tpu.memory_space<vmem>>) target_semaphore(%dma_start3A_78 : memref<!tpu.dma_semaphore, #tpu.memory_space<semaphore_mem>>)
    %dma_start3A_83 = arith.constant 2 : i32
    %dma_start3A_84 = arith.constant 2 : i32
    %dma_start3A_85 = arith.constant 0 : i32
    %dma_start3A_86 = tpu.memref_slice %arg8[%dma_start3A_83, %dma_start3A_85] : memref<10x128xi32, #tpu.memory_space<vmem>> -> memref<1x128xi32, #tpu.memory_space<vmem>>
    %dma_start3A_87 = tpu.memref_squeeze %dma_start3A_86 : memref<1x128xi32, #tpu.memory_space<vmem>> -> memref<128xi32, #tpu.memory_space<vmem>>
    %dma_start3A_88 = tpu.memref_slice %arg3[%add3A_70] : memref<640000xi32, #tpu.memory_space<hbm>> -> memref<128xi32, #tpu.memory_space<hbm>>
    %dma_start3A_89 = tpu.memref_slice %arg12[%dma_start3A_84] : memref<10x!tpu.dma_semaphore, #tpu.memory_space<semaphore_mem>> -> memref<1x!tpu.dma_semaphore, #tpu.memory_space<semaphore_mem>>
    %dma_start3A_90 = tpu.memref_squeeze %dma_start3A_89 : memref<1x!tpu.dma_semaphore, #tpu.memory_space<semaphore_mem>> -> memref<!tpu.dma_semaphore, #tpu.memory_space<semaphore_mem>>
    %dma_start3A_91 = arith.constant 0 : i32
    %dma_start3A_92 = tpu.memref_slice %arg8[%dma_start3A_83, %dma_start3A_91] : memref<10x128xi32, #tpu.memory_space<vmem>> -> memref<1x128xi32, #tpu.memory_space<vmem>>
    %dma_start3A_93 = tpu.memref_squeeze %dma_start3A_92 : memref<1x128xi32, #tpu.memory_space<vmem>> -> memref<128xi32, #tpu.memory_space<vmem>>
    %dma_start3A_94 = tpu.memref_slice %arg3[%add3A_70] : memref<640000xi32, #tpu.memory_space<hbm>> -> memref<128xi32, #tpu.memory_space<hbm>>
    tpu.enqueue_dma source(%dma_start3A_94 : memref<128xi32, #tpu.memory_space<hbm>>) target(%dma_start3A_93 : memref<128xi32, #tpu.memory_space<vmem>>) target_semaphore(%dma_start3A_90 : memref<!tpu.dma_semaphore, #tpu.memory_space<semaphore_mem>>)
    %add3A_95 = arith.constant 384 : i32
    %add3A_96 = arith.addi %multiple_of3A_6, %add3A_95 : i32
    %add3A_97 = arith.constant 320000 : i32
    %add3A_98 = arith.addi %add3A_97, %multiple_of3A_6 : i32
    %add3A_99 = arith.constant 384 : i32
    %add3A_100 = arith.addi %add3A_98, %add3A_99 : i32
    %dma_start3A_101 = arith.constant 3 : i32
    %dma_start3A_102 = arith.constant 3 : i32
    %dma_start3A_103 = arith.constant 0 : i32
    %dma_start3A_104 = tpu.memref_slice %arg7[%dma_start3A_101, %dma_start3A_103] : memref<10x128xi32, #tpu.memory_space<vmem>> -> memref<1x128xi32, #tpu.memory_space<vmem>>
    %dma_start3A_105 = tpu.memref_squeeze %dma_start3A_104 : memref<1x128xi32, #tpu.memory_space<vmem>> -> memref<128xi32, #tpu.memory_space<vmem>>
    %dma_start3A_106 = tpu.memref_slice %arg3[%add3A_96] : memref<640000xi32, #tpu.memory_space<hbm>> -> memref<128xi32, #tpu.memory_space<hbm>>
    %dma_start3A_107 = tpu.memref_slice %arg12[%dma_start3A_102] : memref<10x!tpu.dma_semaphore, #tpu.memory_space<semaphore_mem>> -> memref<1x!tpu.dma_semaphore, #tpu.memory_space<semaphore_mem>>
    %dma_start3A_108 = tpu.memref_squeeze %dma_start3A_107 : memref<1x!tpu.dma_semaphore, #tpu.memory_space<semaphore_mem>> -> memref<!tpu.dma_semaphore, #tpu.memory_space<semaphore_mem>>
    %dma_start3A_109 = arith.constant 0 : i32
    %dma_start3A_110 = tpu.memref_slice %arg7[%dma_start3A_101, %dma_start3A_109] : memref<10x128xi32, #tpu.memory_space<vmem>> -> memref<1x128xi32, #tpu.memory_space<vmem>>
    %dma_start3A_111 = tpu.memref_squeeze %dma_start3A_110 : memref<1x128xi32, #tpu.memory_space<vmem>> -> memref<128xi32, #tpu.memory_space<vmem>>
    %dma_start3A_112 = tpu.memref_slice %arg3[%add3A_96] : memref<640000xi32, #tpu.memory_space<hbm>> -> memref<128xi32, #tpu.memory_space<hbm>>
    tpu.enqueue_dma source(%dma_start3A_112 : memref<128xi32, #tpu.memory_space<hbm>>) target(%dma_start3A_111 : memref<128xi32, #tpu.memory_space<vmem>>) target_semaphore(%dma_start3A_108 : memref<!tpu.dma_semaphore, #tpu.memory_space<semaphore_mem>>)
    %dma_start3A_113 = arith.constant 3 : i32
    %dma_start3A_114 = arith.constant 3 : i32
    %dma_start3A_115 = arith.constant 0 : i32
    %dma_start3A_116 = tpu.memref_slice %arg8[%dma_start3A_113, %dma_start3A_115] : memref<10x128xi32, #tpu.memory_space<vmem>> -> memref<1x128xi32, #tpu.memory_space<vmem>>
    %dma_start3A_117 = tpu.memref_squeeze %dma_start3A_116 : memref<1x128xi32, #tpu.memory_space<vmem>> -> memref<128xi32, #tpu.memory_space<vmem>>
    %dma_start3A_118 = tpu.memref_slice %arg3[%add3A_100] : memref<640000xi32, #tpu.memory_space<hbm>> -> memref<128xi32, #tpu.memory_space<hbm>>
    %dma_start3A_119 = tpu.memref_slice %arg12[%dma_start3A_114] : memref<10x!tpu.dma_semaphore, #tpu.memory_space<semaphore_mem>> -> memref<1x!tpu.dma_semaphore, #tpu.memory_space<semaphore_mem>>
    %dma_start3A_120 = tpu.memref_squeeze %dma_start3A_119 : memref<1x!tpu.dma_semaphore, #tpu.memory_space<semaphore_mem>> -> memref<!tpu.dma_semaphore, #tpu.memory_space<semaphore_mem>>
    %dma_start3A_121 = arith.constant 0 : i32
    %dma_start3A_122 = tpu.memref_slice %arg8[%dma_start3A_113, %dma_start3A_121] : memref<10x128xi32, #tpu.memory_space<vmem>> -> memref<1x128xi32, #tpu.memory_space<vmem>>
    %dma_start3A_123 = tpu.memref_squeeze %dma_start3A_122 : memref<1x128xi32, #tpu.memory_space<vmem>> -> memref<128xi32, #tpu.memory_space<vmem>>
    %dma_start3A_124 = tpu.memref_slice %arg3[%add3A_100] : memref<640000xi32, #tpu.memory_space<hbm>> -> memref<128xi32, #tpu.memory_space<hbm>>
    tpu.enqueue_dma source(%dma_start3A_124 : memref<128xi32, #tpu.memory_space<hbm>>) target(%dma_start3A_123 : memref<128xi32, #tpu.memory_space<vmem>>) target_semaphore(%dma_start3A_120 : memref<!tpu.dma_semaphore, #tpu.memory_space<semaphore_mem>>)
    %dma_wait3A = arith.constant 0 : i32
    %dma_wait3A_125 = arith.constant 0 : i32
    %dma_wait3A_126 = arith.constant 0 : i32
    %dma_wait3A_127 = tpu.memref_slice %arg7[%dma_wait3A, %dma_wait3A_126] : memref<10x128xi32, #tpu.memory_space<vmem>> -> memref<1x128xi32, #tpu.memory_space<vmem>>
    %dma_wait3A_128 = tpu.memref_squeeze %dma_wait3A_127 : memref<1x128xi32, #tpu.memory_space<vmem>> -> memref<128xi32, #tpu.memory_space<vmem>>
    %dma_wait3A_129 = arith.constant 0 : i32
    %dma_wait3A_130 = tpu.memref_slice %arg3[%dma_wait3A_129] : memref<640000xi32, #tpu.memory_space<hbm>> -> memref<128xi32, #tpu.memory_space<hbm>>
    %dma_wait3A_131 = tpu.memref_slice %arg12[%dma_wait3A_125] : memref<10x!tpu.dma_semaphore, #tpu.memory_space<semaphore_mem>> -> memref<1x!tpu.dma_semaphore, #tpu.memory_space<semaphore_mem>>
    %dma_wait3A_132 = tpu.memref_squeeze %dma_wait3A_131 : memref<1x!tpu.dma_semaphore, #tpu.memory_space<semaphore_mem>> -> memref<!tpu.dma_semaphore, #tpu.memory_space<semaphore_mem>>
    %dma_wait3A_133 = arith.constant 0 : i32
    %dma_wait3A_134 = tpu.memref_slice %arg7[%dma_wait3A, %dma_wait3A_133] : memref<10x128xi32, #tpu.memory_space<vmem>> -> memref<1x128xi32, #tpu.memory_space<vmem>>
    %dma_wait3A_135 = tpu.memref_squeeze %dma_wait3A_134 : memref<1x128xi32, #tpu.memory_space<vmem>> -> memref<128xi32, #tpu.memory_space<vmem>>
    %dma_wait3A_136 = arith.constant 0 : i32
    %dma_wait3A_137 = tpu.memref_slice %arg3[%dma_wait3A_136] : memref<640000xi32, #tpu.memory_space<hbm>> -> memref<128xi32, #tpu.memory_space<hbm>>
    tpu.wait_dma2 semaphore(%dma_wait3A_132 : memref<!tpu.dma_semaphore, #tpu.memory_space<semaphore_mem>>) src(%dma_wait3A_137 : memref<128xi32, #tpu.memory_space<hbm>>) dst(%dma_wait3A_135 : memref<128xi32, #tpu.memory_space<vmem>>)
    %dma_wait3A_138 = arith.constant 0 : i32
    %dma_wait3A_139 = arith.constant 0 : i32
    %dma_wait3A_140 = arith.constant 0 : i32
    %dma_wait3A_141 = tpu.memref_slice %arg8[%dma_wait3A_138, %dma_wait3A_140] : memref<10x128xi32, #tpu.memory_space<vmem>> -> memref<1x128xi32, #tpu.memory_space<vmem>>
    %dma_wait3A_142 = tpu.memref_squeeze %dma_wait3A_141 : memref<1x128xi32, #tpu.memory_space<vmem>> -> memref<128xi32, #tpu.memory_space<vmem>>
    %dma_wait3A_143 = arith.constant 0 : i32
    %dma_wait3A_144 = tpu.memref_slice %arg3[%dma_wait3A_143] : memref<640000xi32, #tpu.memory_space<hbm>> -> memref<128xi32, #tpu.memory_space<hbm>>
    %dma_wait3A_145 = tpu.memref_slice %arg12[%dma_wait3A_139] : memref<10x!tpu.dma_semaphore, #tpu.memory_space<semaphore_mem>> -> memref<1x!tpu.dma_semaphore, #tpu.memory_space<semaphore_mem>>
    %dma_wait3A_146 = tpu.memref_squeeze %dma_wait3A_145 : memref<1x!tpu.dma_semaphore, #tpu.memory_space<semaphore_mem>> -> memref<!tpu.dma_semaphore, #tpu.memory_space<semaphore_mem>>
    %dma_wait3A_147 = arith.constant 0 : i32
    %dma_wait3A_148 = tpu.memref_slice %arg8[%dma_wait3A_138, %dma_wait3A_147] : memref<10x128xi32, #tpu.memory_space<vmem>> -> memref<1x128xi32, #tpu.memory_space<vmem>>
    %dma_wait3A_149 = tpu.memref_squeeze %dma_wait3A_148 : memref<1x128xi32, #tpu.memory_space<vmem>> -> memref<128xi32, #tpu.memory_space<vmem>>
    %dma_wait3A_150 = arith.constant 0 : i32
    %dma_wait3A_151 = tpu.memref_slice %arg3[%dma_wait3A_150] : memref<640000xi32, #tpu.memory_space<hbm>> -> memref<128xi32, #tpu.memory_space<hbm>>
    tpu.wait_dma2 semaphore(%dma_wait3A_146 : memref<!tpu.dma_semaphore, #tpu.memory_space<semaphore_mem>>) src(%dma_wait3A_151 : memref<128xi32, #tpu.memory_space<hbm>>) dst(%dma_wait3A_149 : memref<128xi32, #tpu.memory_space<vmem>>)
    %rem3A = arith.constant 0 : i32
    %rem3A_152 = arith.constant 10 : i32
    %rem3A_153 = arith.remsi %rem3A, %rem3A_152 : i32
    %rem3A_154 = arith.constant 0 : i32
    %rem3A_155 = arith.constant 5 : i32
    %rem3A_156 = arith.remsi %rem3A_154, %rem3A_155 : i32
    %dma_start3A_157 = arith.constant 0 : i32
    %dma_start3A_158 = arith.constant 0 : i32
    %dma_start3A_159 = tpu.memref_slice %arg9[%rem3A_156, %dma_start3A_157, %dma_start3A_158] : memref<5x128x64xf32, #tpu.memory_space<vmem>> -> memref<1x128x64xf32, #tpu.memory_space<vmem>>
    %dma_start3A_160 = tpu.memref_squeeze %dma_start3A_159 : memref<1x128x64xf32, #tpu.memory_space<vmem>> -> memref<128x64xf32, #tpu.memory_space<vmem>>
    %dma_start3A_161 = arith.constant 0 : i32
    %dma_start3A_162 = tpu.memref_slice %arg7[%rem3A_153, %dma_start3A_161] : memref<10x128xi32, #tpu.memory_space<vmem>> -> memref<1x128xi32, #tpu.memory_space<vmem>>
    %dma_start3A_163 = tpu.memref_squeeze %dma_start3A_162 : memref<1x128xi32, #tpu.memory_space<vmem>> -> memref<128xi32, #tpu.memory_space<vmem>>
    %dma_start3A_164 = arith.constant 0 : i32
    %dma_start3A_165 = arith.constant 0 : i32
    %dma_start3A_166 = tpu.memref_slice %arg10[%dma_start3A_164, %dma_start3A_165] : memref<10240x64xf32, #tpu.memory_space<vmem_shared>> -> memref<10240x64xf32, #tpu.memory_space<vmem_shared>>
    %dma_start3A_167 = tpu.memref_slice %arg13[%rem3A_156] : memref<5x!tpu.dma_semaphore, #tpu.memory_space<semaphore_mem>> -> memref<1x!tpu.dma_semaphore, #tpu.memory_space<semaphore_mem>>
    %dma_start3A_168 = tpu.memref_squeeze %dma_start3A_167 : memref<1x!tpu.dma_semaphore, #tpu.memory_space<semaphore_mem>> -> memref<!tpu.dma_semaphore, #tpu.memory_space<semaphore_mem>>
    tpu.enqueue_indirect_dma source(%dma_start3A_166 : memref<10240x64xf32, #tpu.memory_space<vmem_shared>>) target(%dma_start3A_160 : memref<128x64xf32, #tpu.memory_space<vmem>>) offsets(%dma_start3A_163 : memref<128xi32, #tpu.memory_space<vmem>>) semaphore(%dma_start3A_168 : memref<!tpu.dma_semaphore, #tpu.memory_space<semaphore_mem>>)
    %dma_wait3A_169 = arith.constant 1 : i32
    %dma_wait3A_170 = arith.constant 1 : i32
    %dma_wait3A_171 = arith.constant 0 : i32
    %dma_wait3A_172 = tpu.memref_slice %arg7[%dma_wait3A_169, %dma_wait3A_171] : memref<10x128xi32, #tpu.memory_space<vmem>> -> memref<1x128xi32, #tpu.memory_space<vmem>>
    %dma_wait3A_173 = tpu.memref_squeeze %dma_wait3A_172 : memref<1x128xi32, #tpu.memory_space<vmem>> -> memref<128xi32, #tpu.memory_space<vmem>>
    %dma_wait3A_174 = arith.constant 0 : i32
    %dma_wait3A_175 = tpu.memref_slice %arg3[%dma_wait3A_174] : memref<640000xi32, #tpu.memory_space<hbm>> -> memref<128xi32, #tpu.memory_space<hbm>>
    %dma_wait3A_176 = tpu.memref_slice %arg12[%dma_wait3A_170] : memref<10x!tpu.dma_semaphore, #tpu.memory_space<semaphore_mem>> -> memref<1x!tpu.dma_semaphore, #tpu.memory_space<semaphore_mem>>
    %dma_wait3A_177 = tpu.memref_squeeze %dma_wait3A_176 : memref<1x!tpu.dma_semaphore, #tpu.memory_space<semaphore_mem>> -> memref<!tpu.dma_semaphore, #tpu.memory_space<semaphore_mem>>
    %dma_wait3A_178 = arith.constant 0 : i32
    %dma_wait3A_179 = tpu.memref_slice %arg7[%dma_wait3A_169, %dma_wait3A_178] : memref<10x128xi32, #tpu.memory_space<vmem>> -> memref<1x128xi32, #tpu.memory_space<vmem>>
    %dma_wait3A_180 = tpu.memref_squeeze %dma_wait3A_179 : memref<1x128xi32, #tpu.memory_space<vmem>> -> memref<128xi32, #tpu.memory_space<vmem>>
    %dma_wait3A_181 = arith.constant 0 : i32
    %dma_wait3A_182 = tpu.memref_slice %arg3[%dma_wait3A_181] : memref<640000xi32, #tpu.memory_space<hbm>> -> memref<128xi32, #tpu.memory_space<hbm>>
    tpu.wait_dma2 semaphore(%dma_wait3A_177 : memref<!tpu.dma_semaphore, #tpu.memory_space<semaphore_mem>>) src(%dma_wait3A_182 : memref<128xi32, #tpu.memory_space<hbm>>) dst(%dma_wait3A_180 : memref<128xi32, #tpu.memory_space<vmem>>)
    %dma_wait3A_183 = arith.constant 1 : i32
    %dma_wait3A_184 = arith.constant 1 : i32
    %dma_wait3A_185 = arith.constant 0 : i32
    %dma_wait3A_186 = tpu.memref_slice %arg8[%dma_wait3A_183, %dma_wait3A_185] : memref<10x128xi32, #tpu.memory_space<vmem>> -> memref<1x128xi32, #tpu.memory_space<vmem>>
    %dma_wait3A_187 = tpu.memref_squeeze %dma_wait3A_186 : memref<1x128xi32, #tpu.memory_space<vmem>> -> memref<128xi32, #tpu.memory_space<vmem>>
    %dma_wait3A_188 = arith.constant 0 : i32
    %dma_wait3A_189 = tpu.memref_slice %arg3[%dma_wait3A_188] : memref<640000xi32, #tpu.memory_space<hbm>> -> memref<128xi32, #tpu.memory_space<hbm>>
    %dma_wait3A_190 = tpu.memref_slice %arg12[%dma_wait3A_184] : memref<10x!tpu.dma_semaphore, #tpu.memory_space<semaphore_mem>> -> memref<1x!tpu.dma_semaphore, #tpu.memory_space<semaphore_mem>>
    %dma_wait3A_191 = tpu.memref_squeeze %dma_wait3A_190 : memref<1x!tpu.dma_semaphore, #tpu.memory_space<semaphore_mem>> -> memref<!tpu.dma_semaphore, #tpu.memory_space<semaphore_mem>>
    %dma_wait3A_192 = arith.constant 0 : i32
    %dma_wait3A_193 = tpu.memref_slice %arg8[%dma_wait3A_183, %dma_wait3A_192] : memref<10x128xi32, #tpu.memory_space<vmem>> -> memref<1x128xi32, #tpu.memory_space<vmem>>
    %dma_wait3A_194 = tpu.memref_squeeze %dma_wait3A_193 : memref<1x128xi32, #tpu.memory_space<vmem>> -> memref<128xi32, #tpu.memory_space<vmem>>
    %dma_wait3A_195 = arith.constant 0 : i32
    %dma_wait3A_196 = tpu.memref_slice %arg3[%dma_wait3A_195] : memref<640000xi32, #tpu.memory_space<hbm>> -> memref<128xi32, #tpu.memory_space<hbm>>
    tpu.wait_dma2 semaphore(%dma_wait3A_191 : memref<!tpu.dma_semaphore, #tpu.memory_space<semaphore_mem>>) src(%dma_wait3A_196 : memref<128xi32, #tpu.memory_space<hbm>>) dst(%dma_wait3A_194 : memref<128xi32, #tpu.memory_space<vmem>>)
    %rem3A_197 = arith.constant 1 : i32
    %rem3A_198 = arith.constant 10 : i32
    %rem3A_199 = arith.remsi %rem3A_197, %rem3A_198 : i32
    %rem3A_200 = arith.constant 1 : i32
    %rem3A_201 = arith.constant 5 : i32
    %rem3A_202 = arith.remsi %rem3A_200, %rem3A_201 : i32
    %dma_start3A_203 = arith.constant 0 : i32
    %dma_start3A_204 = arith.constant 0 : i32
    %dma_start3A_205 = tpu.memref_slice %arg9[%rem3A_202, %dma_start3A_203, %dma_start3A_204] : memref<5x128x64xf32, #tpu.memory_space<vmem>> -> memref<1x128x64xf32, #tpu.memory_space<vmem>>
    %dma_start3A_206 = tpu.memref_squeeze %dma_start3A_205 : memref<1x128x64xf32, #tpu.memory_space<vmem>> -> memref<128x64xf32, #tpu.memory_space<vmem>>
    %dma_start3A_207 = arith.constant 0 : i32
    %dma_start3A_208 = tpu.memref_slice %arg7[%rem3A_199, %dma_start3A_207] : memref<10x128xi32, #tpu.memory_space<vmem>> -> memref<1x128xi32, #tpu.memory_space<vmem>>
    %dma_start3A_209 = tpu.memref_squeeze %dma_start3A_208 : memref<1x128xi32, #tpu.memory_space<vmem>> -> memref<128xi32, #tpu.memory_space<vmem>>
    %dma_start3A_210 = arith.constant 0 : i32
    %dma_start3A_211 = arith.constant 0 : i32
    %dma_start3A_212 = tpu.memref_slice %arg10[%dma_start3A_210, %dma_start3A_211] : memref<10240x64xf32, #tpu.memory_space<vmem_shared>> -> memref<10240x64xf32, #tpu.memory_space<vmem_shared>>
    %dma_start3A_213 = tpu.memref_slice %arg13[%rem3A_202] : memref<5x!tpu.dma_semaphore, #tpu.memory_space<semaphore_mem>> -> memref<1x!tpu.dma_semaphore, #tpu.memory_space<semaphore_mem>>
    %dma_start3A_214 = tpu.memref_squeeze %dma_start3A_213 : memref<1x!tpu.dma_semaphore, #tpu.memory_space<semaphore_mem>> -> memref<!tpu.dma_semaphore, #tpu.memory_space<semaphore_mem>>
    tpu.enqueue_indirect_dma source(%dma_start3A_212 : memref<10240x64xf32, #tpu.memory_space<vmem_shared>>) target(%dma_start3A_206 : memref<128x64xf32, #tpu.memory_space<vmem>>) offsets(%dma_start3A_209 : memref<128xi32, #tpu.memory_space<vmem>>) semaphore(%dma_start3A_214 : memref<!tpu.dma_semaphore, #tpu.memory_space<semaphore_mem>>)
    %scan3A = arith.constant 0 : i32
    %scan3A_215 = arith.constant 0 : i32
    %scan3A_216 = arith.constant 157 : i32
    %scan3A_217 = arith.addi %scan3A_215, %scan3A_216 : i32
    %scan3A_218 = arith.constant 1 : i32
    scf.for %scan3A_296 = %scan3A_215 to %scan3A_217 step %scan3A_218  : i32 {
      %rem3A_297 = arith.constant 5 : i32
      %rem3A_298 = arith.remsi %scan3A_296, %rem3A_297 : i32
      %dma_wait3A_299 = arith.constant 0 : i32
      %dma_wait3A_300 = arith.constant 0 : i32
      %dma_wait3A_301 = arith.constant 0 : i32
      %dma_wait3A_302 = tpu.memref_slice %arg9[%rem3A_298, %dma_wait3A_300, %dma_wait3A_301] : memref<5x128x64xf32, #tpu.memory_space<vmem>> -> memref<1x128x64xf32, #tpu.memory_space<vmem>>
      %dma_wait3A_303 = tpu.memref_squeeze %dma_wait3A_302 : memref<1x128x64xf32, #tpu.memory_space<vmem>> -> memref<128x64xf32, #tpu.memory_space<vmem>>
      %dma_wait3A_304 = arith.constant 0 : i32
      %dma_wait3A_305 = tpu.memref_slice %arg7[%dma_wait3A_299, %dma_wait3A_304] : memref<10x128xi32, #tpu.memory_space<vmem>> -> memref<1x128xi32, #tpu.memory_space<vmem>>
      %dma_wait3A_306 = tpu.memref_squeeze %dma_wait3A_305 : memref<1x128xi32, #tpu.memory_space<vmem>> -> memref<128xi32, #tpu.memory_space<vmem>>
      %dma_wait3A_307 = arith.constant 0 : i32
      %dma_wait3A_308 = arith.constant 0 : i32
      %dma_wait3A_309 = tpu.memref_slice %arg10[%dma_wait3A_307, %dma_wait3A_308] : memref<10240x64xf32, #tpu.memory_space<vmem_shared>> -> memref<10240x64xf32, #tpu.memory_space<vmem_shared>>
      %dma_wait3A_310 = tpu.memref_slice %arg13[%rem3A_298] : memref<5x!tpu.dma_semaphore, #tpu.memory_space<semaphore_mem>> -> memref<1x!tpu.dma_semaphore, #tpu.memory_space<semaphore_mem>>
      %dma_wait3A_311 = tpu.memref_squeeze %dma_wait3A_310 : memref<1x!tpu.dma_semaphore, #tpu.memory_space<semaphore_mem>> -> memref<!tpu.dma_semaphore, #tpu.memory_space<semaphore_mem>>
      tpu.wait_indirect_dma semaphore(%dma_wait3A_311 : memref<!tpu.dma_semaphore, #tpu.memory_space<semaphore_mem>>) src(%dma_wait3A_309 : memref<10240x64xf32, #tpu.memory_space<vmem_shared>>) dst(%dma_wait3A_303 : memref<128x64xf32, #tpu.memory_space<vmem>>)
      %rem3A_312 = arith.constant 10 : i32
      %rem3A_313 = arith.remsi %scan3A_296, %rem3A_312 : i32
      %dma_start3A_314 = arith.constant 0 : i32
      %dma_start3A_315 = arith.constant 0 : i32
      %dma_start3A_316 = tpu.memref_slice %arg9[%rem3A_298, %dma_start3A_314, %dma_start3A_315] : memref<5x128x64xf32, #tpu.memory_space<vmem>> -> memref<1x128x64xf32, #tpu.memory_space<vmem>>
      %dma_start3A_317 = tpu.memref_squeeze %dma_start3A_316 : memref<1x128x64xf32, #tpu.memory_space<vmem>> -> memref<128x64xf32, #tpu.memory_space<vmem>>
      %dma_start3A_318 = arith.constant 0 : i32
      %dma_start3A_319 = tpu.memref_slice %arg8[%rem3A_313, %dma_start3A_318] : memref<10x128xi32, #tpu.memory_space<vmem>> -> memref<1x128xi32, #tpu.memory_space<vmem>>
      %dma_start3A_320 = tpu.memref_squeeze %dma_start3A_319 : memref<1x128xi32, #tpu.memory_space<vmem>> -> memref<128xi32, #tpu.memory_space<vmem>>
      %dma_start3A_321 = arith.constant 0 : i32
      %dma_start3A_322 = arith.constant 0 : i32
      %dma_start3A_323 = tpu.memref_slice %arg11[%dma_start3A_321, %dma_start3A_322] : memref<10240x64xf32, #tpu.memory_space<vmem_shared>> -> memref<10240x64xf32, #tpu.memory_space<vmem_shared>>
      %dma_start3A_324 = tpu.memref_slice %arg14[%rem3A_298] : memref<5x!tpu.dma_semaphore, #tpu.memory_space<semaphore_mem>> -> memref<1x!tpu.dma_semaphore, #tpu.memory_space<semaphore_mem>>
      %dma_start3A_325 = tpu.memref_squeeze %dma_start3A_324 : memref<1x!tpu.dma_semaphore, #tpu.memory_space<semaphore_mem>> -> memref<!tpu.dma_semaphore, #tpu.memory_space<semaphore_mem>>
      tpu.enqueue_indirect_dma source(%dma_start3A_317 : memref<128x64xf32, #tpu.memory_space<vmem>>) target(%dma_start3A_323 : memref<10240x64xf32, #tpu.memory_space<vmem_shared>>) offsets(%dma_start3A_320 : memref<128xi32, #tpu.memory_space<vmem>>) semaphore(%dma_start3A_325 : memref<!tpu.dma_semaphore, #tpu.memory_space<semaphore_mem>>) {add = true}
      %add3A_326 = arith.constant 4 : i32
      %add3A_327 = arith.addi %scan3A_296, %add3A_326 : i32
      %lt3A = arith.constant 157 : i32
      %lt3A_328 = arith.cmpi slt, %add3A_327, %lt3A : i32
      %convert_element_type3A = arith.extui %lt3A_328 : i1 to i32
      %cond3A = arith.constant 0 : i32
      %cond3A_329 = arith.cmpi ne, %convert_element_type3A, %cond3A : i32
      scf.if %cond3A_329 {
        %add3A_337 = arith.constant 4 : i32
        %add3A_338 = arith.addi %scan3A_296, %add3A_337 : i32
        %rem3A_339 = arith.constant 10 : i32
        %rem3A_340 = arith.remsi %add3A_338, %rem3A_339 : i32
        %mul3A_341 = arith.constant 128 : i32
        %mul3A_342 = arith.muli %add3A_338, %mul3A_341 : i32
        %add3A_343 = arith.addi %multiple_of3A_6, %mul3A_342 : i32
        %add3A_344 = arith.constant 320000 : i32
        %add3A_345 = arith.addi %add3A_344, %multiple_of3A_6 : i32
        %mul3A_346 = arith.constant 128 : i32
        %mul3A_347 = arith.muli %add3A_338, %mul3A_346 : i32
        %add3A_348 = arith.addi %add3A_345, %mul3A_347 : i32
        %eq3A = arith.constant 156 : i32
        %eq3A_349 = arith.cmpi eq, %add3A_338, %eq3A : i32
        %convert_element_type3A_350 = arith.extui %eq3A_349 : i1 to i32
        %cond3A_351 = arith.constant 0 : i32
        %cond3A_352 = arith.cmpi ne, %convert_element_type3A_350, %cond3A_351 : i32
        scf.if %cond3A_352 {
          "tpu.region"() ({
            %run_scoped3A = tpu.sem_alloc : memref<!tpu.dma_semaphore, #tpu.memory_space<semaphore_mem>>
            %dma_start3A_377 = arith.constant 0 : i32
            %dma_start3A_378 = tpu.memref_slice %arg7[%rem3A_340, %dma_start3A_377] : memref<10x128xi32, #tpu.memory_space<vmem>> -> memref<1x128xi32, #tpu.memory_space<vmem>>
            %dma_start3A_379 = tpu.memref_squeeze %dma_start3A_378 : memref<1x128xi32, #tpu.memory_space<vmem>> -> memref<128xi32, #tpu.memory_space<vmem>>
            %dma_start3A_380 = arith.constant 0 : i32
            %dma_start3A_381 = tpu.memref_slice %arg7[%rem3A_340, %dma_start3A_380] : memref<10x128xi32, #tpu.memory_space<vmem>> -> memref<1x128xi32, #tpu.memory_space<vmem>>
            %dma_start3A_382 = tpu.memref_squeeze %dma_start3A_381 : memref<1x128xi32, #tpu.memory_space<vmem>> -> memref<128xi32, #tpu.memory_space<vmem>>
            tpu.enqueue_dma source(%arg4 : memref<128xi32, #tpu.memory_space<hbm>>) target(%dma_start3A_382 : memref<128xi32, #tpu.memory_space<vmem>>) target_semaphore(%run_scoped3A : memref<!tpu.dma_semaphore, #tpu.memory_space<semaphore_mem>>)
            %dma_wait3A_383 = arith.constant 0 : i32
            %dma_wait3A_384 = tpu.memref_slice %arg7[%rem3A_340, %dma_wait3A_383] : memref<10x128xi32, #tpu.memory_space<vmem>> -> memref<1x128xi32, #tpu.memory_space<vmem>>
            %dma_wait3A_385 = tpu.memref_squeeze %dma_wait3A_384 : memref<1x128xi32, #tpu.memory_space<vmem>> -> memref<128xi32, #tpu.memory_space<vmem>>
            %dma_wait3A_386 = arith.constant 0 : i32
            %dma_wait3A_387 = tpu.memref_slice %arg7[%rem3A_340, %dma_wait3A_386] : memref<10x128xi32, #tpu.memory_space<vmem>> -> memref<1x128xi32, #tpu.memory_space<vmem>>
            %dma_wait3A_388 = tpu.memref_squeeze %dma_wait3A_387 : memref<1x128xi32, #tpu.memory_space<vmem>> -> memref<128xi32, #tpu.memory_space<vmem>>
            tpu.wait_dma2 semaphore(%run_scoped3A : memref<!tpu.dma_semaphore, #tpu.memory_space<semaphore_mem>>) src(%arg4 : memref<128xi32, #tpu.memory_space<hbm>>) dst(%dma_wait3A_388 : memref<128xi32, #tpu.memory_space<vmem>>)
            tpu.yield
          }) : () -> ()
          "tpu.region"() ({
            %run_scoped3A = tpu.sem_alloc : memref<!tpu.dma_semaphore, #tpu.memory_space<semaphore_mem>>
            %dma_start3A_377 = arith.constant 0 : i32
            %dma_start3A_378 = tpu.memref_slice %arg8[%rem3A_340, %dma_start3A_377] : memref<10x128xi32, #tpu.memory_space<vmem>> -> memref<1x128xi32, #tpu.memory_space<vmem>>
            %dma_start3A_379 = tpu.memref_squeeze %dma_start3A_378 : memref<1x128xi32, #tpu.memory_space<vmem>> -> memref<128xi32, #tpu.memory_space<vmem>>
            %dma_start3A_380 = arith.constant 0 : i32
            %dma_start3A_381 = tpu.memref_slice %arg8[%rem3A_340, %dma_start3A_380] : memref<10x128xi32, #tpu.memory_space<vmem>> -> memref<1x128xi32, #tpu.memory_space<vmem>>
            %dma_start3A_382 = tpu.memref_squeeze %dma_start3A_381 : memref<1x128xi32, #tpu.memory_space<vmem>> -> memref<128xi32, #tpu.memory_space<vmem>>
            tpu.enqueue_dma source(%arg5 : memref<128xi32, #tpu.memory_space<hbm>>) target(%dma_start3A_382 : memref<128xi32, #tpu.memory_space<vmem>>) target_semaphore(%run_scoped3A : memref<!tpu.dma_semaphore, #tpu.memory_space<semaphore_mem>>)
            %dma_wait3A_383 = arith.constant 0 : i32
            %dma_wait3A_384 = tpu.memref_slice %arg8[%rem3A_340, %dma_wait3A_383] : memref<10x128xi32, #tpu.memory_space<vmem>> -> memref<1x128xi32, #tpu.memory_space<vmem>>
            %dma_wait3A_385 = tpu.memref_squeeze %dma_wait3A_384 : memref<1x128xi32, #tpu.memory_space<vmem>> -> memref<128xi32, #tpu.memory_space<vmem>>
            %dma_wait3A_386 = arith.constant 0 : i32
            %dma_wait3A_387 = tpu.memref_slice %arg8[%rem3A_340, %dma_wait3A_386] : memref<10x128xi32, #tpu.memory_space<vmem>> -> memref<1x128xi32, #tpu.memory_space<vmem>>
            %dma_wait3A_388 = tpu.memref_squeeze %dma_wait3A_387 : memref<1x128xi32, #tpu.memory_space<vmem>> -> memref<128xi32, #tpu.memory_space<vmem>>
            tpu.wait_dma2 semaphore(%run_scoped3A : memref<!tpu.dma_semaphore, #tpu.memory_space<semaphore_mem>>) src(%arg5 : memref<128xi32, #tpu.memory_space<hbm>>) dst(%dma_wait3A_388 : memref<128xi32, #tpu.memory_space<vmem>>)
            tpu.yield
          }) : () -> ()
          %dma_start3A_357 = arith.constant 0 : i32
          %dma_start3A_358 = tpu.memref_slice %arg7[%rem3A_340, %dma_start3A_357] : memref<10x128xi32, #tpu.memory_space<vmem>> -> memref<1x32xi32, #tpu.memory_space<vmem>>
          %dma_start3A_359 = tpu.memref_squeeze %dma_start3A_358 : memref<1x32xi32, #tpu.memory_space<vmem>> -> memref<32xi32, #tpu.memory_space<vmem>>
          %dma_start3A_360 = tpu.memref_slice %arg3[%add3A_343] : memref<640000xi32, #tpu.memory_space<hbm>> -> memref<32xi32, #tpu.memory_space<hbm>>
          %dma_start3A_361 = tpu.memref_slice %arg12[%rem3A_340] : memref<10x!tpu.dma_semaphore, #tpu.memory_space<semaphore_mem>> -> memref<1x!tpu.dma_semaphore, #tpu.memory_space<semaphore_mem>>
          %dma_start3A_362 = tpu.memref_squeeze %dma_start3A_361 : memref<1x!tpu.dma_semaphore, #tpu.memory_space<semaphore_mem>> -> memref<!tpu.dma_semaphore, #tpu.memory_space<semaphore_mem>>
          %dma_start3A_363 = arith.constant 0 : i32
          %dma_start3A_364 = tpu.memref_slice %arg7[%rem3A_340, %dma_start3A_363] : memref<10x128xi32, #tpu.memory_space<vmem>> -> memref<1x32xi32, #tpu.memory_space<vmem>>
          %dma_start3A_365 = tpu.memref_squeeze %dma_start3A_364 : memref<1x32xi32, #tpu.memory_space<vmem>> -> memref<32xi32, #tpu.memory_space<vmem>>
          %dma_start3A_366 = tpu.memref_slice %arg3[%add3A_343] : memref<640000xi32, #tpu.memory_space<hbm>> -> memref<32xi32, #tpu.memory_space<hbm>>
          tpu.enqueue_dma source(%dma_start3A_366 : memref<32xi32, #tpu.memory_space<hbm>>) target(%dma_start3A_365 : memref<32xi32, #tpu.memory_space<vmem>>) target_semaphore(%dma_start3A_362 : memref<!tpu.dma_semaphore, #tpu.memory_space<semaphore_mem>>)
          %dma_start3A_367 = arith.constant 0 : i32
          %dma_start3A_368 = tpu.memref_slice %arg8[%rem3A_340, %dma_start3A_367] : memref<10x128xi32, #tpu.memory_space<vmem>> -> memref<1x32xi32, #tpu.memory_space<vmem>>
          %dma_start3A_369 = tpu.memref_squeeze %dma_start3A_368 : memref<1x32xi32, #tpu.memory_space<vmem>> -> memref<32xi32, #tpu.memory_space<vmem>>
          %dma_start3A_370 = tpu.memref_slice %arg3[%add3A_348] : memref<640000xi32, #tpu.memory_space<hbm>> -> memref<32xi32, #tpu.memory_space<hbm>>
          %dma_start3A_371 = tpu.memref_slice %arg12[%rem3A_340] : memref<10x!tpu.dma_semaphore, #tpu.memory_space<semaphore_mem>> -> memref<1x!tpu.dma_semaphore, #tpu.memory_space<semaphore_mem>>
          %dma_start3A_372 = tpu.memref_squeeze %dma_start3A_371 : memref<1x!tpu.dma_semaphore, #tpu.memory_space<semaphore_mem>> -> memref<!tpu.dma_semaphore, #tpu.memory_space<semaphore_mem>>
          %dma_start3A_373 = arith.constant 0 : i32
          %dma_start3A_374 = tpu.memref_slice %arg8[%rem3A_340, %dma_start3A_373] : memref<10x128xi32, #tpu.memory_space<vmem>> -> memref<1x32xi32, #tpu.memory_space<vmem>>
          %dma_start3A_375 = tpu.memref_squeeze %dma_start3A_374 : memref<1x32xi32, #tpu.memory_space<vmem>> -> memref<32xi32, #tpu.memory_space<vmem>>
          %dma_start3A_376 = tpu.memref_slice %arg3[%add3A_348] : memref<640000xi32, #tpu.memory_space<hbm>> -> memref<32xi32, #tpu.memory_space<hbm>>
          tpu.enqueue_dma source(%dma_start3A_376 : memref<32xi32, #tpu.memory_space<hbm>>) target(%dma_start3A_375 : memref<32xi32, #tpu.memory_space<vmem>>) target_semaphore(%dma_start3A_372 : memref<!tpu.dma_semaphore, #tpu.memory_space<semaphore_mem>>)
        } else {
        }
        %ne3A = arith.constant 156 : i32
        %ne3A_353 = arith.cmpi ne, %add3A_338, %ne3A : i32
        %convert_element_type3A_354 = arith.extui %ne3A_353 : i1 to i32
        %cond3A_355 = arith.constant 0 : i32
        %cond3A_356 = arith.cmpi ne, %convert_element_type3A_354, %cond3A_355 : i32
        scf.if %cond3A_356 {
          %dma_start3A_357 = arith.constant 0 : i32
          %dma_start3A_358 = tpu.memref_slice %arg7[%rem3A_340, %dma_start3A_357] : memref<10x128xi32, #tpu.memory_space<vmem>> -> memref<1x128xi32, #tpu.memory_space<vmem>>
          %dma_start3A_359 = tpu.memref_squeeze %dma_start3A_358 : memref<1x128xi32, #tpu.memory_space<vmem>> -> memref<128xi32, #tpu.memory_space<vmem>>
          %dma_start3A_360 = tpu.memref_slice %arg3[%add3A_343] : memref<640000xi32, #tpu.memory_space<hbm>> -> memref<128xi32, #tpu.memory_space<hbm>>
          %dma_start3A_361 = tpu.memref_slice %arg12[%rem3A_340] : memref<10x!tpu.dma_semaphore, #tpu.memory_space<semaphore_mem>> -> memref<1x!tpu.dma_semaphore, #tpu.memory_space<semaphore_mem>>
          %dma_start3A_362 = tpu.memref_squeeze %dma_start3A_361 : memref<1x!tpu.dma_semaphore, #tpu.memory_space<semaphore_mem>> -> memref<!tpu.dma_semaphore, #tpu.memory_space<semaphore_mem>>
          %dma_start3A_363 = arith.constant 0 : i32
          %dma_start3A_364 = tpu.memref_slice %arg7[%rem3A_340, %dma_start3A_363] : memref<10x128xi32, #tpu.memory_space<vmem>> -> memref<1x128xi32, #tpu.memory_space<vmem>>
          %dma_start3A_365 = tpu.memref_squeeze %dma_start3A_364 : memref<1x128xi32, #tpu.memory_space<vmem>> -> memref<128xi32, #tpu.memory_space<vmem>>
          %dma_start3A_366 = tpu.memref_slice %arg3[%add3A_343] : memref<640000xi32, #tpu.memory_space<hbm>> -> memref<128xi32, #tpu.memory_space<hbm>>
          tpu.enqueue_dma source(%dma_start3A_366 : memref<128xi32, #tpu.memory_space<hbm>>) target(%dma_start3A_365 : memref<128xi32, #tpu.memory_space<vmem>>) target_semaphore(%dma_start3A_362 : memref<!tpu.dma_semaphore, #tpu.memory_space<semaphore_mem>>)
          %dma_start3A_367 = arith.constant 0 : i32
          %dma_start3A_368 = tpu.memref_slice %arg8[%rem3A_340, %dma_start3A_367] : memref<10x128xi32, #tpu.memory_space<vmem>> -> memref<1x128xi32, #tpu.memory_space<vmem>>
          %dma_start3A_369 = tpu.memref_squeeze %dma_start3A_368 : memref<1x128xi32, #tpu.memory_space<vmem>> -> memref<128xi32, #tpu.memory_space<vmem>>
          %dma_start3A_370 = tpu.memref_slice %arg3[%add3A_348] : memref<640000xi32, #tpu.memory_space<hbm>> -> memref<128xi32, #tpu.memory_space<hbm>>
          %dma_start3A_371 = tpu.memref_slice %arg12[%rem3A_340] : memref<10x!tpu.dma_semaphore, #tpu.memory_space<semaphore_mem>> -> memref<1x!tpu.dma_semaphore, #tpu.memory_space<semaphore_mem>>
          %dma_start3A_372 = tpu.memref_squeeze %dma_start3A_371 : memref<1x!tpu.dma_semaphore, #tpu.memory_space<semaphore_mem>> -> memref<!tpu.dma_semaphore, #tpu.memory_space<semaphore_mem>>
          %dma_start3A_373 = arith.constant 0 : i32
          %dma_start3A_374 = tpu.memref_slice %arg8[%rem3A_340, %dma_start3A_373] : memref<10x128xi32, #tpu.memory_space<vmem>> -> memref<1x128xi32, #tpu.memory_space<vmem>>
          %dma_start3A_375 = tpu.memref_squeeze %dma_start3A_374 : memref<1x128xi32, #tpu.memory_space<vmem>> -> memref<128xi32, #tpu.memory_space<vmem>>
          %dma_start3A_376 = tpu.memref_slice %arg3[%add3A_348] : memref<640000xi32, #tpu.memory_space<hbm>> -> memref<128xi32, #tpu.memory_space<hbm>>
          tpu.enqueue_dma source(%dma_start3A_376 : memref<128xi32, #tpu.memory_space<hbm>>) target(%dma_start3A_375 : memref<128xi32, #tpu.memory_space<vmem>>) target_semaphore(%dma_start3A_372 : memref<!tpu.dma_semaphore, #tpu.memory_space<semaphore_mem>>)
        } else {
        }
      } else {
      }
      %add3A_330 = arith.constant 2 : i32
      %add3A_331 = arith.addi %scan3A_296, %add3A_330 : i32
      %lt3A_332 = arith.constant 157 : i32
      %lt3A_333 = arith.cmpi slt, %add3A_331, %lt3A_332 : i32
      %convert_element_type3A_334 = arith.extui %lt3A_333 : i1 to i32
      %cond3A_335 = arith.constant 0 : i32
      %cond3A_336 = arith.cmpi ne, %convert_element_type3A_334, %cond3A_335 : i32
      scf.if %cond3A_336 {
        %add3A_337 = arith.constant 2 : i32
        %add3A_338 = arith.addi %scan3A_296, %add3A_337 : i32
        %sub3A = arith.constant 5 : i32
        %sub3A_339 = arith.subi %add3A_338, %sub3A : i32
        %ge3A = arith.constant 0 : i32
        %ge3A_340 = arith.cmpi sge, %sub3A_339, %ge3A : i32
        %convert_element_type3A_341 = arith.extui %ge3A_340 : i1 to i32
        %cond3A_342 = arith.constant 0 : i32
        %cond3A_343 = arith.cmpi ne, %convert_element_type3A_341, %cond3A_342 : i32
        scf.if %cond3A_343 {
          %add3A_374 = arith.constant 2 : i32
          %add3A_375 = arith.addi %scan3A_296, %add3A_374 : i32
          %rem3A_376 = arith.constant 5 : i32
          %rem3A_377 = arith.remsi %add3A_375, %rem3A_376 : i32
          %dma_wait3A_378 = arith.constant 0 : i32
          %dma_wait3A_379 = arith.constant 0 : i32
          %dma_wait3A_380 = arith.constant 0 : i32
          %dma_wait3A_381 = tpu.memref_slice %arg9[%rem3A_377, %dma_wait3A_379, %dma_wait3A_380] : memref<5x128x64xf32, #tpu.memory_space<vmem>> -> memref<1x128x64xf32, #tpu.memory_space<vmem>>
          %dma_wait3A_382 = tpu.memref_squeeze %dma_wait3A_381 : memref<1x128x64xf32, #tpu.memory_space<vmem>> -> memref<128x64xf32, #tpu.memory_space<vmem>>
          %dma_wait3A_383 = arith.constant 0 : i32
          %dma_wait3A_384 = tpu.memref_slice %arg8[%dma_wait3A_378, %dma_wait3A_383] : memref<10x128xi32, #tpu.memory_space<vmem>> -> memref<1x128xi32, #tpu.memory_space<vmem>>
          %dma_wait3A_385 = tpu.memref_squeeze %dma_wait3A_384 : memref<1x128xi32, #tpu.memory_space<vmem>> -> memref<128xi32, #tpu.memory_space<vmem>>
          %dma_wait3A_386 = arith.constant 0 : i32
          %dma_wait3A_387 = arith.constant 0 : i32
          %dma_wait3A_388 = tpu.memref_slice %arg11[%dma_wait3A_386, %dma_wait3A_387] : memref<10240x64xf32, #tpu.memory_space<vmem_shared>> -> memref<10240x64xf32, #tpu.memory_space<vmem_shared>>
          %dma_wait3A_389 = tpu.memref_slice %arg14[%rem3A_377] : memref<5x!tpu.dma_semaphore, #tpu.memory_space<semaphore_mem>> -> memref<1x!tpu.dma_semaphore, #tpu.memory_space<semaphore_mem>>
          %dma_wait3A_390 = tpu.memref_squeeze %dma_wait3A_389 : memref<1x!tpu.dma_semaphore, #tpu.memory_space<semaphore_mem>> -> memref<!tpu.dma_semaphore, #tpu.memory_space<semaphore_mem>>
          tpu.wait_indirect_dma semaphore(%dma_wait3A_390 : memref<!tpu.dma_semaphore, #tpu.memory_space<semaphore_mem>>) src(%dma_wait3A_382 : memref<128x64xf32, #tpu.memory_space<vmem>>) dst(%dma_wait3A_388 : memref<10240x64xf32, #tpu.memory_space<vmem_shared>>)
        } else {
        }
        %add3A_344 = arith.constant 2 : i32
        %add3A_345 = arith.addi %scan3A_296, %add3A_344 : i32
        %rem3A_346 = arith.constant 10 : i32
        %rem3A_347 = arith.remsi %add3A_345, %rem3A_346 : i32
        %eq3A = arith.constant 156 : i32
        %eq3A_348 = arith.cmpi eq, %add3A_345, %eq3A : i32
        %convert_element_type3A_349 = arith.extui %eq3A_348 : i1 to i32
        %cond3A_350 = arith.constant 0 : i32
        %cond3A_351 = arith.cmpi ne, %convert_element_type3A_349, %cond3A_350 : i32
        scf.if %cond3A_351 {
          %dma_wait3A_374 = arith.constant 0 : i32
          %dma_wait3A_375 = tpu.memref_slice %arg7[%rem3A_347, %dma_wait3A_374] : memref<10x128xi32, #tpu.memory_space<vmem>> -> memref<1x32xi32, #tpu.memory_space<vmem>>
          %dma_wait3A_376 = tpu.memref_squeeze %dma_wait3A_375 : memref<1x32xi32, #tpu.memory_space<vmem>> -> memref<32xi32, #tpu.memory_space<vmem>>
          %dma_wait3A_377 = arith.constant 0 : i32
          %dma_wait3A_378 = tpu.memref_slice %arg3[%dma_wait3A_377] : memref<640000xi32, #tpu.memory_space<hbm>> -> memref<32xi32, #tpu.memory_space<hbm>>
          %dma_wait3A_379 = tpu.memref_slice %arg12[%rem3A_347] : memref<10x!tpu.dma_semaphore, #tpu.memory_space<semaphore_mem>> -> memref<1x!tpu.dma_semaphore, #tpu.memory_space<semaphore_mem>>
          %dma_wait3A_380 = tpu.memref_squeeze %dma_wait3A_379 : memref<1x!tpu.dma_semaphore, #tpu.memory_space<semaphore_mem>> -> memref<!tpu.dma_semaphore, #tpu.memory_space<semaphore_mem>>
          %dma_wait3A_381 = arith.constant 0 : i32
          %dma_wait3A_382 = tpu.memref_slice %arg7[%rem3A_347, %dma_wait3A_381] : memref<10x128xi32, #tpu.memory_space<vmem>> -> memref<1x32xi32, #tpu.memory_space<vmem>>
          %dma_wait3A_383 = tpu.memref_squeeze %dma_wait3A_382 : memref<1x32xi32, #tpu.memory_space<vmem>> -> memref<32xi32, #tpu.memory_space<vmem>>
          %dma_wait3A_384 = arith.constant 0 : i32
          %dma_wait3A_385 = tpu.memref_slice %arg3[%dma_wait3A_384] : memref<640000xi32, #tpu.memory_space<hbm>> -> memref<32xi32, #tpu.memory_space<hbm>>
          tpu.wait_dma2 semaphore(%dma_wait3A_380 : memref<!tpu.dma_semaphore, #tpu.memory_space<semaphore_mem>>) src(%dma_wait3A_385 : memref<32xi32, #tpu.memory_space<hbm>>) dst(%dma_wait3A_383 : memref<32xi32, #tpu.memory_space<vmem>>)
          %dma_wait3A_386 = arith.constant 0 : i32
          %dma_wait3A_387 = tpu.memref_slice %arg8[%rem3A_347, %dma_wait3A_386] : memref<10x128xi32, #tpu.memory_space<vmem>> -> memref<1x32xi32, #tpu.memory_space<vmem>>
          %dma_wait3A_388 = tpu.memref_squeeze %dma_wait3A_387 : memref<1x32xi32, #tpu.memory_space<vmem>> -> memref<32xi32, #tpu.memory_space<vmem>>
          %dma_wait3A_389 = arith.constant 0 : i32
          %dma_wait3A_390 = tpu.memref_slice %arg3[%dma_wait3A_389] : memref<640000xi32, #tpu.memory_space<hbm>> -> memref<32xi32, #tpu.memory_space<hbm>>
          %dma_wait3A_391 = tpu.memref_slice %arg12[%rem3A_347] : memref<10x!tpu.dma_semaphore, #tpu.memory_space<semaphore_mem>> -> memref<1x!tpu.dma_semaphore, #tpu.memory_space<semaphore_mem>>
          %dma_wait3A_392 = tpu.memref_squeeze %dma_wait3A_391 : memref<1x!tpu.dma_semaphore, #tpu.memory_space<semaphore_mem>> -> memref<!tpu.dma_semaphore, #tpu.memory_space<semaphore_mem>>
          %dma_wait3A_393 = arith.constant 0 : i32
          %dma_wait3A_394 = tpu.memref_slice %arg8[%rem3A_347, %dma_wait3A_393] : memref<10x128xi32, #tpu.memory_space<vmem>> -> memref<1x32xi32, #tpu.memory_space<vmem>>
          %dma_wait3A_395 = tpu.memref_squeeze %dma_wait3A_394 : memref<1x32xi32, #tpu.memory_space<vmem>> -> memref<32xi32, #tpu.memory_space<vmem>>
          %dma_wait3A_396 = arith.constant 0 : i32
          %dma_wait3A_397 = tpu.memref_slice %arg3[%dma_wait3A_396] : memref<640000xi32, #tpu.memory_space<hbm>> -> memref<32xi32, #tpu.memory_space<hbm>>
          tpu.wait_dma2 semaphore(%dma_wait3A_392 : memref<!tpu.dma_semaphore, #tpu.memory_space<semaphore_mem>>) src(%dma_wait3A_397 : memref<32xi32, #tpu.memory_space<hbm>>) dst(%dma_wait3A_395 : memref<32xi32, #tpu.memory_space<vmem>>)
        } else {
        }
        %ne3A = arith.constant 156 : i32
        %ne3A_352 = arith.cmpi ne, %add3A_345, %ne3A : i32
        %convert_element_type3A_353 = arith.extui %ne3A_352 : i1 to i32
        %cond3A_354 = arith.constant 0 : i32
        %cond3A_355 = arith.cmpi ne, %convert_element_type3A_353, %cond3A_354 : i32
        scf.if %cond3A_355 {
          %dma_wait3A_374 = arith.constant 0 : i32
          %dma_wait3A_375 = tpu.memref_slice %arg7[%rem3A_347, %dma_wait3A_374] : memref<10x128xi32, #tpu.memory_space<vmem>> -> memref<1x128xi32, #tpu.memory_space<vmem>>
          %dma_wait3A_376 = tpu.memref_squeeze %dma_wait3A_375 : memref<1x128xi32, #tpu.memory_space<vmem>> -> memref<128xi32, #tpu.memory_space<vmem>>
          %dma_wait3A_377 = arith.constant 0 : i32
          %dma_wait3A_378 = tpu.memref_slice %arg3[%dma_wait3A_377] : memref<640000xi32, #tpu.memory_space<hbm>> -> memref<128xi32, #tpu.memory_space<hbm>>
          %dma_wait3A_379 = tpu.memref_slice %arg12[%rem3A_347] : memref<10x!tpu.dma_semaphore, #tpu.memory_space<semaphore_mem>> -> memref<1x!tpu.dma_semaphore, #tpu.memory_space<semaphore_mem>>
          %dma_wait3A_380 = tpu.memref_squeeze %dma_wait3A_379 : memref<1x!tpu.dma_semaphore, #tpu.memory_space<semaphore_mem>> -> memref<!tpu.dma_semaphore, #tpu.memory_space<semaphore_mem>>
          %dma_wait3A_381 = arith.constant 0 : i32
          %dma_wait3A_382 = tpu.memref_slice %arg7[%rem3A_347, %dma_wait3A_381] : memref<10x128xi32, #tpu.memory_space<vmem>> -> memref<1x128xi32, #tpu.memory_space<vmem>>
          %dma_wait3A_383 = tpu.memref_squeeze %dma_wait3A_382 : memref<1x128xi32, #tpu.memory_space<vmem>> -> memref<128xi32, #tpu.memory_space<vmem>>
          %dma_wait3A_384 = arith.constant 0 : i32
          %dma_wait3A_385 = tpu.memref_slice %arg3[%dma_wait3A_384] : memref<640000xi32, #tpu.memory_space<hbm>> -> memref<128xi32, #tpu.memory_space<hbm>>
          tpu.wait_dma2 semaphore(%dma_wait3A_380 : memref<!tpu.dma_semaphore, #tpu.memory_space<semaphore_mem>>) src(%dma_wait3A_385 : memref<128xi32, #tpu.memory_space<hbm>>) dst(%dma_wait3A_383 : memref<128xi32, #tpu.memory_space<vmem>>)
          %dma_wait3A_386 = arith.constant 0 : i32
          %dma_wait3A_387 = tpu.memref_slice %arg8[%rem3A_347, %dma_wait3A_386] : memref<10x128xi32, #tpu.memory_space<vmem>> -> memref<1x128xi32, #tpu.memory_space<vmem>>
          %dma_wait3A_388 = tpu.memref_squeeze %dma_wait3A_387 : memref<1x128xi32, #tpu.memory_space<vmem>> -> memref<128xi32, #tpu.memory_space<vmem>>
          %dma_wait3A_389 = arith.constant 0 : i32
          %dma_wait3A_390 = tpu.memref_slice %arg3[%dma_wait3A_389] : memref<640000xi32, #tpu.memory_space<hbm>> -> memref<128xi32, #tpu.memory_space<hbm>>
          %dma_wait3A_391 = tpu.memref_slice %arg12[%rem3A_347] : memref<10x!tpu.dma_semaphore, #tpu.memory_space<semaphore_mem>> -> memref<1x!tpu.dma_semaphore, #tpu.memory_space<semaphore_mem>>
          %dma_wait3A_392 = tpu.memref_squeeze %dma_wait3A_391 : memref<1x!tpu.dma_semaphore, #tpu.memory_space<semaphore_mem>> -> memref<!tpu.dma_semaphore, #tpu.memory_space<semaphore_mem>>
          %dma_wait3A_393 = arith.constant 0 : i32
          %dma_wait3A_394 = tpu.memref_slice %arg8[%rem3A_347, %dma_wait3A_393] : memref<10x128xi32, #tpu.memory_space<vmem>> -> memref<1x128xi32, #tpu.memory_space<vmem>>
          %dma_wait3A_395 = tpu.memref_squeeze %dma_wait3A_394 : memref<1x128xi32, #tpu.memory_space<vmem>> -> memref<128xi32, #tpu.memory_space<vmem>>
          %dma_wait3A_396 = arith.constant 0 : i32
          %dma_wait3A_397 = tpu.memref_slice %arg3[%dma_wait3A_396] : memref<640000xi32, #tpu.memory_space<hbm>> -> memref<128xi32, #tpu.memory_space<hbm>>
          tpu.wait_dma2 semaphore(%dma_wait3A_392 : memref<!tpu.dma_semaphore, #tpu.memory_space<semaphore_mem>>) src(%dma_wait3A_397 : memref<128xi32, #tpu.memory_space<hbm>>) dst(%dma_wait3A_395 : memref<128xi32, #tpu.memory_space<vmem>>)
        } else {
        }
        %add3A_356 = arith.constant 2 : i32
        %add3A_357 = arith.addi %scan3A_296, %add3A_356 : i32
        %rem3A_358 = arith.constant 10 : i32
        %rem3A_359 = arith.remsi %add3A_357, %rem3A_358 : i32
        %rem3A_360 = arith.constant 5 : i32
        %rem3A_361 = arith.remsi %add3A_357, %rem3A_360 : i32
        %dma_start3A_362 = arith.constant 0 : i32
        %dma_start3A_363 = arith.constant 0 : i32
        %dma_start3A_364 = tpu.memref_slice %arg9[%rem3A_361, %dma_start3A_362, %dma_start3A_363] : memref<5x128x64xf32, #tpu.memory_space<vmem>> -> memref<1x128x64xf32, #tpu.memory_space<vmem>>
        %dma_start3A_365 = tpu.memref_squeeze %dma_start3A_364 : memref<1x128x64xf32, #tpu.memory_space<vmem>> -> memref<128x64xf32, #tpu.memory_space<vmem>>
        %dma_start3A_366 = arith.constant 0 : i32
        %dma_start3A_367 = tpu.memref_slice %arg7[%rem3A_359, %dma_start3A_366] : memref<10x128xi32, #tpu.memory_space<vmem>> -> memref<1x128xi32, #tpu.memory_space<vmem>>
        %dma_start3A_368 = tpu.memref_squeeze %dma_start3A_367 : memref<1x128xi32, #tpu.memory_space<vmem>> -> memref<128xi32, #tpu.memory_space<vmem>>
        %dma_start3A_369 = arith.constant 0 : i32
        %dma_start3A_370 = arith.constant 0 : i32
        %dma_start3A_371 = tpu.memref_slice %arg10[%dma_start3A_369, %dma_start3A_370] : memref<10240x64xf32, #tpu.memory_space<vmem_shared>> -> memref<10240x64xf32, #tpu.memory_space<vmem_shared>>
        %dma_start3A_372 = tpu.memref_slice %arg13[%rem3A_361] : memref<5x!tpu.dma_semaphore, #tpu.memory_space<semaphore_mem>> -> memref<1x!tpu.dma_semaphore, #tpu.memory_space<semaphore_mem>>
        %dma_start3A_373 = tpu.memref_squeeze %dma_start3A_372 : memref<1x!tpu.dma_semaphore, #tpu.memory_space<semaphore_mem>> -> memref<!tpu.dma_semaphore, #tpu.memory_space<semaphore_mem>>
        tpu.enqueue_indirect_dma source(%dma_start3A_371 : memref<10240x64xf32, #tpu.memory_space<vmem_shared>>) target(%dma_start3A_365 : memref<128x64xf32, #tpu.memory_space<vmem>>) offsets(%dma_start3A_368 : memref<128xi32, #tpu.memory_space<vmem>>) semaphore(%dma_start3A_373 : memref<!tpu.dma_semaphore, #tpu.memory_space<semaphore_mem>>)
      } else {
      }
    }
    %scan3A_219 = arith.constant 157 : i32
    %dma_wait3A_220 = arith.constant 2 : i32
    %dma_wait3A_221 = arith.constant 0 : i32
    %dma_wait3A_222 = arith.constant 2 : i32
    %dma_wait3A_223 = arith.constant 0 : i32
    %dma_wait3A_224 = arith.constant 0 : i32
    %dma_wait3A_225 = tpu.memref_slice %arg9[%dma_wait3A_220, %dma_wait3A_223, %dma_wait3A_224] : memref<5x128x64xf32, #tpu.memory_space<vmem>> -> memref<1x128x64xf32, #tpu.memory_space<vmem>>
    %dma_wait3A_226 = tpu.memref_squeeze %dma_wait3A_225 : memref<1x128x64xf32, #tpu.memory_space<vmem>> -> memref<128x64xf32, #tpu.memory_space<vmem>>
    %dma_wait3A_227 = arith.constant 0 : i32
    %dma_wait3A_228 = tpu.memref_slice %arg8[%dma_wait3A_221, %dma_wait3A_227] : memref<10x128xi32, #tpu.memory_space<vmem>> -> memref<1x128xi32, #tpu.memory_space<vmem>>
    %dma_wait3A_229 = tpu.memref_squeeze %dma_wait3A_228 : memref<1x128xi32, #tpu.memory_space<vmem>> -> memref<128xi32, #tpu.memory_space<vmem>>
    %dma_wait3A_230 = arith.constant 0 : i32
    %dma_wait3A_231 = arith.constant 0 : i32
    %dma_wait3A_232 = tpu.memref_slice %arg11[%dma_wait3A_230, %dma_wait3A_231] : memref<10240x64xf32, #tpu.memory_space<vmem_shared>> -> memref<10240x64xf32, #tpu.memory_space<vmem_shared>>
    %dma_wait3A_233 = tpu.memref_slice %arg14[%dma_wait3A_222] : memref<5x!tpu.dma_semaphore, #tpu.memory_space<semaphore_mem>> -> memref<1x!tpu.dma_semaphore, #tpu.memory_space<semaphore_mem>>
    %dma_wait3A_234 = tpu.memref_squeeze %dma_wait3A_233 : memref<1x!tpu.dma_semaphore, #tpu.memory_space<semaphore_mem>> -> memref<!tpu.dma_semaphore, #tpu.memory_space<semaphore_mem>>
    tpu.wait_indirect_dma semaphore(%dma_wait3A_234 : memref<!tpu.dma_semaphore, #tpu.memory_space<semaphore_mem>>) src(%dma_wait3A_226 : memref<128x64xf32, #tpu.memory_space<vmem>>) dst(%dma_wait3A_232 : memref<10240x64xf32, #tpu.memory_space<vmem_shared>>)
    %dma_wait3A_235 = arith.constant 3 : i32
    %dma_wait3A_236 = arith.constant 0 : i32
    %dma_wait3A_237 = arith.constant 3 : i32
    %dma_wait3A_238 = arith.constant 0 : i32
    %dma_wait3A_239 = arith.constant 0 : i32
    %dma_wait3A_240 = tpu.memref_slice %arg9[%dma_wait3A_235, %dma_wait3A_238, %dma_wait3A_239] : memref<5x128x64xf32, #tpu.memory_space<vmem>> -> memref<1x128x64xf32, #tpu.memory_space<vmem>>
    %dma_wait3A_241 = tpu.memref_squeeze %dma_wait3A_240 : memref<1x128x64xf32, #tpu.memory_space<vmem>> -> memref<128x64xf32, #tpu.memory_space<vmem>>
    %dma_wait3A_242 = arith.constant 0 : i32
    %dma_wait3A_243 = tpu.memref_slice %arg8[%dma_wait3A_236, %dma_wait3A_242] : memref<10x128xi32, #tpu.memory_space<vmem>> -> memref<1x128xi32, #tpu.memory_space<vmem>>
    %dma_wait3A_244 = tpu.memref_squeeze %dma_wait3A_243 : memref<1x128xi32, #tpu.memory_space<vmem>> -> memref<128xi32, #tpu.memory_space<vmem>>
    %dma_wait3A_245 = arith.constant 0 : i32
    %dma_wait3A_246 = arith.constant 0 : i32
    %dma_wait3A_247 = tpu.memref_slice %arg11[%dma_wait3A_245, %dma_wait3A_246] : memref<10240x64xf32, #tpu.memory_space<vmem_shared>> -> memref<10240x64xf32, #tpu.memory_space<vmem_shared>>
    %dma_wait3A_248 = tpu.memref_slice %arg14[%dma_wait3A_237] : memref<5x!tpu.dma_semaphore, #tpu.memory_space<semaphore_mem>> -> memref<1x!tpu.dma_semaphore, #tpu.memory_space<semaphore_mem>>
    %dma_wait3A_249 = tpu.memref_squeeze %dma_wait3A_248 : memref<1x!tpu.dma_semaphore, #tpu.memory_space<semaphore_mem>> -> memref<!tpu.dma_semaphore, #tpu.memory_space<semaphore_mem>>
    tpu.wait_indirect_dma semaphore(%dma_wait3A_249 : memref<!tpu.dma_semaphore, #tpu.memory_space<semaphore_mem>>) src(%dma_wait3A_241 : memref<128x64xf32, #tpu.memory_space<vmem>>) dst(%dma_wait3A_247 : memref<10240x64xf32, #tpu.memory_space<vmem_shared>>)
    %dma_wait3A_250 = arith.constant 4 : i32
    %dma_wait3A_251 = arith.constant 0 : i32
    %dma_wait3A_252 = arith.constant 4 : i32
    %dma_wait3A_253 = arith.constant 0 : i32
    %dma_wait3A_254 = arith.constant 0 : i32
    %dma_wait3A_255 = tpu.memref_slice %arg9[%dma_wait3A_250, %dma_wait3A_253, %dma_wait3A_254] : memref<5x128x64xf32, #tpu.memory_space<vmem>> -> memref<1x128x64xf32, #tpu.memory_space<vmem>>
    %dma_wait3A_256 = tpu.memref_squeeze %dma_wait3A_255 : memref<1x128x64xf32, #tpu.memory_space<vmem>> -> memref<128x64xf32, #tpu.memory_space<vmem>>
    %dma_wait3A_257 = arith.constant 0 : i32
    %dma_wait3A_258 = tpu.memref_slice %arg8[%dma_wait3A_251, %dma_wait3A_257] : memref<10x128xi32, #tpu.memory_space<vmem>> -> memref<1x128xi32, #tpu.memory_space<vmem>>
    %dma_wait3A_259 = tpu.memref_squeeze %dma_wait3A_258 : memref<1x128xi32, #tpu.memory_space<vmem>> -> memref<128xi32, #tpu.memory_space<vmem>>
    %dma_wait3A_260 = arith.constant 0 : i32
    %dma_wait3A_261 = arith.constant 0 : i32
    %dma_wait3A_262 = tpu.memref_slice %arg11[%dma_wait3A_260, %dma_wait3A_261] : memref<10240x64xf32, #tpu.memory_space<vmem_shared>> -> memref<10240x64xf32, #tpu.memory_space<vmem_shared>>
    %dma_wait3A_263 = tpu.memref_slice %arg14[%dma_wait3A_252] : memref<5x!tpu.dma_semaphore, #tpu.memory_space<semaphore_mem>> -> memref<1x!tpu.dma_semaphore, #tpu.memory_space<semaphore_mem>>
    %dma_wait3A_264 = tpu.memref_squeeze %dma_wait3A_263 : memref<1x!tpu.dma_semaphore, #tpu.memory_space<semaphore_mem>> -> memref<!tpu.dma_semaphore, #tpu.memory_space<semaphore_mem>>
    tpu.wait_indirect_dma semaphore(%dma_wait3A_264 : memref<!tpu.dma_semaphore, #tpu.memory_space<semaphore_mem>>) src(%dma_wait3A_256 : memref<128x64xf32, #tpu.memory_space<vmem>>) dst(%dma_wait3A_262 : memref<10240x64xf32, #tpu.memory_space<vmem_shared>>)
    %dma_wait3A_265 = arith.constant 0 : i32
    %dma_wait3A_266 = arith.constant 0 : i32
    %dma_wait3A_267 = arith.constant 0 : i32
    %dma_wait3A_268 = arith.constant 0 : i32
    %dma_wait3A_269 = arith.constant 0 : i32
    %dma_wait3A_270 = tpu.memref_slice %arg9[%dma_wait3A_265, %dma_wait3A_268, %dma_wait3A_269] : memref<5x128x64xf32, #tpu.memory_space<vmem>> -> memref<1x128x64xf32, #tpu.memory_space<vmem>>
    %dma_wait3A_271 = tpu.memref_squeeze %dma_wait3A_270 : memref<1x128x64xf32, #tpu.memory_space<vmem>> -> memref<128x64xf32, #tpu.memory_space<vmem>>
    %dma_wait3A_272 = arith.constant 0 : i32
    %dma_wait3A_273 = tpu.memref_slice %arg8[%dma_wait3A_266, %dma_wait3A_272] : memref<10x128xi32, #tpu.memory_space<vmem>> -> memref<1x128xi32, #tpu.memory_space<vmem>>
    %dma_wait3A_274 = tpu.memref_squeeze %dma_wait3A_273 : memref<1x128xi32, #tpu.memory_space<vmem>> -> memref<128xi32, #tpu.memory_space<vmem>>
    %dma_wait3A_275 = arith.constant 0 : i32
    %dma_wait3A_276 = arith.constant 0 : i32
    %dma_wait3A_277 = tpu.memref_slice %arg11[%dma_wait3A_275, %dma_wait3A_276] : memref<10240x64xf32, #tpu.memory_space<vmem_shared>> -> memref<10240x64xf32, #tpu.memory_space<vmem_shared>>
    %dma_wait3A_278 = tpu.memref_slice %arg14[%dma_wait3A_267] : memref<5x!tpu.dma_semaphore, #tpu.memory_space<semaphore_mem>> -> memref<1x!tpu.dma_semaphore, #tpu.memory_space<semaphore_mem>>
    %dma_wait3A_279 = tpu.memref_squeeze %dma_wait3A_278 : memref<1x!tpu.dma_semaphore, #tpu.memory_space<semaphore_mem>> -> memref<!tpu.dma_semaphore, #tpu.memory_space<semaphore_mem>>
    tpu.wait_indirect_dma semaphore(%dma_wait3A_279 : memref<!tpu.dma_semaphore, #tpu.memory_space<semaphore_mem>>) src(%dma_wait3A_271 : memref<128x64xf32, #tpu.memory_space<vmem>>) dst(%dma_wait3A_277 : memref<10240x64xf32, #tpu.memory_space<vmem_shared>>)
    %dma_wait3A_280 = arith.constant 1 : i32
    %dma_wait3A_281 = arith.constant 0 : i32
    %dma_wait3A_282 = arith.constant 1 : i32
    %dma_wait3A_283 = arith.constant 0 : i32
    %dma_wait3A_284 = arith.constant 0 : i32
    %dma_wait3A_285 = tpu.memref_slice %arg9[%dma_wait3A_280, %dma_wait3A_283, %dma_wait3A_284] : memref<5x128x64xf32, #tpu.memory_space<vmem>> -> memref<1x128x64xf32, #tpu.memory_space<vmem>>
    %dma_wait3A_286 = tpu.memref_squeeze %dma_wait3A_285 : memref<1x128x64xf32, #tpu.memory_space<vmem>> -> memref<128x64xf32, #tpu.memory_space<vmem>>
    %dma_wait3A_287 = arith.constant 0 : i32
    %dma_wait3A_288 = tpu.memref_slice %arg8[%dma_wait3A_281, %dma_wait3A_287] : memref<10x128xi32, #tpu.memory_space<vmem>> -> memref<1x128xi32, #tpu.memory_space<vmem>>
    %dma_wait3A_289 = tpu.memref_squeeze %dma_wait3A_288 : memref<1x128xi32, #tpu.memory_space<vmem>> -> memref<128xi32, #tpu.memory_space<vmem>>
    %dma_wait3A_290 = arith.constant 0 : i32
    %dma_wait3A_291 = arith.constant 0 : i32
    %dma_wait3A_292 = tpu.memref_slice %arg11[%dma_wait3A_290, %dma_wait3A_291] : memref<10240x64xf32, #tpu.memory_space<vmem_shared>> -> memref<10240x64xf32, #tpu.memory_space<vmem_shared>>
    %dma_wait3A_293 = tpu.memref_slice %arg14[%dma_wait3A_282] : memref<5x!tpu.dma_semaphore, #tpu.memory_space<semaphore_mem>> -> memref<1x!tpu.dma_semaphore, #tpu.memory_space<semaphore_mem>>
    %dma_wait3A_294 = tpu.memref_squeeze %dma_wait3A_293 : memref<1x!tpu.dma_semaphore, #tpu.memory_space<semaphore_mem>> -> memref<!tpu.dma_semaphore, #tpu.memory_space<semaphore_mem>>
    tpu.wait_indirect_dma semaphore(%dma_wait3A_294 : memref<!tpu.dma_semaphore, #tpu.memory_space<semaphore_mem>>) src(%dma_wait3A_286 : memref<128x64xf32, #tpu.memory_space<vmem>>) dst(%dma_wait3A_292 : memref<10240x64xf32, #tpu.memory_space<vmem_shared>>)
    %barrier3A_295 = arith.constant 0 : index
    tpu.barrier barrier_id(%barrier3A_295)
    "tpu.region"() ({
      %run_scoped3A = tpu.sem_alloc : memref<!tpu.dma_semaphore, #tpu.memory_space<semaphore_mem>>
      %dma_start3A_296 = tpu.memref_slice %arg6[%multiple_of3A_3, %multiple_of3A] : memref<10240x128xf32, #tpu.memory_space<hbm>> -> memref<640x64xf32, #tpu.memory_space<hbm>>
      %dma_start3A_297 = arith.constant 0 : i32
      %dma_start3A_298 = tpu.memref_slice %arg11[%multiple_of3A_3, %dma_start3A_297] : memref<10240x64xf32, #tpu.memory_space<vmem_shared>> -> memref<640x64xf32, #tpu.memory_space<vmem_shared>>
      tpu.enqueue_dma source(%dma_start3A_298 : memref<640x64xf32, #tpu.memory_space<vmem_shared>>) target(%dma_start3A_296 : memref<640x64xf32, #tpu.memory_space<hbm>>) target_semaphore(%run_scoped3A : memref<!tpu.dma_semaphore, #tpu.memory_space<semaphore_mem>>)
      %dma_wait3A_299 = tpu.memref_slice %arg6[%multiple_of3A_3, %multiple_of3A] : memref<10240x128xf32, #tpu.memory_space<hbm>> -> memref<640x64xf32, #tpu.memory_space<hbm>>
      %dma_wait3A_300 = arith.constant 0 : i32
      %dma_wait3A_301 = tpu.memref_slice %arg11[%multiple_of3A_3, %dma_wait3A_300] : memref<10240x64xf32, #tpu.memory_space<vmem_shared>> -> memref<640x64xf32, #tpu.memory_space<vmem_shared>>
      tpu.wait_dma2 semaphore(%run_scoped3A : memref<!tpu.dma_semaphore, #tpu.memory_space<semaphore_mem>>) src(%dma_wait3A_301 : memref<640x64xf32, #tpu.memory_space<vmem_shared>>) dst(%dma_wait3A_299 : memref<640x64xf32, #tpu.memory_space<hbm>>)
      tpu.yield
    }) : () -> ()
    return
  }
}

module attributes {stable_mosaic.version = 14 : i64} {
  func.func @_tc1_body(%arg0: i32, %arg1: memref<32x1280xf32, #tpu.memory_space<vmem>>, %arg2: memref<1280x128xf32, #tpu.memory_space<vmem>>, %arg3: memref<128x128xf32, #tpu.memory_space<vmem>>, %arg4: memref<1280x128xf32, #tpu.memory_space<vmem>>, %arg5: memref<1280x1xf32, #tpu.memory_space<vmem>>) attributes {dimension_semantics = [#tpu.dimension_semantics<arbitrary>], iteration_bounds = array<i64: 8>, scalar_prefetch = 0 : i64, scratch_operands = 0 : i64, tpu.core_type = #tpu.core_type<tc>, window_params = [{transform_indices = @transform_0, window_bounds = array<i64: 32, 1280>}, {transform_indices = @transform_1, window_bounds = array<i64: 1280, 128>}, {pipeline_mode = #tpu.pipeline_mode<synchronous>, transform_indices = @transform_2, window_bounds = array<i64: 128, 128>}, {transform_indices = @transform_3, window_bounds = array<i64: 1280, 128>}, {transform_indices = @transform_4, window_bounds = array<i64: 1280, 1>}]} {
    %get3A = arith.constant 0 : index
    %get3A_0 = arith.constant 0 : index
    %get3A_1 = vector.load %arg1[%get3A, %get3A_0] : memref<32x1280xf32, #tpu.memory_space<vmem>>, vector<32x1280xf32>
    %reduce_sum3A = arith.constant dense<0.000000e+00> : vector<1280xf32>
    %reduce_sum3A_2 = vector.multi_reduction <add>, %get3A_1, %reduce_sum3A [0] : vector<32x1280xf32> to vector<1280xf32>
    %add3A = arith.constant 1.000000e+00 : f32
    %add3A_3 = vector.broadcast %add3A : f32 to vector<1280xf32>
    %add3A_4 = arith.addf %reduce_sum3A_2, %add3A_3 : vector<1280xf32>
    %rsqrt3A = math.rsqrt %add3A_4 : vector<1280xf32>
    %get3A_5 = arith.constant 0 : index
    %get3A_6 = arith.constant 0 : index
    %get3A_7 = vector.load %arg2[%get3A_5, %get3A_6] : memref<1280x128xf32, #tpu.memory_space<vmem>>, vector<1280x128xf32>
    %get3A_8 = arith.constant 0 : index
    %get3A_9 = arith.constant 0 : index
    %get3A_10 = vector.load %arg3[%get3A_8, %get3A_9] : memref<128x128xf32, #tpu.memory_space<vmem>>, vector<128x128xf32>
    %dot_general3A = arith.constant dense<0.000000e+00> : vector<1280x128xf32>
    %dot_general3A_11 = tpu.matmul %get3A_7, %get3A_10, %dot_general3A {dimension_numbers = #tpu.dot_dimension_numbers<[1], [0], [0], [1], [0, 0, 1, 1], [], []>, transpose_lhs_hint = false} : vector<1280x128xf32>, vector<128x128xf32>, vector<1280x128xf32> -> vector<1280x128xf32>
    %broadcast_in_dim3A = vector.shape_cast %rsqrt3A : vector<1280xf32> to vector<1280x1xf32>
    %mul3A = vector.broadcast %broadcast_in_dim3A : vector<1280x1xf32> to vector<1280x128xf32>
    %mul3A_12 = arith.mulf %dot_general3A_11, %mul3A : vector<1280x128xf32>
    %swap3A = arith.constant 0 : index
    %swap3A_13 = arith.constant 0 : index
    %swap3A_14 = vector.load %arg4[%swap3A, %swap3A_13] : memref<1280x128xf32, #tpu.memory_space<vmem>>, vector<1280x128xf32>
    tpu.vector_store %arg4[%swap3A, %swap3A_13], %mul3A_12 {strides = array<i32>} : memref<1280x128xf32, #tpu.memory_space<vmem>>, vector<1280x128xf32>,
    %broadcast_in_dim3A_15 = vector.shape_cast %rsqrt3A : vector<1280xf32> to vector<1280x1xf32>
    %swap3A_16 = arith.constant 0 : index
    %swap3A_17 = arith.constant 0 : index
    %swap3A_18 = vector.load %arg5[%swap3A_16, %swap3A_17] : memref<1280x1xf32, #tpu.memory_space<vmem>>, vector<1280x1xf32>
    tpu.vector_store %arg5[%swap3A_16, %swap3A_17], %broadcast_in_dim3A_15 {strides = array<i32>} : memref<1280x1xf32, #tpu.memory_space<vmem>>, vector<1280x1xf32>,
    return
  }
  func.func @transform_0(%arg0: i32) -> (i32, i32) {
    %c0_i32 = arith.constant 0 : i32
    %c0_i32_0 = arith.constant 0 : i32
    return %c0_i32, %arg0 : i32, i32
  }
  func.func @transform_1(%arg0: i32) -> (i32, i32) {
    %c0_i32 = arith.constant 0 : i32
    %c0_i32_0 = arith.constant 0 : i32
    return %arg0, %c0_i32 : i32, i32
  }
  func.func @transform_2(%arg0: i32) -> (i32, i32) {
    %c0_i32 = arith.constant 0 : i32
    %c0_i32_0 = arith.constant 0 : i32
    %c0_i32_1 = arith.constant 0 : i32
    return %c0_i32, %c0_i32_0 : i32, i32
  }
  func.func @transform_3(%arg0: i32) -> (i32, i32) {
    %c0_i32 = arith.constant 0 : i32
    %c0_i32_0 = arith.constant 0 : i32
    return %arg0, %c0_i32 : i32, i32
  }
  func.func @transform_4(%arg0: i32) -> (i32, i32) {
    %c0_i32 = arith.constant 0 : i32
    %c0_i32_0 = arith.constant 0 : i32
    return %arg0, %c0_i32 : i32, i32
  }
}

module attributes {stable_mosaic.version = 14 : i64} {
  func.func @_tc2_body(%arg0: i32, %arg1: memref<1280x128xf32, #tpu.memory_space<vmem>>, %arg2: memref<1280x1xf32, #tpu.memory_space<vmem>>, %arg3: memref<128xf32, #tpu.memory_space<vmem>>, %arg4: memref<128x128xf32, #tpu.memory_space<vmem>>, %arg5: memref<1280x128xf32, #tpu.memory_space<vmem>>) attributes {dimension_semantics = [#tpu.dimension_semantics<arbitrary>], iteration_bounds = array<i64: 8>, scalar_prefetch = 0 : i64, scratch_operands = 0 : i64, tpu.core_type = #tpu.core_type<tc>, window_params = [{transform_indices = @transform_0, window_bounds = array<i64: 1280, 128>}, {transform_indices = @transform_1, window_bounds = array<i64: 1280, 1>}, {pipeline_mode = #tpu.pipeline_mode<synchronous>, transform_indices = @transform_2, window_bounds = array<i64: 128>}, {pipeline_mode = #tpu.pipeline_mode<synchronous>, transform_indices = @transform_3, window_bounds = array<i64: 128, 128>}, {transform_indices = @transform_4, window_bounds = array<i64: 1280, 128>}]} {
    %get3A = arith.constant 0 : index
    %get3A_0 = arith.constant 0 : index
    %get3A_1 = vector.load %arg2[%get3A, %get3A_0] : memref<1280x1xf32, #tpu.memory_space<vmem>>, vector<1280x1xf32>
    %get3A_2 = arith.constant 0 : index
    %get3A_3 = arith.constant 0 : index
    %get3A_4 = vector.load %arg1[%get3A_2, %get3A_3] : memref<1280x128xf32, #tpu.memory_space<vmem>>, vector<1280x128xf32>
    %mul3A = vector.broadcast %get3A_1 : vector<1280x1xf32> to vector<1280x128xf32>
    %mul3A_5 = arith.mulf %get3A_4, %mul3A : vector<1280x128xf32>
    %get3A_6 = arith.constant 0 : index
    %get3A_7 = vector.load %arg3[%get3A_6] : memref<128xf32, #tpu.memory_space<vmem>>, vector<128xf32>
    %broadcast_in_dim3A = vector.shape_cast %get3A_7 : vector<128xf32> to vector<1x128xf32>
    %add3A = vector.broadcast %broadcast_in_dim3A : vector<1x128xf32> to vector<1280x128xf32>
    %add3A_8 = arith.addf %mul3A_5, %add3A : vector<1280x128xf32>
    %max3A = arith.constant 0.000000e+00 : f32
    %max3A_9 = vector.broadcast %max3A : f32 to vector<1280x128xf32>
    %max3A_10 = arith.maximumf %add3A_8, %max3A_9 : vector<1280x128xf32>
    %get3A_11 = arith.constant 0 : index
    %get3A_12 = arith.constant 0 : index
    %get3A_13 = vector.load %arg4[%get3A_11, %get3A_12] : memref<128x128xf32, #tpu.memory_space<vmem>>, vector<128x128xf32>
    %dot_general3A = arith.constant dense<0.000000e+00> : vector<1280x128xf32>
    %dot_general3A_14 = tpu.matmul %max3A_10, %get3A_13, %dot_general3A {dimension_numbers = #tpu.dot_dimension_numbers<[1], [0], [0], [1], [0, 0, 1, 1], [], []>, transpose_lhs_hint = false} : vector<1280x128xf32>, vector<128x128xf32>, vector<1280x128xf32> -> vector<1280x128xf32>
    %mul3A_15 = vector.broadcast %get3A_1 : vector<1280x1xf32> to vector<1280x128xf32>
    %mul3A_16 = arith.mulf %dot_general3A_14, %mul3A_15 : vector<1280x128xf32>
    %swap3A = arith.constant 0 : index
    %swap3A_17 = arith.constant 0 : index
    %swap3A_18 = vector.load %arg5[%swap3A, %swap3A_17] : memref<1280x128xf32, #tpu.memory_space<vmem>>, vector<1280x128xf32>
    tpu.vector_store %arg5[%swap3A, %swap3A_17], %mul3A_16 {strides = array<i32>} : memref<1280x128xf32, #tpu.memory_space<vmem>>, vector<1280x128xf32>,
    return
  }
  func.func @transform_0(%arg0: i32) -> (i32, i32) {
    %c0_i32 = arith.constant 0 : i32
    %c0_i32_0 = arith.constant 0 : i32
    return %arg0, %c0_i32 : i32, i32
  }
  func.func @transform_1(%arg0: i32) -> (i32, i32) {
    %c0_i32 = arith.constant 0 : i32
    %c0_i32_0 = arith.constant 0 : i32
    return %arg0, %c0_i32 : i32, i32
  }
  func.func @transform_2(%arg0: i32) -> i32 {
    %c0_i32 = arith.constant 0 : i32
    %c0_i32_0 = arith.constant 0 : i32
    return %c0_i32 : i32
  }
  func.func @transform_3(%arg0: i32) -> (i32, i32) {
    %c0_i32 = arith.constant 0 : i32
    %c0_i32_0 = arith.constant 0 : i32
    %c0_i32_1 = arith.constant 0 : i32
    return %c0_i32, %c0_i32_0 : i32, i32
  }
  func.func @transform_4(%arg0: i32) -> (i32, i32) {
    %c0_i32 = arith.constant 0 : i32
    %c0_i32_0 = arith.constant 0 : i32
    return %arg0, %c0_i32 : i32, i32
  }
}

module attributes {stable_mosaic.version = 14 : i64} {
  func.func @_tc3_body(%arg0: i32, %arg1: memref<1280x128xf32, #tpu.memory_space<vmem>>, %arg2: memref<1280x1xf32, #tpu.memory_space<vmem>>, %arg3: memref<128xf32, #tpu.memory_space<vmem>>, %arg4: memref<1280x128xf32, #tpu.memory_space<vmem>>) attributes {dimension_semantics = [#tpu.dimension_semantics<arbitrary>], iteration_bounds = array<i64: 8>, scalar_prefetch = 0 : i64, scratch_operands = 0 : i64, tpu.core_type = #tpu.core_type<tc>, window_params = [{transform_indices = @transform_0, window_bounds = array<i64: 1280, 128>}, {transform_indices = @transform_1, window_bounds = array<i64: 1280, 1>}, {pipeline_mode = #tpu.pipeline_mode<synchronous>, transform_indices = @transform_2, window_bounds = array<i64: 128>}, {transform_indices = @transform_3, window_bounds = array<i64: 1280, 128>}]} {
    %get3A = arith.constant 0 : index
    %get3A_0 = arith.constant 0 : index
    %get3A_1 = vector.load %arg1[%get3A, %get3A_0] : memref<1280x128xf32, #tpu.memory_space<vmem>>, vector<1280x128xf32>
    %get3A_2 = arith.constant 0 : index
    %get3A_3 = arith.constant 0 : index
    %get3A_4 = vector.load %arg2[%get3A_2, %get3A_3] : memref<1280x1xf32, #tpu.memory_space<vmem>>, vector<1280x1xf32>
    %mul3A = vector.broadcast %get3A_4 : vector<1280x1xf32> to vector<1280x128xf32>
    %mul3A_5 = arith.mulf %get3A_1, %mul3A : vector<1280x128xf32>
    %get3A_6 = arith.constant 0 : index
    %get3A_7 = vector.load %arg3[%get3A_6] : memref<128xf32, #tpu.memory_space<vmem>>, vector<128xf32>
    %broadcast_in_dim3A = vector.shape_cast %get3A_7 : vector<128xf32> to vector<1x128xf32>
    %add3A = vector.broadcast %broadcast_in_dim3A : vector<1x128xf32> to vector<1280x128xf32>
    %add3A_8 = arith.addf %mul3A_5, %add3A : vector<1280x128xf32>
    %max3A = arith.constant 0.000000e+00 : f32
    %max3A_9 = vector.broadcast %max3A : f32 to vector<1280x128xf32>
    %max3A_10 = arith.maximumf %add3A_8, %max3A_9 : vector<1280x128xf32>
    %swap3A = arith.constant 0 : index
    %swap3A_11 = arith.constant 0 : index
    %swap3A_12 = vector.load %arg4[%swap3A, %swap3A_11] : memref<1280x128xf32, #tpu.memory_space<vmem>>, vector<1280x128xf32>
    tpu.vector_store %arg4[%swap3A, %swap3A_11], %max3A_10 {strides = array<i32>} : memref<1280x128xf32, #tpu.memory_space<vmem>>, vector<1280x128xf32>,
    return
  }
  func.func @transform_0(%arg0: i32) -> (i32, i32) {
    %c0_i32 = arith.constant 0 : i32
    %c0_i32_0 = arith.constant 0 : i32
    return %arg0, %c0_i32 : i32, i32
  }
  func.func @transform_1(%arg0: i32) -> (i32, i32) {
    %c0_i32 = arith.constant 0 : i32
    %c0_i32_0 = arith.constant 0 : i32
    return %arg0, %c0_i32 : i32, i32
  }
  func.func @transform_2(%arg0: i32) -> i32 {
    %c0_i32 = arith.constant 0 : i32
    %c0_i32_0 = arith.constant 0 : i32
    return %c0_i32 : i32
  }
  func.func @transform_3(%arg0: i32) -> (i32, i32) {
    %c0_i32 = arith.constant 0 : i32
    %c0_i32_0 = arith.constant 0 : i32
    return %arg0, %c0_i32 : i32, i32
  }
}

</mosaic_0001>

<sc_bundles>
// kernel: kernel.11.cloned.1.call-start
scs
__scs_entry_jumppad:
0x0: {  	(pc) =	sbr.rel $0x88, $3  }
0x1: {  	(tag) =	ssettag $0x0;
	lr =	simm.s32 $0x1  }
0x2: {  	[smem:$0x3F9B] =	sst lr;
	_ =	strace $0xD0000000  }
0x3: {  	_ = 	snop  }
0x4: {  	_ = 	snop  }
0x5: {  	_ = 	snop  }
0x6: {  	_ = 	snop  }
0x7: {  	_ = 	snop  }
__scs_overlays_trampoline_lowered:
0x8: {  	[smem:$0x3FAA] =	sst s0  }
0x9: {  	[smem:$0x3FAB] =	sst s1  }
0xa: {  	[smem:$0x3FAC] =	sst s2  }
0xb: {  	[smem:$0x3FAD] =	sst s3  }
0xc: {  	[smem:$0x3FAE] =	sst s4  }
0xd: {  	[smem:$0x3FAF] =	sst s5  }
0xe: {  	[smem:$0x3FB0] =	sst s6  }
0xf: {  	[smem:$0x3FB1] =	sst s7  }
0x10: {  	[smem:$0x3FB2] =	sst s8  }
0x11: {  	[smem:$0x3FB3] =	sst s9;
	s0 =	simm.s32 @!p0 $0x0  }
0x12: {  	s1 =	sld [smem:$0x3F99];
	s0 =	simm.s32 @p0 $0x1  }
0x13: {  	[smem:$0x3FB4] =	sst s0;
	s0 =	simm.s32 @!p1 $0x0  }
0x14: {  	s2 =	sld [smem:$0x3F98];
	s0 =	simm.s32 @p1 $0x1  }
0x15: {  	[smem:$0x3FB5] =	sst s0;
	s0 =	simm.s32 @!p2 $0x0  }
0x16: {  	s3 =	sld [smem:$0x3FDB];
	s0 =	simm.s32 @p2 $0x1  }
0x17: {  	s4 =	simm.s32 $0x1BF5;
	[smem:$0x3FB7] =	sst s0  }
0x18: {  	s0 =	sld [smem:$0x3F9A];
	_ =	swait.ge [sflag:s4], $0x0  }
0x19: {  	s7 =	sld [smem:$0x3F9B]  }
0x1a: {  	s8 =	sadd.s32 $0xFFFFE003, lr  }
0x1b: {  	s9 =	sadd.s32 $0xFFFFFEF7, lr;
	s5 =	simm.s32 $0xFFFFFFFF;
	p2 =	slt.u32 s8, $0xFFFFF086  }
0x1c: {  	p1 =	slt.u32 s9, $0xF7A;
	s5 =	simm.s32 @!p2 $0x0  }
0x1d: {  	s5 =	simm.s32 @p1 $0x1;
	p0 =	seq.s32 s7, s2  }
0x1e: {  	s7 =	smul.u32 @!p0 $0xF7A, s2;
	p2 =	seq.s32 @!p0 s5, $0x0  }
0x1f: {  	s9 =	smul.u32 $0xF7A, s1;
	s8 =	simm.s32 @!p0 $0x1BF5;
	p2 =	por !p2, p0  }
0x20: {  	[sflag:s8] =	ssyncset.s32 @!p0 $0xFFFFF086;
	s6 =	sadd.s32 @!p0 s3, s7;
	s7 =	simm.s32 @!p0 $0x108  }
0x21: {  	s3 =	sadd.s32 s3, s9;
	s6 =	sadd.s32 @!p0 $0x88, s6;
	s7 =	simm.s32 @p2 $0x1082  }
0x22: {  	[simem:s7], [sflag:s8] =	dma.local @!p0 [hbm:s6], $0xF7A  }
0x23: {  	s9 =	sor.u32 $0xD0000000, s2;
	s6 =	simm.s32 $0x108;
	_ =	swait.ge @!p0 [sflag:s8], $0x0  }
0x24: {  	s3 =	sadd.s32 $0x88, s3;
	s6 =	simm.s32 @!p1 $0x1082;
	[sflag:s4] =	ssyncset.s32 $0xFFFFF086  }
0x25: {  	[simem:s6], [sflag:s4] =	dma.local [hbm:s3], $0xF7A  }
0x26: {  	[smem:$0x3F9B] =	sst s1;
	(tag) =	ssettag s2;
	_ =	strace s9  }
0x27: {  	s1 =	sld [smem:$0x3FAB]  }
0x28: {  	s2 =	sld [smem:$0x3FAC]  }
0x29: {  	s4 =	sld [smem:$0x3FAE]  }
0x2a: {  	p0 =	seq.s32 s5, $0x0;
	s5 =	sld [smem:$0x3FAF]  }
0x2b: {  	s6 =	sld [smem:$0x3FB0]  }
0x2c: {  	s7 =	sld [smem:$0x3FB1]  }
0x2d: {  	s3 =	simm.s32 $0x108;
	s8 =	sld [smem:$0x3FB2]  }
0x2e: {  	s3 =	simm.s32 @!p0 $0x1082;
	s9 =	sld [smem:$0x3FB3]  }
0x2f: {  	lr =	sadd.s32 s0, s3;
	s0 =	sld [smem:$0x3FAA]  }
0x30: {  	s3 =	sld [smem:$0x3FAD]  }
0x31: {  	[smem:$0x3FB6] =	sst s10  }
0x32: {  	s10 =	sld [smem:$0x3FB4];
	_ =	sdelay $0x3  }
0x33: {  	p0 =	seq.s32 s10, $0x1;
	s10 =	sld [smem:$0x3FB6];
	_ =	sdelay $0x3  }
0x34: {  	[smem:$0x3FB6] =	sst s10  }
0x35: {  	s10 =	sld [smem:$0x3FB5];
	_ =	sdelay $0x3  }
0x36: {  	p1 =	seq.s32 s10, $0x1;
	s10 =	sld [smem:$0x3FB6];
	_ =	sdelay $0x3  }
0x37: {  	[smem:$0x3FB6] =	sst s10  }
0x38: {  	s10 =	sld [smem:$0x3FB7]  }
0x39: {  	_ = 	snop;
	(pc) =	sbr.ind lr, $3  }
0x3a: {  	_ = 	snop  }
0x3b: {  	_ = 	snop  }
0x3c: {  	p2 =	seq.s32 s10, $0x1;
	s10 =	sld [smem:$0x3FB6]  }
0x3d: {  	_ =	shalt  }
0x3e: {  	_ =	shalt  }
0x3f: {  	_ =	shalt  }
0x40: {  	_ =	shalt  }
0x41: {  	_ =	shalt  }
0x42: {  	_ =	shalt  }
0x43: {  	_ =	shalt  }
0x44: {  	_ =	shalt  }
0x45: {  	_ =	shalt  }
0x46: {  	_ =	shalt  }
0x47: {  	_ =	shalt  }
0x48: {  	_ =	shalt  }
0x49: {  	_ =	shalt  }
0x4a: {  	_ =	shalt  }
0x4b: {  	_ =	shalt  }
0x4c: {  	_ =	shalt  }
0x4d: {  	_ =	shalt  }
0x4e: {  	_ =	shalt  }
0x4f: {  	_ =	shalt  }
0x50: {  	_ =	shalt  }
0x51: {  	_ =	shalt  }
0x52: {  	_ =	shalt  }
0x53: {  	_ =	shalt  }
0x54: {  	_ =	shalt  }
0x55: {  	_ =	shalt  }
0x56: {  	_ =	shalt  }
0x57: {  	_ =	shalt  }
0x58: {  	_ =	shalt  }
0x59: {  	_ =	shalt  }
0x5a: {  	_ =	shalt  }
0x5b: {  	_ =	shalt  }
0x5c: {  	_ =	shalt  }
0x5d: {  	_ =	shalt  }
0x5e: {  	_ =	shalt  }
0x5f: {  	_ =	shalt  }
0x60: {  	_ =	shalt  }
0x61: {  	_ =	shalt  }
0x62: {  	_ =	shalt  }
0x63: {  	_ =	shalt  }
0x64: {  	_ =	shalt  }
0x65: {  	_ =	shalt  }
0x66: {  	_ =	shalt  }
0x67: {  	_ =	shalt  }
0x68: {  	_ =	shalt  }
0x69: {  	_ =	shalt  }
0x6a: {  	_ =	shalt  }
0x6b: {  	_ =	shalt  }
0x6c: {  	_ =	shalt  }
0x6d: {  	_ =	shalt  }
0x6e: {  	_ =	shalt  }
0x6f: {  	_ =	shalt  }
0x70: {  	_ =	shalt  }
0x71: {  	_ =	shalt  }
0x72: {  	_ =	shalt  }
0x73: {  	_ =	shalt  }
0x74: {  	_ =	shalt  }
0x75: {  	_ =	shalt  }
0x76: {  	_ =	shalt  }
0x77: {  	_ =	shalt  }
0x78: {  	_ =	shalt  }
0x79: {  	_ =	shalt  }
0x7a: {  	_ =	shalt  }
0x7b: {  	_ =	shalt  }
0x7c: {  	_ =	shalt  }
0x7d: {  	_ =	shalt  }
0x7e: {  	_ =	shalt  }
0x7f: {  	_ =	shalt  }
0x80: {  	_ =	shalt  }
0x81: {  	_ =	shalt  }
0x82: {  	_ =	shalt  }
0x83: {  	_ =	shalt  }
0x84: {  	_ =	shalt  }
0x85: {  	_ =	shalt  }
0x86: {  	_ =	shalt  }
0x87: {  	_ =	shalt  }
.Lfunc_end0:
.L_simem_size_0:
called_computation.1_lowered:
.L_overlay_start_0:
0x88: {  	s2 =	sld [smem:$0x3FD9]  }
0x89: {  	s3 =	sld [smem:$0x3FFE];
	_ =	sdelay $0x1  }
0x8a: {  	s1 =	srdreg.scid  }
0x8b: {  	s0 =	sand.u32 $0x1, s1  }
0x8c: {  	s17 =	sshll.u32 s0, $0xA;
	s2 =	sadd.s32 s3, s2  }
0x8d: {  	s2 =	sadd.s32 s2, s17  }
0x8e: {  	[smem:$0x3FC2] =	sst s2  }
0x8f: {  	_ = 	snop  }
0x90: {  	s2 =	sld [smem:$0x3FD0];
	(tm) =	ssettm $0x1  }
0x91: {  	s18 =	sld [smem:$0x3FFB];
	_ =	sdelay $0x3  }
0x92: {  	_ =	strace s18  }
0x93: {  	s3 =	sld [smem:$0x3FFC];
	_ =	sdelay $0x3  }
0x94: {  	_ =	strace s3  }
0x95: {  	s3 =	sld [smem:$0x3FFD];
	_ =	sdelay $0x3  }
0x96: {  	_ =	strace s3  }
0x97: {  	_ =	strace $0x8FFFFFFF  }
0x98: {  	s19 =	sld [smem:$0x3FDB];
	_ =	sdelay $0x1  }
0x99: {  	s4 =	simm.s32 $_scs_section_size  }
0x9a: {  	s5 =	simm.s32 $_size__tile_overlayer_lowered;
	s6 =	simm.s32 $_tile_overlayer_lowered  }
0x9b: {  	s22 =	simm.s32 $0x1BFF;
	s21 =	sshll.u32 s6, $0x1;
	s3 =	sadd.s32 s4, s19  }
0x9c: {  	s7 =	simm.s32 $0x0;
	s20 =	sshll.u32 s5, $0x1;
	s5 =	sadd.s32 s21, s3  }
0x9d: {  	[timem:s7], [sflag:s22] =	dma.local [hbm:s5], s20  }
0x9e: {  	_ =	swait.ge [sflag:s22], s20  }
0x9f: {  	s4 =	ssub.s32 $0x0, s20;
	[sflag:s22] =	ssyncset.done $0x0  }
0xa0: {  	[sflag:s22] =	ssyncadd.s32 s4;
	_ =	sdelay $0x1  }
0xa1: {  	s23 =	simm.s32 $0x1B8B  }
0xa2: {  	_ =	swait.ge [sflag:s23], $0x1  }
0xa3: {  	[sflag:s23] =	ssyncset.done $0x0  }
0xa4: {  	s25 =	simm.s32 $0x1B8E;
	s24 =	sld [smem:$0x3FFE];
	[sflag:s23] =	ssyncadd.s32 $0xFFFFFFFF  }
0xa5: {  	s26 =	simm.s32 $execute0_lowered;
	[smem:$0x3FD2] =	sst s25  }
0xa6: {  	s5 =	sshll.u32 s26, $0x1;
	_ =	strace $0x80000049;
	[dreg:$0x1] =	wrdreg $0xFFFFFFFF  }
0xa7: {  	s28 =	simm.s32 $_size_execute0_lowered;
	s3 =	sadd.s32 s3, s5;
	[dreg:$0x0] =	wrdreg $0x0  }
0xa8: {  	s5 =	sshll.u32 s28, $0x1;
	[dreg:$0x2] =	wrdreg s3  }
0xa9: {  	[dreg:$0x3] =	wrdreg s5  }
0xaa: {  	[dreg:$0x4] =	wrdreg $0xC0  }
0xab: {  	_ =	task [dreg:s7], $0x5FFFF  }
0xac: {  	[dreg:$0x1] =	wrdreg $0xFFFFFFFF  }
0xad: {  	[dreg:$0x0] =	wrdreg $0x60  }
0xae: {  	[dreg:$0x2] =	wrdreg s24  }
0xaf: {  	[dreg:$0x3] =	wrdreg s2  }
0xb0: {  	[dreg:$0x4] =	wrdreg $0xAA000  }
0xb1: {  	[dreg:$0x5] =	wrdreg $0x14A000  }
0xb2: {  	[dreg:$0x6] =	wrdreg $0x9  }
0xb3: {  	_ =	task.clear_ibuf [dreg:s7], $0x7FFFF;
	_ =	strace $0x90000049  }
0xb4: {  	s29 =	simm.s32 $0x9;
	_ =	strace $0x8000004B  }
0xb5: {  	_ =	swait.ge [sflag:s29], $0x1  }
0xb6: {  	[sflag:s29] =	ssyncadd.s32 $0xFFFFFFFF  }
0xb7: {  	_ =	strace $0x9000004B  }
0xb8: {  	_ =	sfence  }
0xb9: {  	s30 =	sld [smem:$0x0];
	_ =	sdelay $0x2  }
0xba: {  	s31 =	sshll.u32 s1, $0xD;
	s1 =	sshrl.u32 s1, $0x2  }
0xbb: {  	s3 =	sand.u32 $0x4000, s31;
	s1 =	sadd.s32 s1, s30  }
0xbc: {  	s0 =	sor.u32 s3, s0;
	s1 =	sshll.u32 s1, $0x11  }
0xbd: {  	s0 =	sor.u32 s1, s0  }
0xbe: {  	s0 =	sadd.s32 $0x8F2B, s0  }
0xbf: {  	[sflag:s0] =	ssyncadd.remote.s32 $0x1  }
0xc0: {  	_ =	sfence.sel $0xFFFF  }
0xc1: {  	[dreg:$0x0] =	wrdreg $0xFFFFFFFF;
	(pc) =	sbr.abs _section_cstart, $3  }
0xc2: {  	[dreg:$0x1] =	wrdreg $0xFFFFFFFF  }
0xc3: {  	_ =	task.clear_ibuf [dreg:s7], $0x2FFFF;
	_ =	strace $0x9FFFFFFF  }
0xc4: {  	(tm) =	ssettm $0x7FFFFFFF  }
0xc5: {  	_ =	shalt  }
tec
execute0_lowered:
.L_overlay_start_1:
0x0: {  	(tag) =	ssettag $0x1  }
0x1: {  	s0 =	rddreg [dreg:$0x0]  }
0x2: {  	s2 =	rddreg [dreg:$0x1]  }
0x3: {  	s1 =	rddreg [dreg:$0x2]  }
0x4: {  	s3 =	rddreg [dreg:$0x3]  }
0x5: {  	s4 =	simm.s32 $0x0;
	s5 =	srdreg.scid;
	s13 =	stileid.u32  }
0x6: {  	s28 =	simm.s32 $0x80;
	s29 =	simm.s32 $0x2;
	s7 =	smul.u32 $0x14000, s13  }
0x7: {  	s31 =	simm.s32 $0x12;
	s30 =	simm.s32 $0x0;
	s9 =	smul.u32 $0x4E20, s13  }
0x8: {  	[smem:$0x7FF] =	sst s4;
	s6 =	sand.u32 $0x1, s5;
	s11 =	smul.u32 $0xA000, s13  }
0x9: {  	s5 =	sadd.s32 $0x2AA00, s0;
	s18 =	sshll.u32 s13, $0x6;
	s23 =	smul.u32 $0x9C4, s13  }
0xa: {  	_ =	strace $0x8000004A;
	s8 =	sshll.u32 s6, $0x6;
	s17 =	ssub.s32 $0x2, s6  }
0xb: {  	s6 =	sadd.s32 $0x2A800, s0;
	s7 =	sor.u32 s8, s7;
	s10 =	sshrl.u32 s17, $0x1  }
0xc: {  	s12 =	sadd.s32 s11, s1;
	s9 =	sshrl.u32 s9, $0x3;
	s8 =	sor.u32 $0x1C15, s18  }
0xd: {  	s11 =	sadd.s32 s11, s3;
	s26 =	sadd.s32 s23, s2;
	s23 =	simm.s32 $0x8  }
0xe: {  	s7 =	sshrl.u32 s7, $0x3;
	s10 =	ssub.s32 s17, s10;
	s9 =	sadd.s32 s2, s9  }
0xf: {  	[dreg:$0x5] =	wrdreg s11;
	s11 =	sadd.s32 $0x9C80, s26;
	s19 =	sadd.s32 $0x9C40, s9  }
0x10: {  	s2 =	simm.s32 $0x14;
	s20 =	sadd.s32 $0x10, s9;
	[dreg:$0x6] =	wrdreg s19  }
0x11: {  	s26 =	simm.s32 $0x11;
	s21 =	sadd.s32 $0x9C50, s9;
	[dreg:$0x7] =	wrdreg s20  }
0x12: {  	s0 =	sadd.s32 s7, s0;
	s22 =	sadd.s32 $0x20, s9;
	[dreg:$0x8] =	wrdreg s21  }
.Ltmp0:
0x13: {  	s24 =	sadd.s32 $0x9C60, s9;
	[dreg:$0x9] =	wrdreg s22;
	(pc) =	sbr.rel .LBB2_1-.Ltmp0, $4  }
0x14: {  	s25 =	sadd.s32 $0x30, s9;
	s17 =	sadd.s32 $0x9C70, s9;
	[dreg:$0xa] =	wrdreg s24  }
0x15: {  	s7 =	sadd.s32 $0x2800, s0;
	[dreg:$0xb] =	wrdreg s25;
	s18 =	sadd.s32 $0x2AC00, s0  }
0x16: {  	s19 =	smax.u32 s10, $0x1;
	s21 =	sshrl.u32 s12, $0x3;
	s22 =	simm.s32 $0x1  }
0x17: {  	s24 =	simm.s32 $0x10;
	s25 =	simm.s32 $0x15;
	s0 =	simm.s32 $0x13  }
.LBB2_13:
0x18: {  	_ =	swait.ge [sflag:s31], $0x2000  }
0x19: {  	[sflag:s31] =	ssyncset.done $0x0  }
0x1a: {  	[sflag:s31] =	ssyncadd.s32 $0xFFFFE000  }
0x1b: {  	_ =	swait.ge [sflag:s0], $0x2000  }
0x1c: {  	[sflag:s0] =	ssyncset.done $0x0  }
0x1d: {  	[sflag:s0] =	ssyncadd.s32 $0xFFFFE000  }
0x1e: {  	_ =	swait.ge [sflag:s2], $0x2000  }
0x1f: {  	[sflag:s2] =	ssyncset.done $0x0  }
0x20: {  	[sflag:s2] =	ssyncadd.s32 $0xFFFFE000  }
0x21: {  	_ =	swait.ge [sflag:s24], $0x2000  }
0x22: {  	[sflag:s24] =	ssyncset.done $0x0  }
0x23: {  	[sflag:s24] =	ssyncadd.s32 $0xFFFFE000  }
0x24: {  	_ =	swait.ge [sflag:s26], $0x2000  }
0x25: {  	s30 =	sadd.s32 $0x1, s30;
	[sflag:s26] =	ssyncset.done $0x0  }
0x26: {  	p0 =	sne.s32 s30, s19;
	[sflag:s26] =	ssyncadd.s32 $0xFFFFE000  }
.Ltmp1:
0x27: {  	[bflag:$0x0] =	sbarrier.arrive $0xFFFF;
	(pc) =	sbr.rel @!p0 .LBB2_14-.Ltmp1, $4  }
0x28: {  	[hbm:s18@s24], [sflag:s8] =	dma.strided [spmem:s10@s23], $0x1400, s22, $0x8   }
0x29: {  	_ =	swait.ge [sflag:s25], $0x1400  }
0x2a: {  	[sflag:s25] =	ssyncset.done $0x0  }
0x2b: {  	[sflag:s25] =	ssyncadd.s32 $0xFFFFEC00  }
.LBB2_1:
0x2c: {  	[spmem:s21@s23], [sflag:s8] =	dma.strided [hbm:s7@s24], $0x1400, s22, $0x8   }
0x2d: {  	_ =	swait.ge [sflag:s25], $0x1400  }
0x2e: {  	[sflag:s25] =	ssyncset.done $0x0;
	s10 =	rddreg [dreg:$0x5]  }
0x2f: {  	[sflag:s25] =	ssyncadd.s32 $0xFFFFEC00;
	s10 =	sshrl.u32 s10, $0x3  }
0x30: {  	[spmem:s10@s23], [sflag:s8] =	dma.strided [hbm:s7@s24], $0x1400, s22, $0x8   }
0x31: {  	_ =	swait.ge [sflag:s25], $0x1400  }
0x32: {  	[sflag:s25] =	ssyncset.done $0x0  }
0x33: {  	[sflag:s25] =	ssyncadd.s32 $0xFFFFEC00  }
0x34: {  	[bflag:$0x0] =	sbarrier.arrive $0xFFFF  }
0x35: {  	[tilespmem:s4], [sflag:$0x1] =	stream.linear.gather [hbm4b:s9+s4], $0x80, $0x38;
	[tilespmem:$0x1EA00] =	vst v63  }
0x36: {  	s13 =	simm.s32 $0x500;
	s12 =	rddreg [dreg:$0x6]  }
0x37: {  	[tilespmem:s13], [sflag:$0x1] =	stream.linear.gather [hbm4b:s12+s4], $0x80, $0x38;
	[tilespmem:$0x1EA00] =	vst v63  }
0x38: {  	s15 =	rddreg [dreg:$0x7]  }
0x39: {  	[tilespmem:s28], [sflag:$0x2] =	stream.linear.gather [hbm4b:s15+s4], $0x80, $0x38;
	[tilespmem:$0x1EA00] =	vst v63  }
0x3a: {  	s20 =	simm.s32 $0x580;
	s16 =	rddreg [dreg:$0x8]  }
0x3b: {  	[tilespmem:s20], [sflag:$0x2] =	stream.linear.gather [hbm4b:s16+s4], $0x80, $0x38;
	[tilespmem:$0x1EA00] =	vst v63  }
0x3c: {  	s14 =	rddreg [dreg:$0x9];
	s15 =	simm.s32 $0x100  }
0x3d: {  	[tilespmem:s15], [sflag:$0x3] =	stream.linear.gather [hbm4b:s14+s4], $0x80, $0x38;
	[tilespmem:$0x1EA00] =	vst v63  }
0x3e: {  	s16 =	rddreg [dreg:$0xa];
	s20 =	simm.s32 $0x600  }
0x3f: {  	[tilespmem:s20], [sflag:$0x3] =	stream.linear.gather [hbm4b:s16+s4], $0x80, $0x38;
	[tilespmem:$0x1EA00] =	vst v63  }
0x40: {  	s13 =	rddreg [dreg:$0xb];
	s14 =	simm.s32 $0x180  }
0x41: {  	[tilespmem:s14], [sflag:$0x4] =	stream.linear.gather [hbm4b:s13+s4], $0x80, $0x38;
	[tilespmem:$0x1EA00] =	vst v63  }
0x42: {  	s15 =	simm.s32 $0x680  }
0x43: {  	[tilespmem:s15], [sflag:$0x4] =	stream.linear.gather [hbm4b:s17+s4], $0x80, $0x38;
	[tilespmem:$0x1EA00] =	vst v63  }
0x44: {  	_ =	swait.ge [sflag:s22], $0x80  }
0x45: {  	[sflag:s22] =	ssyncset.done $0x0  }
0x46: {  	[sflag:s22] =	ssyncadd.s32 $0xFFFFFF80  }
0x47: {  	_ =	swait.ge [sflag:s22], $0x80  }
0x48: {  	[sflag:s22] =	ssyncset.done $0x0  }
0x49: {  	s16 =	simm.s32 $0xA00;
	[sflag:s22] =	ssyncadd.s32 $0xFFFFFF80  }
0x4a: {  	[tilespmem:s16], [sflag:$0xB] =	stream.indirect.gather [spmem:s1], $0x40, s4, s28, $0xb8;
	[tilespmem:$0x1EA00] =	vst v63  }
0x4b: {  	_ =	swait.ge [sflag:s29], $0x80  }
0x4c: {  	[sflag:s29] =	ssyncset.done $0x0  }
0x4d: {  	[sflag:s29] =	ssyncadd.s32 $0xFFFFFF80  }
.Ltmp2:
0x4e: {  	_ =	swait.ge [sflag:s29], $0x80;
	(pc) =	sbr.rel .LBB2_2-.Ltmp2, $4  }
0x4f: {  	[sflag:s29] =	ssyncset.done $0x0  }
0x50: {  	s20 =	simm.s32 $0x2A00;
	[sflag:s29] =	ssyncadd.s32 $0xFFFFFF80  }
0x51: {  	[tilespmem:s20], [sflag:$0xC] =	stream.indirect.gather [spmem:s1], $0x40, s28, s28, $0xb8;
	[tilespmem:$0x1EA00] =	vst v63  }
0x52: {  	s12 =	simm.s32 $0x0;
	s20 =	smov.u32 s11  }
.LBB2_6:
0x53: {  	s14 =	sadd.s32 $0x2, s12  }
0x54: {  	s13 =	smov.u32 s14  }
.LBB2_7:
0x55: {  	s15 =	sand.u32 $0xFF, s13  }
0x56: {  	s16 =	sadd.s32 $0x1, s14;
	s15 =	smul.u32 $0xCD, s15  }
0x57: {  	_ =	swait.ge [sflag:s16], $0x80  }
0x58: {  	[sflag:s16] =	ssyncset.done $0x0;
	s15 =	sshrl.u32 s15, $0xA  }
0x59: {  	[sflag:s16] =	ssyncadd.s32 $0xFFFFFF80;
	s15 =	smul.u32 $0x5, s15  }
0x5a: {  	_ =	swait.ge [sflag:s16], $0x80  }
0x5b: {  	[sflag:s16] =	ssyncset.done $0x0;
	s15 =	ssub.s32 s13, s15  }
0x5c: {  	[sflag:s16] =	ssyncadd.s32 $0xFFFFFF80;
	s13 =	sand.u32 $0xFF, s15  }
.LBB2_11:
0x5d: {  	s15 =	sshll.u32 s13, $0xD;
	s14 =	sshll.u32 s14, $0x7  }
0x5e: {  	s16 =	sadd.s32 $0xB, s13;
	s15 =	sor.u32 $0xA00, s15;
	s14 =	sand.u32 $0x3FFFFF80, s14  }
0x5f: {  	[tilespmem:s15], [sflag:s16] =	stream.indirect.gather [spmem:s1], $0x40, s14, s28, $0xb8;
	[tilespmem:$0x1EA00] =	vst v63  }
.LBB2_12:
0x60: {  	s12 =	sadd.s32 $0x1, s12  }
0x61: {  	p0 =	sne.s32 s12, $0x9D  }
.Ltmp3:
0x62: {  	_ = 	snop;
	(pc) =	sbr.rel @!p0 .LBB2_13-.Ltmp3, $2  }
0x63: {  	_ =	sdelay $0x2  }
0x64: {  	s20 =	sadd.s32 $0x10, s20  }
.LBB2_2:
0x65: {  	s13 =	smul.u32 $0xCD, s12;
	_ =	sdelay $0x1  }
0x66: {  	s14 =	sshrl.u32 s13, $0xA  }
0x67: {  	s14 =	sand.u32 $0x3F, s14  }
0x68: {  	s13 =	sshrl.u32 s13, $0xB;
	s14 =	smul.u32 $0x5, s14  }
0x69: {  	s13 =	sand.u32 $0x1F, s13  }
0x6a: {  	s13 =	smul.u32 $0xA, s13;
	s14 =	ssub.s32 s12, s14  }
0x6b: {  	p0 =	sgt.u32 s12, $0x98;
	s14 =	sand.u32 $0xFF, s14  }
.Ltmp4:
0x6c: {  	s13 =	ssub.s32 s12, s13;
	s15 =	sadd.s32 $0xB, s14;
	(pc) =	sbr.rel @p0 .LBB2_8-.Ltmp4, $4  }
0x6d: {  	s13 =	sand.u32 $0xFF, s13;
	s16 =	sshll.u32 s14, $0xD;
	_ =	swait.ge [sflag:s15], $0x2000  }
0x6e: {  	s13 =	sshll.u32 s13, $0x7;
	s14 =	sor.u32 $0x10, s14;
	[sflag:s15] =	ssyncset.done $0x0  }
0x6f: {  	s16 =	sor.u32 $0xA00, s16;
	s13 =	sadd.s32 $0x500, s13;
	[sflag:s15] =	ssyncadd.s32 $0xFFFFE000  }
0x70: {  	[spmem:s3] =	stream.indirect.scatter.add.f32 [tilespmem:s16], [sflag:s14], $0x40, s13, s28, $0xb8;
	[tilespmem:$0x1EA00] =	vst v63  }
0x71: {  	s13 =	sadd.s32 $0x4, s12  }
0x72: {  	s14 =	smul.u32 $0xCD, s13;
	_ =	sdelay $0x1  }
0x73: {  	s14 =	sshrl.u32 s14, $0xB  }
0x74: {  	s14 =	sand.u32 $0x1F, s14  }
0x75: {  	p0 =	sne.s32 s12, $0x98;
	s14 =	smul.u32 $0xA, s14  }
.Ltmp5:
0x76: {  	_ = 	snop;
	(pc) =	sbr.rel @p0 .LBB2_5-.Ltmp5, $4  }
0x77: {  	_ = 	snop  }
0x78: {  	s13 =	ssub.s32 s13, s14  }
0x79: {  	s14 =	sand.u32 $0xFF, s13  }
0x7a: {  	s13 =	sshll.u32 s14, $0x7  }
0x7b: {  	[tilespmem:s13], [sflag:$0x15] =	stream.linear.gather [hbm4b:s5+s4], $0x80, $0x38;
	[tilespmem:$0x1EA00] =	vst v63  }
0x7c: {  	_ =	swait.ge [sflag:s25], $0x80  }
0x7d: {  	[sflag:s25] =	ssyncset.done $0x0  }
0x7e: {  	s15 =	sadd.s32 $0x500, s13;
	[sflag:s25] =	ssyncadd.s32 $0xFFFFFF80  }
0x7f: {  	[tilespmem:s15], [sflag:$0x15] =	stream.linear.gather [hbm4b:s6+s4], $0x80, $0x38;
	[tilespmem:$0x1EA00] =	vst v63  }
0x80: {  	_ =	swait.ge [sflag:s25], $0x80  }
.Ltmp6:
0x81: {  	[sflag:s25] =	ssyncset.done $0x0;
	(pc) =	sbr.rel .LBB2_9-.Ltmp6, $4  }
0x82: {  	s14 =	sadd.s32 $0x1, s14;
	s16 =	sadd.s32 $0xFFFF63C0, s20;
	[sflag:s25] =	ssyncadd.s32 $0xFFFFFF80  }
0x83: {  	[tilespmem:s13], [sflag:s14] =	stream.linear.gather [hbm4b:s16+s4], $0x20, $0x38;
	[tilespmem:$0x1EA00] =	vst v63  }
0x84: {  	_ = 	snop  }
0x85: {  	[tilespmem:s15], [sflag:s14] =	stream.linear.gather [hbm4b:s20+s4], $0x20, $0x38;
	[tilespmem:$0x1EA00] =	vst v63  }
.LBB2_8:
0x86: {  	p0 =	slt.u32 s12, $0x9B  }
.Ltmp7:
0x87: {  	_ = 	snop;
	(pc) =	sbr.rel @!p0 .LBB2_12-.Ltmp7, $4  }
.Ltmp8:
0x88: {  	_ = 	snop;
	(pc) =	sbr.rel @p0 .LBB2_9-.Ltmp8, $4  }
0x89: {  	_ = 	snop  }
0x8a: {  	_ = 	snop  }
0x8b: {  	_ = 	snop  }
0x8c: {  	_ = 	snop  }
.LBB2_5:
0x8d: {  	p0 =	sgt.u32 s12, $0x2  }
.Ltmp9:
0x8e: {  	_ = 	snop;
	(pc) =	sbr.rel @!p0 .LBB2_6-.Ltmp9, $4  }
0x8f: {  	s14 =	sadd.s32 $0x1, s14;
	s15 =	sadd.s32 $0xFFFF63C0, s20  }
0x90: {  	[tilespmem:s13], [sflag:s14] =	stream.linear.gather [hbm4b:s15+s4], $0x80, $0x38;
	[tilespmem:$0x1EA00] =	vst v63  }
0x91: {  	s16 =	sadd.s32 $0x500, s13  }
0x92: {  	[tilespmem:s16], [sflag:s14] =	stream.linear.gather [hbm4b:s20+s4], $0x80, $0x38;
	[tilespmem:$0x1EA00] =	vst v63  }
.LBB2_9:
0x93: {  	s13 =	sadd.s32 $0x2, s12  }
0x94: {  	s14 =	smul.u32 $0xCD, s13;
	_ =	sdelay $0x1  }
0x95: {  	s15 =	sshrl.u32 s14, $0xA  }
0x96: {  	s15 =	sand.u32 $0x3F, s15  }
0x97: {  	s15 =	smul.u32 $0x5, s15;
	_ =	sdelay $0x1  }
0x98: {  	p0 =	sne.s32 s12, $0x9A;
	s14 =	sshrl.u32 s14, $0xB;
	s15 =	ssub.s32 s13, s15  }
.Ltmp10:
0x99: {  	s14 =	sand.u32 $0x1F, s14;
	s15 =	sor.u32 $0x10, s15;
	(pc) =	sbr.rel @p0 .LBB2_7-.Ltmp10, $4  }
0x9a: {  	s14 =	smul.u32 $0xA, s14;
	s15 =	sand.u32 $0xFF, s15  }
0x9b: {  	_ =	swait.ge [sflag:s15], $0x2000  }
0x9c: {  	s14 =	ssub.s32 s13, s14;
	[sflag:s15] =	ssyncset.done $0x0  }
0x9d: {  	s14 =	sand.u32 $0xFF, s14;
	[sflag:s15] =	ssyncadd.s32 $0xFFFFE000  }
0x9e: {  	s13 =	sadd.s32 $0x1, s14  }
0x9f: {  	_ =	swait.ge [sflag:s13], $0x20  }
.Ltmp11:
0xa0: {  	[sflag:s13] =	ssyncset.done $0x0;
	(pc) =	sbr.rel .LBB2_11-.Ltmp11, $4  }
0xa1: {  	[sflag:s13] =	ssyncadd.s32 $0xFFFFFFE0  }
0xa2: {  	_ =	swait.ge [sflag:s13], $0x20  }
0xa3: {  	[sflag:s13] =	ssyncset.done $0x0  }
0xa4: {  	[sflag:s13] =	ssyncadd.s32 $0xFFFFFFE0;
	s13 =	simm.s32 $0x1  }
.LBB2_14:
0xa5: {  	_ =	sfence.sel $0x180000  }
0xa6: {  	[bflag:$0x0] =	sbarrier.arrive $0xFFFF  }
0xa7: {  	_ =	strace $0x9000004A  }
0xa8: {  	s0 =	stileid.u32;
	[bflag:$0x2] =	sbarrier.arrive $0xFFFF  }
0xa9: {  	p0 =	sne.s32 s0, $0x0;
	s0 =	rddreg [dreg:$0x4]  }
0xaa: {  	s0 =	sadd.s32 @!p0 $0x100000, s0  }
0xab: {  	[sflag:s0] =	ssyncadd.tile.s32 @!p0 $0x1;
	_ =	shalt  }
.Lfunc_end2:
_tile_overlayer_lowered:
.L_overlay_start_2:
0xac: {  	(tag) =	ssettag $0x2  }
0xad: {  	s0 =	rddreg [dreg:$0x0];
	s2 =	stileid.u32  }
0xae: {  	s1 =	rddreg [dreg:$0x1];
	p0 =	sne.s32 s2, $0x0  }
0xaf: {  	s3 =	rddreg [dreg:$0x2];
	[bflag:$0x3] =	sbarrier.arrive $0xFFFF;
	s2 =	simm.s32 @!p0 $0x1C15  }
0xb0: {  	[timem:s3], [sflag:s2] =	dma.local @!p0 [hbm:s0], s1  }
0xb1: {  	s0 =	simm.s32 @!p0 $0x15  }
0xb2: {  	_ =	swait.ge @!p0 [sflag:s0], s1  }
0xb3: {  	s1 =	ssub.s32 @!p0 $0x0, s1;
	[sflag:s0] =	ssyncset.done @!p0 $0x0  }
0xb4: {  	[sflag:s0] =	ssyncadd.s32 @!p0 s1  }
0xb5: {  	[bflag:$0x3] =	sbarrier.arrive $0xFFFF  }
0xb6: {  	_ =	shalt  }

// kernel: kernel.14.cloned.1.call-start
scs
__scs_entry_jumppad:
0x0: {  	(pc) =	sbr.rel $0x88, $3  }
0x1: {  	(tag) =	ssettag $0x0;
	lr =	simm.s32 $0x1  }
0x2: {  	[smem:$0x3F9B] =	sst lr;
	_ =	strace $0xD0000000  }
0x3: {  	_ = 	snop  }
0x4: {  	_ = 	snop  }
0x5: {  	_ = 	snop  }
0x6: {  	_ = 	snop  }
0x7: {  	_ = 	snop  }
__scs_overlays_trampoline_lowered:
0x8: {  	[smem:$0x3FAA] =	sst s0  }
0x9: {  	[smem:$0x3FAB] =	sst s1  }
0xa: {  	[smem:$0x3FAC] =	sst s2  }
0xb: {  	[smem:$0x3FAD] =	sst s3  }
0xc: {  	[smem:$0x3FAE] =	sst s4  }
0xd: {  	[smem:$0x3FAF] =	sst s5  }
0xe: {  	[smem:$0x3FB0] =	sst s6  }
0xf: {  	[smem:$0x3FB1] =	sst s7  }
0x10: {  	[smem:$0x3FB2] =	sst s8  }
0x11: {  	[smem:$0x3FB3] =	sst s9;
	s0 =	simm.s32 @!p0 $0x0  }
0x12: {  	s1 =	sld [smem:$0x3F99];
	s0 =	simm.s32 @p0 $0x1  }
0x13: {  	[smem:$0x3FB4] =	sst s0;
	s0 =	simm.s32 @!p1 $0x0  }
0x14: {  	s2 =	sld [smem:$0x3F98];
	s0 =	simm.s32 @p1 $0x1  }
0x15: {  	[smem:$0x3FB5] =	sst s0;
	s0 =	simm.s32 @!p2 $0x0  }
0x16: {  	s3 =	sld [smem:$0x3FDB];
	s0 =	simm.s32 @p2 $0x1  }
0x17: {  	s4 =	simm.s32 $0x1BF5;
	[smem:$0x3FB7] =	sst s0  }
0x18: {  	s0 =	sld [smem:$0x3F9A];
	_ =	swait.ge [sflag:s4], $0x0  }
0x19: {  	s7 =	sld [smem:$0x3F9B]  }
0x1a: {  	s8 =	sadd.s32 $0xFFFFE003, lr  }
0x1b: {  	s9 =	sadd.s32 $0xFFFFFEF7, lr;
	s5 =	simm.s32 $0xFFFFFFFF;
	p2 =	slt.u32 s8, $0xFFFFF086  }
0x1c: {  	p1 =	slt.u32 s9, $0xF7A;
	s5 =	simm.s32 @!p2 $0x0  }
0x1d: {  	s5 =	simm.s32 @p1 $0x1;
	p0 =	seq.s32 s7, s2  }
0x1e: {  	s7 =	smul.u32 @!p0 $0xF7A, s2;
	p2 =	seq.s32 @!p0 s5, $0x0  }
0x1f: {  	s9 =	smul.u32 $0xF7A, s1;
	s8 =	simm.s32 @!p0 $0x1BF5;
	p2 =	por !p2, p0  }
0x20: {  	[sflag:s8] =	ssyncset.s32 @!p0 $0xFFFFF086;
	s6 =	sadd.s32 @!p0 s3, s7;
	s7 =	simm.s32 @!p0 $0x108  }
0x21: {  	s3 =	sadd.s32 s3, s9;
	s6 =	sadd.s32 @!p0 $0x88, s6;
	s7 =	simm.s32 @p2 $0x1082  }
0x22: {  	[simem:s7], [sflag:s8] =	dma.local @!p0 [hbm:s6], $0xF7A  }
0x23: {  	s9 =	sor.u32 $0xD0000000, s2;
	s6 =	simm.s32 $0x108;
	_ =	swait.ge @!p0 [sflag:s8], $0x0  }
0x24: {  	s3 =	sadd.s32 $0x88, s3;
	s6 =	simm.s32 @!p1 $0x1082;
	[sflag:s4] =	ssyncset.s32 $0xFFFFF086  }
0x25: {  	[simem:s6], [sflag:s4] =	dma.local [hbm:s3], $0xF7A  }
0x26: {  	[smem:$0x3F9B] =	sst s1;
	(tag) =	ssettag s2;
	_ =	strace s9  }
0x27: {  	s1 =	sld [smem:$0x3FAB]  }
0x28: {  	s2 =	sld [smem:$0x3FAC]  }
0x29: {  	s4 =	sld [smem:$0x3FAE]  }
0x2a: {  	p0 =	seq.s32 s5, $0x0;
	s5 =	sld [smem:$0x3FAF]  }
0x2b: {  	s6 =	sld [smem:$0x3FB0]  }
0x2c: {  	s7 =	sld [smem:$0x3FB1]  }
0x2d: {  	s3 =	simm.s32 $0x108;
	s8 =	sld [smem:$0x3FB2]  }
0x2e: {  	s3 =	simm.s32 @!p0 $0x1082;
	s9 =	sld [smem:$0x3FB3]  }
0x2f: {  	lr =	sadd.s32 s0, s3;
	s0 =	sld [smem:$0x3FAA]  }
0x30: {  	s3 =	sld [smem:$0x3FAD]  }
0x31: {  	[smem:$0x3FB6] =	sst s10  }
0x32: {  	s10 =	sld [smem:$0x3FB4];
	_ =	sdelay $0x3  }
0x33: {  	p0 =	seq.s32 s10, $0x1;
	s10 =	sld [smem:$0x3FB6];
	_ =	sdelay $0x3  }
0x34: {  	[smem:$0x3FB6] =	sst s10  }
0x35: {  	s10 =	sld [smem:$0x3FB5];
	_ =	sdelay $0x3  }
0x36: {  	p1 =	seq.s32 s10, $0x1;
	s10 =	sld [smem:$0x3FB6];
	_ =	sdelay $0x3  }
0x37: {  	[smem:$0x3FB6] =	sst s10  }
0x38: {  	s10 =	sld [smem:$0x3FB7]  }
0x39: {  	_ = 	snop;
	(pc) =	sbr.ind lr, $3  }
0x3a: {  	_ = 	snop  }
0x3b: {  	_ = 	snop  }
0x3c: {  	p2 =	seq.s32 s10, $0x1;
	s10 =	sld [smem:$0x3FB6]  }
0x3d: {  	_ =	shalt  }
0x3e: {  	_ =	shalt  }
0x3f: {  	_ =	shalt  }
0x40: {  	_ =	shalt  }
0x41: {  	_ =	shalt  }
0x42: {  	_ =	shalt  }
0x43: {  	_ =	shalt  }
0x44: {  	_ =	shalt  }
0x45: {  	_ =	shalt  }
0x46: {  	_ =	shalt  }
0x47: {  	_ =	shalt  }
0x48: {  	_ =	shalt  }
0x49: {  	_ =	shalt  }
0x4a: {  	_ =	shalt  }
0x4b: {  	_ =	shalt  }
0x4c: {  	_ =	shalt  }
0x4d: {  	_ =	shalt  }
0x4e: {  	_ =	shalt  }
0x4f: {  	_ =	shalt  }
0x50: {  	_ =	shalt  }
0x51: {  	_ =	shalt  }
0x52: {  	_ =	shalt  }
0x53: {  	_ =	shalt  }
0x54: {  	_ =	shalt  }
0x55: {  	_ =	shalt  }
0x56: {  	_ =	shalt  }
0x57: {  	_ =	shalt  }
0x58: {  	_ =	shalt  }
0x59: {  	_ =	shalt  }
0x5a: {  	_ =	shalt  }
0x5b: {  	_ =	shalt  }
0x5c: {  	_ =	shalt  }
0x5d: {  	_ =	shalt  }
0x5e: {  	_ =	shalt  }
0x5f: {  	_ =	shalt  }
0x60: {  	_ =	shalt  }
0x61: {  	_ =	shalt  }
0x62: {  	_ =	shalt  }
0x63: {  	_ =	shalt  }
0x64: {  	_ =	shalt  }
0x65: {  	_ =	shalt  }
0x66: {  	_ =	shalt  }
0x67: {  	_ =	shalt  }
0x68: {  	_ =	shalt  }
0x69: {  	_ =	shalt  }
0x6a: {  	_ =	shalt  }
0x6b: {  	_ =	shalt  }
0x6c: {  	_ =	shalt  }
0x6d: {  	_ =	shalt  }
0x6e: {  	_ =	shalt  }
0x6f: {  	_ =	shalt  }
0x70: {  	_ =	shalt  }
0x71: {  	_ =	shalt  }
0x72: {  	_ =	shalt  }
0x73: {  	_ =	shalt  }
0x74: {  	_ =	shalt  }
0x75: {  	_ =	shalt  }
0x76: {  	_ =	shalt  }
0x77: {  	_ =	shalt  }
0x78: {  	_ =	shalt  }
0x79: {  	_ =	shalt  }
0x7a: {  	_ =	shalt  }
0x7b: {  	_ =	shalt  }
0x7c: {  	_ =	shalt  }
0x7d: {  	_ =	shalt  }
0x7e: {  	_ =	shalt  }
0x7f: {  	_ =	shalt  }
0x80: {  	_ =	shalt  }
0x81: {  	_ =	shalt  }
0x82: {  	_ =	shalt  }
0x83: {  	_ =	shalt  }
0x84: {  	_ =	shalt  }
0x85: {  	_ =	shalt  }
0x86: {  	_ =	shalt  }
0x87: {  	_ =	shalt  }
.Lfunc_end0:
.L_simem_size_0:
called_computation.2_lowered:
.L_overlay_start_0:
0x88: {  	s2 =	sld [smem:$0x3FD9]  }
0x89: {  	s3 =	sld [smem:$0x3FFE];
	_ =	sdelay $0x1  }
0x8a: {  	s1 =	srdreg.scid  }
0x8b: {  	s0 =	sand.u32 $0x1, s1  }
0x8c: {  	s17 =	sshll.u32 s0, $0xA;
	s2 =	sadd.s32 s3, s2  }
0x8d: {  	s2 =	sadd.s32 s2, s17  }
0x8e: {  	[smem:$0x3FC2] =	sst s2  }
0x8f: {  	_ = 	snop  }
0x90: {  	s2 =	sld [smem:$0x3FD0];
	(tm) =	ssettm $0x1  }
0x91: {  	s18 =	sld [smem:$0x3FFB];
	_ =	sdelay $0x3  }
0x92: {  	_ =	strace s18  }
0x93: {  	s3 =	sld [smem:$0x3FFC];
	_ =	sdelay $0x3  }
0x94: {  	_ =	strace s3  }
0x95: {  	s3 =	sld [smem:$0x3FFD];
	_ =	sdelay $0x3  }
0x96: {  	_ =	strace s3  }
0x97: {  	_ =	strace $0x8FFFFFFF  }
0x98: {  	s19 =	sld [smem:$0x3FDB];
	_ =	sdelay $0x1  }
0x99: {  	s4 =	simm.s32 $_scs_section_size  }
0x9a: {  	s5 =	simm.s32 $_size__tile_overlayer_lowered;
	s6 =	simm.s32 $_tile_overlayer_lowered  }
0x9b: {  	s22 =	simm.s32 $0x1BFF;
	s21 =	sshll.u32 s6, $0x1;
	s3 =	sadd.s32 s4, s19  }
0x9c: {  	s7 =	simm.s32 $0x0;
	s20 =	sshll.u32 s5, $0x1;
	s5 =	sadd.s32 s21, s3  }
0x9d: {  	[timem:s7], [sflag:s22] =	dma.local [hbm:s5], s20  }
0x9e: {  	_ =	swait.ge [sflag:s22], s20  }
0x9f: {  	s4 =	ssub.s32 $0x0, s20;
	[sflag:s22] =	ssyncset.done $0x0  }
0xa0: {  	[sflag:s22] =	ssyncadd.s32 s4;
	_ =	sdelay $0x1  }
0xa1: {  	s23 =	simm.s32 $0x1B8B  }
0xa2: {  	_ =	swait.ge [sflag:s23], $0x1  }
0xa3: {  	[sflag:s23] =	ssyncset.done $0x0  }
0xa4: {  	s25 =	simm.s32 $0x1B8E;
	s24 =	sld [smem:$0x3FFE];
	[sflag:s23] =	ssyncadd.s32 $0xFFFFFFFF  }
0xa5: {  	s26 =	simm.s32 $execute0_lowered;
	[smem:$0x3FD2] =	sst s25  }
0xa6: {  	s5 =	sshll.u32 s26, $0x1;
	_ =	strace $0x8000004C;
	[dreg:$0x1] =	wrdreg $0xFFFFFFFF  }
0xa7: {  	s28 =	simm.s32 $_size_execute0_lowered;
	s3 =	sadd.s32 s3, s5;
	[dreg:$0x0] =	wrdreg $0x0  }
0xa8: {  	s5 =	sshll.u32 s28, $0x1;
	[dreg:$0x2] =	wrdreg s3  }
0xa9: {  	[dreg:$0x3] =	wrdreg s5  }
0xaa: {  	[dreg:$0x4] =	wrdreg $0xC0  }
0xab: {  	_ =	task [dreg:s7], $0x5FFFF  }
0xac: {  	[dreg:$0x1] =	wrdreg $0xFFFFFFFF  }
0xad: {  	[dreg:$0x0] =	wrdreg $0x60  }
0xae: {  	[dreg:$0x2] =	wrdreg s24  }
0xaf: {  	[dreg:$0x3] =	wrdreg s2  }
0xb0: {  	[dreg:$0x4] =	wrdreg $0xAA000  }
0xb1: {  	[dreg:$0x5] =	wrdreg $0x14A000  }
0xb2: {  	[dreg:$0x6] =	wrdreg $0x9  }
0xb3: {  	_ =	task.clear_ibuf [dreg:s7], $0x7FFFF;
	_ =	strace $0x9000004C  }
0xb4: {  	s29 =	simm.s32 $0x9;
	_ =	strace $0x8000004E  }
0xb5: {  	_ =	swait.ge [sflag:s29], $0x1  }
0xb6: {  	[sflag:s29] =	ssyncadd.s32 $0xFFFFFFFF  }
0xb7: {  	_ =	strace $0x9000004E  }
0xb8: {  	_ =	sfence  }
0xb9: {  	s30 =	sld [smem:$0x0];
	_ =	sdelay $0x2  }
0xba: {  	s31 =	sshll.u32 s1, $0xD;
	s1 =	sshrl.u32 s1, $0x2  }
0xbb: {  	s3 =	sand.u32 $0x4000, s31;
	s1 =	sadd.s32 s1, s30  }
0xbc: {  	s0 =	sor.u32 s3, s0;
	s1 =	sshll.u32 s1, $0x11  }
0xbd: {  	s0 =	sor.u32 s1, s0  }
0xbe: {  	s0 =	sadd.s32 $0x8F2B, s0  }
0xbf: {  	[sflag:s0] =	ssyncadd.remote.s32 $0x1  }
0xc0: {  	_ =	sfence.sel $0xFFFF  }
0xc1: {  	[dreg:$0x0] =	wrdreg $0xFFFFFFFF;
	(pc) =	sbr.abs _section_cstart, $3  }
0xc2: {  	[dreg:$0x1] =	wrdreg $0xFFFFFFFF  }
0xc3: {  	_ =	task.clear_ibuf [dreg:s7], $0x2FFFF;
	_ =	strace $0x9FFFFFFF  }
0xc4: {  	(tm) =	ssettm $0x7FFFFFFF  }
0xc5: {  	_ =	shalt  }
tec
execute0_lowered:
.L_overlay_start_1:
0x0: {  	(tag) =	ssettag $0x1  }
0x1: {  	s0 =	rddreg [dreg:$0x0]  }
0x2: {  	s2 =	rddreg [dreg:$0x1]  }
0x3: {  	s1 =	rddreg [dreg:$0x2]  }
0x4: {  	s3 =	rddreg [dreg:$0x3]  }
0x5: {  	s4 =	simm.s32 $0x0;
	s5 =	srdreg.scid;
	s13 =	stileid.u32  }
0x6: {  	s28 =	simm.s32 $0x80;
	s29 =	simm.s32 $0x2;
	s7 =	smul.u32 $0x14000, s13  }
0x7: {  	s31 =	simm.s32 $0x12;
	s30 =	simm.s32 $0x0;
	s9 =	smul.u32 $0x4E20, s13  }
0x8: {  	[smem:$0x7FF] =	sst s4;
	s6 =	sand.u32 $0x1, s5;
	s11 =	smul.u32 $0xA000, s13  }
0x9: {  	s5 =	sadd.s32 $0x2AA00, s0;
	s18 =	sshll.u32 s13, $0x6;
	s23 =	smul.u32 $0x9C4, s13  }
0xa: {  	_ =	strace $0x8000004D;
	s8 =	sshll.u32 s6, $0x6;
	s17 =	ssub.s32 $0x2, s6  }
0xb: {  	s6 =	sadd.s32 $0x2A800, s0;
	s7 =	sor.u32 s8, s7;
	s10 =	sshrl.u32 s17, $0x1  }
0xc: {  	s12 =	sadd.s32 s11, s1;
	s9 =	sshrl.u32 s9, $0x3;
	s8 =	sor.u32 $0x1C15, s18  }
0xd: {  	s11 =	sadd.s32 s11, s3;
	s26 =	sadd.s32 s23, s2;
	s23 =	simm.s32 $0x8  }
0xe: {  	s7 =	sshrl.u32 s7, $0x3;
	s10 =	ssub.s32 s17, s10;
	s9 =	sadd.s32 s2, s9  }
0xf: {  	[dreg:$0x5] =	wrdreg s11;
	s11 =	sadd.s32 $0x9C80, s26;
	s19 =	sadd.s32 $0x9C40, s9  }
0x10: {  	s2 =	simm.s32 $0x14;
	s20 =	sadd.s32 $0x10, s9;
	[dreg:$0x6] =	wrdreg s19  }
0x11: {  	s26 =	simm.s32 $0x11;
	s21 =	sadd.s32 $0x9C50, s9;
	[dreg:$0x7] =	wrdreg s20  }
0x12: {  	s0 =	sadd.s32 s7, s0;
	s22 =	sadd.s32 $0x20, s9;
	[dreg:$0x8] =	wrdreg s21  }
.Ltmp0:
0x13: {  	s24 =	sadd.s32 $0x9C60, s9;
	[dreg:$0x9] =	wrdreg s22;
	(pc) =	sbr.rel .LBB2_1-.Ltmp0, $4  }
0x14: {  	s25 =	sadd.s32 $0x30, s9;
	s17 =	sadd.s32 $0x9C70, s9;
	[dreg:$0xa] =	wrdreg s24  }
0x15: {  	s7 =	sadd.s32 $0x2800, s0;
	[dreg:$0xb] =	wrdreg s25;
	s18 =	sadd.s32 $0x2AC00, s0  }
0x16: {  	s19 =	smax.u32 s10, $0x1;
	s21 =	sshrl.u32 s12, $0x3;
	s22 =	simm.s32 $0x1  }
0x17: {  	s24 =	simm.s32 $0x10;
	s25 =	simm.s32 $0x15;
	s0 =	simm.s32 $0x13  }
.LBB2_13:
0x18: {  	_ =	swait.ge [sflag:s31], $0x2000  }
0x19: {  	[sflag:s31] =	ssyncset.done $0x0  }
0x1a: {  	[sflag:s31] =	ssyncadd.s32 $0xFFFFE000  }
0x1b: {  	_ =	swait.ge [sflag:s0], $0x2000  }
0x1c: {  	[sflag:s0] =	ssyncset.done $0x0  }
0x1d: {  	[sflag:s0] =	ssyncadd.s32 $0xFFFFE000  }
0x1e: {  	_ =	swait.ge [sflag:s2], $0x2000  }
0x1f: {  	[sflag:s2] =	ssyncset.done $0x0  }
0x20: {  	[sflag:s2] =	ssyncadd.s32 $0xFFFFE000  }
0x21: {  	_ =	swait.ge [sflag:s24], $0x2000  }
0x22: {  	[sflag:s24] =	ssyncset.done $0x0  }
0x23: {  	[sflag:s24] =	ssyncadd.s32 $0xFFFFE000  }
0x24: {  	_ =	swait.ge [sflag:s26], $0x2000  }
0x25: {  	s30 =	sadd.s32 $0x1, s30;
	[sflag:s26] =	ssyncset.done $0x0  }
0x26: {  	p0 =	sne.s32 s30, s19;
	[sflag:s26] =	ssyncadd.s32 $0xFFFFE000  }
.Ltmp1:
0x27: {  	[bflag:$0x0] =	sbarrier.arrive $0xFFFF;
	(pc) =	sbr.rel @!p0 .LBB2_14-.Ltmp1, $4  }
0x28: {  	[hbm:s18@s24], [sflag:s8] =	dma.strided [spmem:s10@s23], $0x1400, s22, $0x8   }
0x29: {  	_ =	swait.ge [sflag:s25], $0x1400  }
0x2a: {  	[sflag:s25] =	ssyncset.done $0x0  }
0x2b: {  	[sflag:s25] =	ssyncadd.s32 $0xFFFFEC00  }
.LBB2_1:
0x2c: {  	[spmem:s21@s23], [sflag:s8] =	dma.strided [hbm:s7@s24], $0x1400, s22, $0x8   }
0x2d: {  	_ =	swait.ge [sflag:s25], $0x1400  }
0x2e: {  	[sflag:s25] =	ssyncset.done $0x0;
	s10 =	rddreg [dreg:$0x5]  }
0x2f: {  	[sflag:s25] =	ssyncadd.s32 $0xFFFFEC00;
	s10 =	sshrl.u32 s10, $0x3  }
0x30: {  	[spmem:s10@s23], [sflag:s8] =	dma.strided [hbm:s7@s24], $0x1400, s22, $0x8   }
0x31: {  	_ =	swait.ge [sflag:s25], $0x1400  }
0x32: {  	[sflag:s25] =	ssyncset.done $0x0  }
0x33: {  	[sflag:s25] =	ssyncadd.s32 $0xFFFFEC00  }
0x34: {  	[bflag:$0x0] =	sbarrier.arrive $0xFFFF  }
0x35: {  	[tilespmem:s4], [sflag:$0x1] =	stream.linear.gather [hbm4b:s9+s4], $0x80, $0x38;
	[tilespmem:$0x1EA00] =	vst v63  }
0x36: {  	s13 =	simm.s32 $0x500;
	s12 =	rddreg [dreg:$0x6]  }
0x37: {  	[tilespmem:s13], [sflag:$0x1] =	stream.linear.gather [hbm4b:s12+s4], $0x80, $0x38;
	[tilespmem:$0x1EA00] =	vst v63  }
0x38: {  	s15 =	rddreg [dreg:$0x7]  }
0x39: {  	[tilespmem:s28], [sflag:$0x2] =	stream.linear.gather [hbm4b:s15+s4], $0x80, $0x38;
	[tilespmem:$0x1EA00] =	vst v63  }
0x3a: {  	s20 =	simm.s32 $0x580;
	s16 =	rddreg [dreg:$0x8]  }
0x3b: {  	[tilespmem:s20], [sflag:$0x2] =	stream.linear.gather [hbm4b:s16+s4], $0x80, $0x38;
	[tilespmem:$0x1EA00] =	vst v63  }
0x3c: {  	s14 =	rddreg [dreg:$0x9];
	s15 =	simm.s32 $0x100  }
0x3d: {  	[tilespmem:s15], [sflag:$0x3] =	stream.linear.gather [hbm4b:s14+s4], $0x80, $0x38;
	[tilespmem:$0x1EA00] =	vst v63  }
0x3e: {  	s16 =	rddreg [dreg:$0xa];
	s20 =	simm.s32 $0x600  }
0x3f: {  	[tilespmem:s20], [sflag:$0x3] =	stream.linear.gather [hbm4b:s16+s4], $0x80, $0x38;
	[tilespmem:$0x1EA00] =	vst v63  }
0x40: {  	s13 =	rddreg [dreg:$0xb];
	s14 =	simm.s32 $0x180  }
0x41: {  	[tilespmem:s14], [sflag:$0x4] =	stream.linear.gather [hbm4b:s13+s4], $0x80, $0x38;
	[tilespmem:$0x1EA00] =	vst v63  }
0x42: {  	s15 =	simm.s32 $0x680  }
0x43: {  	[tilespmem:s15], [sflag:$0x4] =	stream.linear.gather [hbm4b:s17+s4], $0x80, $0x38;
	[tilespmem:$0x1EA00] =	vst v63  }
0x44: {  	_ =	swait.ge [sflag:s22], $0x80  }
0x45: {  	[sflag:s22] =	ssyncset.done $0x0  }
0x46: {  	[sflag:s22] =	ssyncadd.s32 $0xFFFFFF80  }
0x47: {  	_ =	swait.ge [sflag:s22], $0x80  }
0x48: {  	[sflag:s22] =	ssyncset.done $0x0  }
0x49: {  	s16 =	simm.s32 $0xA00;
	[sflag:s22] =	ssyncadd.s32 $0xFFFFFF80  }
0x4a: {  	[tilespmem:s16], [sflag:$0xB] =	stream.indirect.gather [spmem:s1], $0x40, s4, s28, $0xb8;
	[tilespmem:$0x1EA00] =	vst v63  }
0x4b: {  	_ =	swait.ge [sflag:s29], $0x80  }
0x4c: {  	[sflag:s29] =	ssyncset.done $0x0  }
0x4d: {  	[sflag:s29] =	ssyncadd.s32 $0xFFFFFF80  }
.Ltmp2:
0x4e: {  	_ =	swait.ge [sflag:s29], $0x80;
	(pc) =	sbr.rel .LBB2_2-.Ltmp2, $4  }
0x4f: {  	[sflag:s29] =	ssyncset.done $0x0  }
0x50: {  	s20 =	simm.s32 $0x2A00;
	[sflag:s29] =	ssyncadd.s32 $0xFFFFFF80  }
0x51: {  	[tilespmem:s20], [sflag:$0xC] =	stream.indirect.gather [spmem:s1], $0x40, s28, s28, $0xb8;
	[tilespmem:$0x1EA00] =	vst v63  }
0x52: {  	s12 =	simm.s32 $0x0;
	s20 =	smov.u32 s11  }
.LBB2_6:
0x53: {  	s14 =	sadd.s32 $0x2, s12  }
0x54: {  	s13 =	smov.u32 s14  }
.LBB2_7:
0x55: {  	s15 =	sand.u32 $0xFF, s13  }
0x56: {  	s16 =	sadd.s32 $0x1, s14;
	s15 =	smul.u32 $0xCD, s15  }
0x57: {  	_ =	swait.ge [sflag:s16], $0x80  }
0x58: {  	[sflag:s16] =	ssyncset.done $0x0;
	s15 =	sshrl.u32 s15, $0xA  }
0x59: {  	[sflag:s16] =	ssyncadd.s32 $0xFFFFFF80;
	s15 =	smul.u32 $0x5, s15  }
0x5a: {  	_ =	swait.ge [sflag:s16], $0x80  }
0x5b: {  	[sflag:s16] =	ssyncset.done $0x0;
	s15 =	ssub.s32 s13, s15  }
0x5c: {  	[sflag:s16] =	ssyncadd.s32 $0xFFFFFF80;
	s13 =	sand.u32 $0xFF, s15  }
.LBB2_11:
0x5d: {  	s15 =	sshll.u32 s13, $0xD;
	s14 =	sshll.u32 s14, $0x7  }
0x5e: {  	s16 =	sadd.s32 $0xB, s13;
	s15 =	sor.u32 $0xA00, s15;
	s14 =	sand.u32 $0x3FFFFF80, s14  }
0x5f: {  	[tilespmem:s15], [sflag:s16] =	stream.indirect.gather [spmem:s1], $0x40, s14, s28, $0xb8;
	[tilespmem:$0x1EA00] =	vst v63  }
.LBB2_12:
0x60: {  	s12 =	sadd.s32 $0x1, s12  }
0x61: {  	p0 =	sne.s32 s12, $0x9D  }
.Ltmp3:
0x62: {  	_ = 	snop;
	(pc) =	sbr.rel @!p0 .LBB2_13-.Ltmp3, $2  }
0x63: {  	_ =	sdelay $0x2  }
0x64: {  	s20 =	sadd.s32 $0x10, s20  }
.LBB2_2:
0x65: {  	s13 =	smul.u32 $0xCD, s12;
	_ =	sdelay $0x1  }
0x66: {  	s14 =	sshrl.u32 s13, $0xA  }
0x67: {  	s14 =	sand.u32 $0x3F, s14  }
0x68: {  	s13 =	sshrl.u32 s13, $0xB;
	s14 =	smul.u32 $0x5, s14  }
0x69: {  	s13 =	sand.u32 $0x1F, s13  }
0x6a: {  	s13 =	smul.u32 $0xA, s13;
	s14 =	ssub.s32 s12, s14  }
0x6b: {  	p0 =	sgt.u32 s12, $0x98;
	s14 =	sand.u32 $0xFF, s14  }
.Ltmp4:
0x6c: {  	s13 =	ssub.s32 s12, s13;
	s15 =	sadd.s32 $0xB, s14;
	(pc) =	sbr.rel @p0 .LBB2_8-.Ltmp4, $4  }
0x6d: {  	s13 =	sand.u32 $0xFF, s13;
	s16 =	sshll.u32 s14, $0xD;
	_ =	swait.ge [sflag:s15], $0x2000  }
0x6e: {  	s13 =	sshll.u32 s13, $0x7;
	s14 =	sor.u32 $0x10, s14;
	[sflag:s15] =	ssyncset.done $0x0  }
0x6f: {  	s16 =	sor.u32 $0xA00, s16;
	s13 =	sadd.s32 $0x500, s13;
	[sflag:s15] =	ssyncadd.s32 $0xFFFFE000  }
0x70: {  	[spmem:s3] =	stream.indirect.scatter.add.f32 [tilespmem:s16], [sflag:s14], $0x40, s13, s28, $0xb8;
	[tilespmem:$0x1EA00] =	vst v63  }
0x71: {  	s13 =	sadd.s32 $0x4, s12  }
0x72: {  	s14 =	smul.u32 $0xCD, s13;
	_ =	sdelay $0x1  }
0x73: {  	s14 =	sshrl.u32 s14, $0xB  }
0x74: {  	s14 =	sand.u32 $0x1F, s14  }
0x75: {  	p0 =	sne.s32 s12, $0x98;
	s14 =	smul.u32 $0xA, s14  }
.Ltmp5:
0x76: {  	_ = 	snop;
	(pc) =	sbr.rel @p0 .LBB2_5-.Ltmp5, $4  }
0x77: {  	_ = 	snop  }
0x78: {  	s13 =	ssub.s32 s13, s14  }
0x79: {  	s14 =	sand.u32 $0xFF, s13  }
0x7a: {  	s13 =	sshll.u32 s14, $0x7  }
0x7b: {  	[tilespmem:s13], [sflag:$0x15] =	stream.linear.gather [hbm4b:s5+s4], $0x80, $0x38;
	[tilespmem:$0x1EA00] =	vst v63  }
0x7c: {  	_ =	swait.ge [sflag:s25], $0x80  }
0x7d: {  	[sflag:s25] =	ssyncset.done $0x0  }
0x7e: {  	s15 =	sadd.s32 $0x500, s13;
	[sflag:s25] =	ssyncadd.s32 $0xFFFFFF80  }
0x7f: {  	[tilespmem:s15], [sflag:$0x15] =	stream.linear.gather [hbm4b:s6+s4], $0x80, $0x38;
	[tilespmem:$0x1EA00] =	vst v63  }
0x80: {  	_ =	swait.ge [sflag:s25], $0x80  }
.Ltmp6:
0x81: {  	[sflag:s25] =	ssyncset.done $0x0;
	(pc) =	sbr.rel .LBB2_9-.Ltmp6, $4  }
0x82: {  	s14 =	sadd.s32 $0x1, s14;
	s16 =	sadd.s32 $0xFFFF63C0, s20;
	[sflag:s25] =	ssyncadd.s32 $0xFFFFFF80  }
0x83: {  	[tilespmem:s13], [sflag:s14] =	stream.linear.gather [hbm4b:s16+s4], $0x20, $0x38;
	[tilespmem:$0x1EA00] =	vst v63  }
0x84: {  	_ = 	snop  }
0x85: {  	[tilespmem:s15], [sflag:s14] =	stream.linear.gather [hbm4b:s20+s4], $0x20, $0x38;
	[tilespmem:$0x1EA00] =	vst v63  }
.LBB2_8:
0x86: {  	p0 =	slt.u32 s12, $0x9B  }
.Ltmp7:
0x87: {  	_ = 	snop;
	(pc) =	sbr.rel @!p0 .LBB2_12-.Ltmp7, $4  }
.Ltmp8:
0x88: {  	_ = 	snop;
	(pc) =	sbr.rel @p0 .LBB2_9-.Ltmp8, $4  }
0x89: {  	_ = 	snop  }
0x8a: {  	_ = 	snop  }
0x8b: {  	_ = 	snop  }
0x8c: {  	_ = 	snop  }
.LBB2_5:
0x8d: {  	p0 =	sgt.u32 s12, $0x2  }
.Ltmp9:
0x8e: {  	_ = 	snop;
	(pc) =	sbr.rel @!p0 .LBB2_6-.Ltmp9, $4  }
0x8f: {  	s14 =	sadd.s32 $0x1, s14;
	s15 =	sadd.s32 $0xFFFF63C0, s20  }
0x90: {  	[tilespmem:s13], [sflag:s14] =	stream.linear.gather [hbm4b:s15+s4], $0x80, $0x38;
	[tilespmem:$0x1EA00] =	vst v63  }
0x91: {  	s16 =	sadd.s32 $0x500, s13  }
0x92: {  	[tilespmem:s16], [sflag:s14] =	stream.linear.gather [hbm4b:s20+s4], $0x80, $0x38;
	[tilespmem:$0x1EA00] =	vst v63  }
.LBB2_9:
0x93: {  	s13 =	sadd.s32 $0x2, s12  }
0x94: {  	s14 =	smul.u32 $0xCD, s13;
	_ =	sdelay $0x1  }
0x95: {  	s15 =	sshrl.u32 s14, $0xA  }
0x96: {  	s15 =	sand.u32 $0x3F, s15  }
0x97: {  	s15 =	smul.u32 $0x5, s15;
	_ =	sdelay $0x1  }
0x98: {  	p0 =	sne.s32 s12, $0x9A;
	s14 =	sshrl.u32 s14, $0xB;
	s15 =	ssub.s32 s13, s15  }
.Ltmp10:
0x99: {  	s14 =	sand.u32 $0x1F, s14;
	s15 =	sor.u32 $0x10, s15;
	(pc) =	sbr.rel @p0 .LBB2_7-.Ltmp10, $4  }
0x9a: {  	s14 =	smul.u32 $0xA, s14;
	s15 =	sand.u32 $0xFF, s15  }
0x9b: {  	_ =	swait.ge [sflag:s15], $0x2000  }
0x9c: {  	s14 =	ssub.s32 s13, s14;
	[sflag:s15] =	ssyncset.done $0x0  }
0x9d: {  	s14 =	sand.u32 $0xFF, s14;
	[sflag:s15] =	ssyncadd.s32 $0xFFFFE000  }
0x9e: {  	s13 =	sadd.s32 $0x1, s14  }
0x9f: {  	_ =	swait.ge [sflag:s13], $0x20  }
.Ltmp11:
0xa0: {  	[sflag:s13] =	ssyncset.done $0x0;
	(pc) =	sbr.rel .LBB2_11-.Ltmp11, $4  }
0xa1: {  	[sflag:s13] =	ssyncadd.s32 $0xFFFFFFE0  }
0xa2: {  	_ =	swait.ge [sflag:s13], $0x20  }
0xa3: {  	[sflag:s13] =	ssyncset.done $0x0  }
0xa4: {  	[sflag:s13] =	ssyncadd.s32 $0xFFFFFFE0;
	s13 =	simm.s32 $0x1  }
.LBB2_14:
0xa5: {  	_ =	sfence.sel $0x180000  }
0xa6: {  	[bflag:$0x0] =	sbarrier.arrive $0xFFFF  }
0xa7: {  	_ =	strace $0x9000004D  }
0xa8: {  	s0 =	stileid.u32;
	[bflag:$0x2] =	sbarrier.arrive $0xFFFF  }
0xa9: {  	p0 =	sne.s32 s0, $0x0;
	s0 =	rddreg [dreg:$0x4]  }
0xaa: {  	s0 =	sadd.s32 @!p0 $0x100000, s0  }
0xab: {  	[sflag:s0] =	ssyncadd.tile.s32 @!p0 $0x1;
	_ =	shalt  }
.Lfunc_end2:
_tile_overlayer_lowered:
.L_overlay_start_2:
0xac: {  	(tag) =	ssettag $0x2  }
0xad: {  	s0 =	rddreg [dreg:$0x0];
	s2 =	stileid.u32  }
0xae: {  	s1 =	rddreg [dreg:$0x1];
	p0 =	sne.s32 s2, $0x0  }
0xaf: {  	s3 =	rddreg [dreg:$0x2];
	[bflag:$0x3] =	sbarrier.arrive $0xFFFF;
	s2 =	simm.s32 @!p0 $0x1C15  }
0xb0: {  	[timem:s3], [sflag:s2] =	dma.local @!p0 [hbm:s0], s1  }
0xb1: {  	s0 =	simm.s32 @!p0 $0x15  }
0xb2: {  	_ =	swait.ge @!p0 [sflag:s0], s1  }
0xb3: {  	s1 =	ssub.s32 @!p0 $0x0, s1;
	[sflag:s0] =	ssyncset.done @!p0 $0x0  }
0xb4: {  	[sflag:s0] =	ssyncadd.s32 @!p0 s1  }
0xb5: {  	[bflag:$0x3] =	sbarrier.arrive $0xFFFF  }
0xb6: {  	_ =	shalt  }

// kernel: kernel.8.cloned.1.call-start
scs
__scs_entry_jumppad:
0x0: {  	(pc) =	sbr.rel $0x88, $3  }
0x1: {  	(tag) =	ssettag $0x0;
	lr =	simm.s32 $0x1  }
0x2: {  	[smem:$0x3F9B] =	sst lr;
	_ =	strace $0xD0000000  }
0x3: {  	_ = 	snop  }
0x4: {  	_ = 	snop  }
0x5: {  	_ = 	snop  }
0x6: {  	_ = 	snop  }
0x7: {  	_ = 	snop  }
__scs_overlays_trampoline_lowered:
0x8: {  	[smem:$0x3FAA] =	sst s0  }
0x9: {  	[smem:$0x3FAB] =	sst s1  }
0xa: {  	[smem:$0x3FAC] =	sst s2  }
0xb: {  	[smem:$0x3FAD] =	sst s3  }
0xc: {  	[smem:$0x3FAE] =	sst s4  }
0xd: {  	[smem:$0x3FAF] =	sst s5  }
0xe: {  	[smem:$0x3FB0] =	sst s6  }
0xf: {  	[smem:$0x3FB1] =	sst s7  }
0x10: {  	[smem:$0x3FB2] =	sst s8  }
0x11: {  	[smem:$0x3FB3] =	sst s9;
	s0 =	simm.s32 @!p0 $0x0  }
0x12: {  	s1 =	sld [smem:$0x3F99];
	s0 =	simm.s32 @p0 $0x1  }
0x13: {  	[smem:$0x3FB4] =	sst s0;
	s0 =	simm.s32 @!p1 $0x0  }
0x14: {  	s2 =	sld [smem:$0x3F98];
	s0 =	simm.s32 @p1 $0x1  }
0x15: {  	[smem:$0x3FB5] =	sst s0;
	s0 =	simm.s32 @!p2 $0x0  }
0x16: {  	s3 =	sld [smem:$0x3FDB];
	s0 =	simm.s32 @p2 $0x1  }
0x17: {  	s4 =	simm.s32 $0x1BF5;
	[smem:$0x3FB7] =	sst s0  }
0x18: {  	s0 =	sld [smem:$0x3F9A];
	_ =	swait.ge [sflag:s4], $0x0  }
0x19: {  	s7 =	sld [smem:$0x3F9B]  }
0x1a: {  	s8 =	sadd.s32 $0xFFFFE003, lr  }
0x1b: {  	s9 =	sadd.s32 $0xFFFFFEF7, lr;
	s5 =	simm.s32 $0xFFFFFFFF;
	p2 =	slt.u32 s8, $0xFFFFF086  }
0x1c: {  	p1 =	slt.u32 s9, $0xF7A;
	s5 =	simm.s32 @!p2 $0x0  }
0x1d: {  	s5 =	simm.s32 @p1 $0x1;
	p0 =	seq.s32 s7, s2  }
0x1e: {  	s7 =	smul.u32 @!p0 $0xF7A, s2;
	p2 =	seq.s32 @!p0 s5, $0x0  }
0x1f: {  	s9 =	smul.u32 $0xF7A, s1;
	s8 =	simm.s32 @!p0 $0x1BF5;
	p2 =	por !p2, p0  }
0x20: {  	[sflag:s8] =	ssyncset.s32 @!p0 $0xFFFFF086;
	s6 =	sadd.s32 @!p0 s3, s7;
	s7 =	simm.s32 @!p0 $0x108  }
0x21: {  	s3 =	sadd.s32 s3, s9;
	s6 =	sadd.s32 @!p0 $0x88, s6;
	s7 =	simm.s32 @p2 $0x1082  }
0x22: {  	[simem:s7], [sflag:s8] =	dma.local @!p0 [hbm:s6], $0xF7A  }
0x23: {  	s9 =	sor.u32 $0xD0000000, s2;
	s6 =	simm.s32 $0x108;
	_ =	swait.ge @!p0 [sflag:s8], $0x0  }
0x24: {  	s3 =	sadd.s32 $0x88, s3;
	s6 =	simm.s32 @!p1 $0x1082;
	[sflag:s4] =	ssyncset.s32 $0xFFFFF086  }
0x25: {  	[simem:s6], [sflag:s4] =	dma.local [hbm:s3], $0xF7A  }
0x26: {  	[smem:$0x3F9B] =	sst s1;
	(tag) =	ssettag s2;
	_ =	strace s9  }
0x27: {  	s1 =	sld [smem:$0x3FAB]  }
0x28: {  	s2 =	sld [smem:$0x3FAC]  }
0x29: {  	s4 =	sld [smem:$0x3FAE]  }
0x2a: {  	p0 =	seq.s32 s5, $0x0;
	s5 =	sld [smem:$0x3FAF]  }
0x2b: {  	s6 =	sld [smem:$0x3FB0]  }
0x2c: {  	s7 =	sld [smem:$0x3FB1]  }
0x2d: {  	s3 =	simm.s32 $0x108;
	s8 =	sld [smem:$0x3FB2]  }
0x2e: {  	s3 =	simm.s32 @!p0 $0x1082;
	s9 =	sld [smem:$0x3FB3]  }
0x2f: {  	lr =	sadd.s32 s0, s3;
	s0 =	sld [smem:$0x3FAA]  }
0x30: {  	s3 =	sld [smem:$0x3FAD]  }
0x31: {  	[smem:$0x3FB6] =	sst s10  }
0x32: {  	s10 =	sld [smem:$0x3FB4];
	_ =	sdelay $0x3  }
0x33: {  	p0 =	seq.s32 s10, $0x1;
	s10 =	sld [smem:$0x3FB6];
	_ =	sdelay $0x3  }
0x34: {  	[smem:$0x3FB6] =	sst s10  }
0x35: {  	s10 =	sld [smem:$0x3FB5];
	_ =	sdelay $0x3  }
0x36: {  	p1 =	seq.s32 s10, $0x1;
	s10 =	sld [smem:$0x3FB6];
	_ =	sdelay $0x3  }
0x37: {  	[smem:$0x3FB6] =	sst s10  }
0x38: {  	s10 =	sld [smem:$0x3FB7]  }
0x39: {  	_ = 	snop;
	(pc) =	sbr.ind lr, $3  }
0x3a: {  	_ = 	snop  }
0x3b: {  	_ = 	snop  }
0x3c: {  	p2 =	seq.s32 s10, $0x1;
	s10 =	sld [smem:$0x3FB6]  }
0x3d: {  	_ =	shalt  }
0x3e: {  	_ =	shalt  }
0x3f: {  	_ =	shalt  }
0x40: {  	_ =	shalt  }
0x41: {  	_ =	shalt  }
0x42: {  	_ =	shalt  }
0x43: {  	_ =	shalt  }
0x44: {  	_ =	shalt  }
0x45: {  	_ =	shalt  }
0x46: {  	_ =	shalt  }
0x47: {  	_ =	shalt  }
0x48: {  	_ =	shalt  }
0x49: {  	_ =	shalt  }
0x4a: {  	_ =	shalt  }
0x4b: {  	_ =	shalt  }
0x4c: {  	_ =	shalt  }
0x4d: {  	_ =	shalt  }
0x4e: {  	_ =	shalt  }
0x4f: {  	_ =	shalt  }
0x50: {  	_ =	shalt  }
0x51: {  	_ =	shalt  }
0x52: {  	_ =	shalt  }
0x53: {  	_ =	shalt  }
0x54: {  	_ =	shalt  }
0x55: {  	_ =	shalt  }
0x56: {  	_ =	shalt  }
0x57: {  	_ =	shalt  }
0x58: {  	_ =	shalt  }
0x59: {  	_ =	shalt  }
0x5a: {  	_ =	shalt  }
0x5b: {  	_ =	shalt  }
0x5c: {  	_ =	shalt  }
0x5d: {  	_ =	shalt  }
0x5e: {  	_ =	shalt  }
0x5f: {  	_ =	shalt  }
0x60: {  	_ =	shalt  }
0x61: {  	_ =	shalt  }
0x62: {  	_ =	shalt  }
0x63: {  	_ =	shalt  }
0x64: {  	_ =	shalt  }
0x65: {  	_ =	shalt  }
0x66: {  	_ =	shalt  }
0x67: {  	_ =	shalt  }
0x68: {  	_ =	shalt  }
0x69: {  	_ =	shalt  }
0x6a: {  	_ =	shalt  }
0x6b: {  	_ =	shalt  }
0x6c: {  	_ =	shalt  }
0x6d: {  	_ =	shalt  }
0x6e: {  	_ =	shalt  }
0x6f: {  	_ =	shalt  }
0x70: {  	_ =	shalt  }
0x71: {  	_ =	shalt  }
0x72: {  	_ =	shalt  }
0x73: {  	_ =	shalt  }
0x74: {  	_ =	shalt  }
0x75: {  	_ =	shalt  }
0x76: {  	_ =	shalt  }
0x77: {  	_ =	shalt  }
0x78: {  	_ =	shalt  }
0x79: {  	_ =	shalt  }
0x7a: {  	_ =	shalt  }
0x7b: {  	_ =	shalt  }
0x7c: {  	_ =	shalt  }
0x7d: {  	_ =	shalt  }
0x7e: {  	_ =	shalt  }
0x7f: {  	_ =	shalt  }
0x80: {  	_ =	shalt  }
0x81: {  	_ =	shalt  }
0x82: {  	_ =	shalt  }
0x83: {  	_ =	shalt  }
0x84: {  	_ =	shalt  }
0x85: {  	_ =	shalt  }
0x86: {  	_ =	shalt  }
0x87: {  	_ =	shalt  }
.Lfunc_end0:
.L_simem_size_0:
called_computation_lowered:
.L_overlay_start_0:
0x88: {  	s2 =	sld [smem:$0x3FD9]  }
0x89: {  	s3 =	sld [smem:$0x3FFE];
	_ =	sdelay $0x1  }
0x8a: {  	s1 =	srdreg.scid  }
0x8b: {  	s0 =	sand.u32 $0x1, s1  }
0x8c: {  	s17 =	sshll.u32 s0, $0xA;
	s2 =	sadd.s32 s3, s2  }
0x8d: {  	s2 =	sadd.s32 s2, s17  }
0x8e: {  	[smem:$0x3FC2] =	sst s2  }
0x8f: {  	_ = 	snop  }
0x90: {  	s2 =	sld [smem:$0x3FD0];
	(tm) =	ssettm $0x1  }
0x91: {  	s18 =	sld [smem:$0x3FFB];
	_ =	sdelay $0x3  }
0x92: {  	_ =	strace s18  }
0x93: {  	s3 =	sld [smem:$0x3FFC];
	_ =	sdelay $0x3  }
0x94: {  	_ =	strace s3  }
0x95: {  	s3 =	sld [smem:$0x3FFD];
	_ =	sdelay $0x3  }
0x96: {  	_ =	strace s3  }
0x97: {  	_ =	strace $0x8FFFFFFF  }
0x98: {  	s19 =	sld [smem:$0x3FDB];
	_ =	sdelay $0x1  }
0x99: {  	s4 =	simm.s32 $_scs_section_size  }
0x9a: {  	s5 =	simm.s32 $_size__tile_overlayer_lowered;
	s6 =	simm.s32 $_tile_overlayer_lowered  }
0x9b: {  	s22 =	simm.s32 $0x1BFF;
	s21 =	sshll.u32 s6, $0x1;
	s3 =	sadd.s32 s4, s19  }
0x9c: {  	s7 =	simm.s32 $0x0;
	s20 =	sshll.u32 s5, $0x1;
	s5 =	sadd.s32 s21, s3  }
0x9d: {  	[timem:s7], [sflag:s22] =	dma.local [hbm:s5], s20  }
0x9e: {  	_ =	swait.ge [sflag:s22], s20  }
0x9f: {  	s4 =	ssub.s32 $0x0, s20;
	[sflag:s22] =	ssyncset.done $0x0  }
0xa0: {  	[sflag:s22] =	ssyncadd.s32 s4;
	_ =	sdelay $0x1  }
0xa1: {  	s23 =	simm.s32 $0x1B8B  }
0xa2: {  	_ =	swait.ge [sflag:s23], $0x1  }
0xa3: {  	[sflag:s23] =	ssyncset.done $0x0  }
0xa4: {  	s25 =	simm.s32 $0x1B8E;
	s24 =	sld [smem:$0x3FFE];
	[sflag:s23] =	ssyncadd.s32 $0xFFFFFFFF  }
0xa5: {  	s26 =	simm.s32 $execute0_lowered;
	[smem:$0x3FD2] =	sst s25  }
0xa6: {  	s5 =	sshll.u32 s26, $0x1;
	_ =	strace $0x80000046;
	[dreg:$0x1] =	wrdreg $0xFFFFFFFF  }
0xa7: {  	s28 =	simm.s32 $_size_execute0_lowered;
	s3 =	sadd.s32 s3, s5;
	[dreg:$0x0] =	wrdreg $0x0  }
0xa8: {  	s5 =	sshll.u32 s28, $0x1;
	[dreg:$0x2] =	wrdreg s3  }
0xa9: {  	[dreg:$0x3] =	wrdreg s5  }
0xaa: {  	[dreg:$0x4] =	wrdreg $0xC0  }
0xab: {  	_ =	task [dreg:s7], $0x5FFFF  }
0xac: {  	[dreg:$0x1] =	wrdreg $0xFFFFFFFF  }
0xad: {  	[dreg:$0x0] =	wrdreg $0x60  }
0xae: {  	[dreg:$0x2] =	wrdreg s2  }
0xaf: {  	[dreg:$0x3] =	wrdreg s24  }
0xb0: {  	[dreg:$0x4] =	wrdreg $0x9  }
0xb1: {  	_ =	task.clear_ibuf [dreg:s7], $0x5FFFF;
	_ =	strace $0x90000046  }
0xb2: {  	s29 =	simm.s32 $0x9;
	_ =	strace $0x80000048  }
0xb3: {  	_ =	swait.ge [sflag:s29], $0x1  }
0xb4: {  	[sflag:s29] =	ssyncadd.s32 $0xFFFFFFFF  }
0xb5: {  	_ =	strace $0x90000048  }
0xb6: {  	_ =	sfence  }
0xb7: {  	s30 =	sld [smem:$0x0];
	_ =	sdelay $0x2  }
0xb8: {  	s31 =	sshll.u32 s1, $0xD;
	s1 =	sshrl.u32 s1, $0x2  }
0xb9: {  	s3 =	sand.u32 $0x4000, s31;
	s1 =	sadd.s32 s1, s30  }
0xba: {  	s0 =	sor.u32 s3, s0;
	s1 =	sshll.u32 s1, $0x11  }
0xbb: {  	s0 =	sor.u32 s1, s0  }
0xbc: {  	s0 =	sadd.s32 $0x8F2B, s0  }
0xbd: {  	[sflag:s0] =	ssyncadd.remote.s32 $0x1  }
0xbe: {  	_ =	sfence.sel $0xFFFF  }
0xbf: {  	[dreg:$0x0] =	wrdreg $0xFFFFFFFF;
	(pc) =	sbr.abs _section_cstart, $3  }
0xc0: {  	[dreg:$0x1] =	wrdreg $0xFFFFFFFF  }
0xc1: {  	_ =	task.clear_ibuf [dreg:s7], $0x2FFFF;
	_ =	strace $0x9FFFFFFF  }
0xc2: {  	(tm) =	ssettm $0x7FFFFFFF  }
0xc3: {  	_ =	shalt  }
tec
execute0_lowered:
.L_overlay_start_1:
0x0: {  	(tag) =	ssettag $0x1  }
0x1: {  	s4 =	rddreg [dreg:$0x0]  }
0x2: {  	s1 =	srdreg.scid;
	s0 =	stileid.u32  }
0x3: {  	s5 =	rddreg [dreg:$0x1];
	s10 =	simm.s32 $0x400;
	s11 =	simm.s32 $0x0  }
0x4: {  	s6 =	sand.u32 $0x1, s1;
	s2 =	sshll.u32 s0, $0x1;
	s1 =	rddreg [dreg:$0x2]  }
0x5: {  	s7 =	sshrl.u32 s0, $0x2;
	s3 =	sor.u32 s6, s2;
	s2 =	simm.s32 $0x0  }
0x6: {  	s7 =	smul.u32 $0x14000, s7;
	s6 =	ssub.s32 $0x2, s6;
	s8 =	sshll.u32 s3, $0x7  }
0x7: {  	[smem:$0x7FF] =	sst s2;
	s9 =	smul.u32 $0x2710, s3;
	s3 =	sadd.s32 $0x2800, s5  }
0x8: {  	s31 =	sshrl.u32 s6, $0x1;
	s8 =	sand.u32 $0x380, s8;
	_ =	strace $0x80000047  }
0x9: {  	s6 =	ssub.s32 s6, s31;
	s7 =	sor.u32 s7, s8;
	s30 =	sshrl.u32 s9, $0x3  }
0xa: {  	s6 =	smax.u32 s6, $0x1;
	s8 =	simm.s32 $0x1;
	s7 =	sshrl.u32 s7, $0x3  }
0xb: {  	s9 =	simm.s32 $0x80;
	s4 =	sadd.s32 s4, s30;
	s5 =	sadd.s32 s7, s5  }
0xc: {  	v0 =	vimm.f32 $1.000000000e+00;
	s4 =	sadd.s32 $0x9C40, s4;
	s7 =	simm.s32 $0x2780;
	s5 =	sadd.s32 $0x2E00, s5  }
.LBB2_1:
0xd: {  	[tilespmem:s7], [sflag:$0x1] =	stream.linear.gather [hbm4b:s3+s2], $0x2800, $0x38;
	[tilespmem:$0x4F80] =	vst v63  }
0xe: {  	_ =	swait.ge [sflag:s8], $0x2800  }
0xf: {  	[sflag:s8] =	ssyncset.done $0x0  }
0x10: {  	[sflag:s8] =	ssyncadd.s32 $0xFFFFD800  }
0x11: {  	[tilespmem:s2], [sflag:$0x1] =	stream.linear.gather [hbm4b:s4+s2], $0x2710, $0x38;
	[tilespmem:$0x4F80] =	vst v63  }
0x12: {  	_ =	swait.ge [sflag:s8], $0x2710  }
0x13: {  	[sflag:s8] =	ssyncset.done $0x0  }
0x14: {  	s13 =	simm.s32 $0x0;
	s12 =	simm.s32 $0x40;
	[sflag:s8] =	ssyncadd.s32 $0xFFFFD8F0  }
.LBB2_2:
0x15: {  	p0 =	sne.s32 s12, $0x9C00;
	v1 =	vld [tilespmem:s13+$0x0];
	_ =	sdelay $0x3  }
.Ltmp0:
0x16: {  	(pc) =	sbr.rel @p0 .LBB2_2-.Ltmp0, $2  }
0x17: {  	_ =	sdelay $0x2  }
0x18: {  	s13 =	sshra.s32 s12, $0x2;
	s12 =	sadd.s32 $0x40, s12;
	[tilespmem:v1+s7+$0x0] =	vst.idx.add.f32.msk $0xffff, v0  }
0x19: {  	v1 =	vld [tilespmem:s13+$0x0];
	_ =	sdelay $0x5  }
0x1a: {  	s11 =	sadd.s32 $0x1, s11  }
0x1b: {  	p0 =	sne.s32 s11, s6  }
.Ltmp1:
0x1c: {  	[tilespmem:v1+s7+$0x0] =	vst.idx.add.f32.msk $0xffff, v0;
	(pc) =	sbr.rel @p0 .LBB2_1-.Ltmp1, $4  }
0x1d: {  	[hbm4b:s5+s9] =	stream.strided.scatter [tilespmem:s7], [sflag:$0x1], $0x2800, s10, s9, $0x38;
	[tilespmem:$0x4F80] =	vst v63  }
0x1e: {  	_ =	swait.ge [sflag:s8], $0x2800  }
0x1f: {  	[sflag:s8] =	ssyncset.done $0x0  }
0x20: {  	[sflag:s8] =	ssyncadd.s32 $0xFFFFD800  }
0x21: {  	_ =	sfence.sel $0x180000  }
0x22: {  	[bflag:$0x0] =	sbarrier.arrive $0xFFFF  }
0x23: {  	p0 =	sne.s32 s0, $0x0;
	_ =	strace $0x90000047  }
0x24: {  	s0 =	sadd.s32 @!p0 $0x100000, s1;
	[bflag:$0x2] =	sbarrier.arrive $0xFFFF  }
0x25: {  	[sflag:s0] =	ssyncadd.tile.s32 @!p0 $0x1;
	_ =	shalt  }
.Lfunc_end2:
_tile_overlayer_lowered:
.L_overlay_start_2:
0x26: {  	(tag) =	ssettag $0x2  }
0x27: {  	s0 =	rddreg [dreg:$0x0];
	s2 =	stileid.u32  }
0x28: {  	s1 =	rddreg [dreg:$0x1];
	p0 =	sne.s32 s2, $0x0  }
0x29: {  	s3 =	rddreg [dreg:$0x2];
	[bflag:$0x3] =	sbarrier.arrive $0xFFFF;
	s2 =	simm.s32 @!p0 $0x1C01  }
0x2a: {  	[timem:s3], [sflag:s2] =	dma.local @!p0 [hbm:s0], s1  }
0x2b: {  	s0 =	simm.s32 @!p0 $0x1  }
0x2c: {  	_ =	swait.ge @!p0 [sflag:s0], s1  }
0x2d: {  	s1 =	ssub.s32 @!p0 $0x0, s1;
	[sflag:s0] =	ssyncset.done @!p0 $0x0  }
0x2e: {  	[sflag:s0] =	ssyncadd.s32 @!p0 s1  }
0x2f: {  	[bflag:$0x3] =	sbarrier.arrive $0xFFFF  }
0x30: {  	_ =	shalt  }

</sc_bundles>
